<compile_context>
chip_gen: v7x
topology: tpu7x:2x2x1
jax: 0.10.2.dev20260603
libtpu: 0.0.44.dev20260713+nightly
codegen_flags: <defaults>
</compile_context>

<pallas_src>
import functools

import jax
import jax.numpy as jnp
import numpy as np
from jax import lax
from jax.experimental import pallas as pl
from jax.experimental.pallas import tpu as pltpu
from jax.experimental.pallas import tpu_sc as plsc

BOUND = 0.1
BIN = 1e-4
KW = 1e-3
D = 16
EPS = 0.001
NUM_T = 10000
N = 2097152

NUM_CORES = 2
NUM_SUBCORES = 16
NW = NUM_CORES * NUM_SUBCORES
PER_W = N // NW
CHUNK = 8192
NPAIR = D // 2

DS = float(1.0 / (D - 1) + EPS)
EPS2 = float(EPS * EPS)
_R0 = float(1.0 / 0.06915)


def _conv_taps():
    kernel_slope = 0.5 * KW / BIN
    half_kernel = np.arange(1.0, 0.0, -1.0 / kernel_slope)
    k = np.concatenate([half_kernel[::-1], half_kernel[1:]])
    k /= np.sum(k)
    return k


_TAPS = _conv_taps()
_HALF = (len(_TAPS) - 1) // 2
_CONV_ONES = np.convolve(np.ones(NUM_T), _TAPS, mode="same").astype(np.float32)


def _tc_table_body(mp_ref, ones_ref, out_ref):
    m0 = BOUND * jnp.tanh(mp_ref[...])
    z = jnp.zeros((D, _HALF), jnp.float32)
    m = jnp.concatenate([z, m0, z], axis=1)
    acc = _TAPS[0] * m[:, 0:NUM_T]
    for k in range(1, len(_TAPS)):
        acc = acc + _TAPS[k] * m[:, k:k + NUM_T]
    sm = acc / ones_ref[...]
    sm = sm - jnp.mean(sm, axis=1, keepdims=True)
    lo = lax.bitcast_convert_type(sm[:NPAIR, :], jnp.uint32)
    hi = lax.bitcast_convert_type(sm[NPAIR:, :], jnp.uint32)
    lo = lo + jnp.uint32(0x7FFF) + ((lo >> 16) & jnp.uint32(1))
    hi = hi + jnp.uint32(0x7FFF) + ((hi >> 16) & jnp.uint32(1))
    packed = (hi & jnp.uint32(0xFFFF0000)) | (lo >> 16)
    out_ref[...] = lax.bitcast_convert_type(packed, jnp.int32)


def _build_table(motion):
    perm = jnp.array(
        [i for i in range(0, D, 2)] + [i for i in range(1, D, 2)], jnp.int32)
    ones = jnp.asarray(_CONV_ONES).reshape(1, NUM_T)
    return pl.pallas_call(
        _tc_table_body,
        out_shape=jax.ShapeDtypeStruct((NPAIR, NUM_T), jnp.int32),
    )(motion[perm], ones).reshape(-1)


NCH = PER_W // CHUNK


def _sc_body(table_hbm, times_hbm, depths_hbm, out_hbm, tab_v,
             ta_v, tb_v, da_v, db_v, oa_v, ob_v,
             sta, stb, sda, sdb, soa, sob):
    wid = lax.axis_index("s") * NUM_CORES + lax.axis_index("c")
    base = wid * PER_W
    t_bufs, d_bufs, o_bufs = (ta_v, tb_v), (da_v, db_v), (oa_v, ob_v)
    st, sd, so = (sta, stb), (sda, sdb), (soa, sob)

    pltpu.async_copy(times_hbm.at[pl.ds(base, CHUNK)], ta_v, sta)
    pltpu.async_copy(depths_hbm.at[pl.ds(base, CHUNK)], da_v, sda)
    pltpu.sync_copy(table_hbm, tab_v)

    def make_chunk_body(b):
      def chunk_body(ci, t_v, d_v, o_v):
        off = base + ci * CHUNK
        pltpu.make_async_copy(
            times_hbm.at[pl.ds(off, CHUNK)], t_v, st[b]).wait()
        pltpu.make_async_copy(
            depths_hbm.at[pl.ds(off, CHUNK)], d_v, sd[b]).wait()

        @pl.when(ci + 1 < NCH)
        def _prefetch():
            noff = base + (ci + 1) * CHUNK
            pltpu.async_copy(
                times_hbm.at[pl.ds(noff, CHUNK)], t_bufs[1 - b], st[1 - b])
            pltpu.async_copy(
                depths_hbm.at[pl.ds(noff, CHUNK)], d_bufs[1 - b], sd[1 - b])

        @pl.when(ci >= 2)
        def _drain_prev_out():
            pltpu.make_async_copy(
                o_v, out_hbm.at[pl.ds(off, CHUNK)], so[b]).wait()

        def do_group(i):
            sl = pl.ds(i * 16, 16)
            t = t_v[sl]
            d = d_v[sl]
            bins = (t * np.float32(1.0 / BIN)).astype(jnp.int32)
            j = (d * np.float32(D - 1)).astype(jnp.int32)
            q = jnp.minimum(jnp.maximum(j >> 1, jnp.int32(1)), jnp.int32(6))
            p0 = q - jnp.int32(1)
            idx0 = p0 * jnp.int32(NUM_T) + bins
            t0 = d - p0.astype(jnp.float32) * np.float32(2.0 / (D - 1))
            num = jnp.zeros((16,), jnp.float32)
            den = jnp.zeros((16,), jnp.float32)
            for k in range(3):
                x = plsc.load_gather(tab_v, [idx0 + jnp.int32(k * NUM_T)])
                ve = lax.bitcast_convert_type(x << 16, jnp.float32)
                vo = lax.bitcast_convert_type(
                    x & jnp.int32(-65536), jnp.float32)
                te = t0 - np.float32(k * 2.0 / (D - 1))
                to = te - np.float32(1.0 / (D - 1))
                ce = jnp.maximum(np.float32(DS) - jnp.abs(te), np.float32(0.0))
                co = jnp.maximum(np.float32(DS) - jnp.abs(to), np.float32(0.0))
                num = num + ce * ve + co * vo
                den = den + ce + co
            x = np.float32(EPS2) + den
            r = np.float32(_R0) * (np.float32(2.0) - x * np.float32(_R0))
            o_v[sl] = num * r

        def vec_body(i, c2):
            do_group(i * 4)
            do_group(i * 4 + 1)
            do_group(i * 4 + 2)
            do_group(i * 4 + 3)
            return c2

        lax.fori_loop(0, CHUNK // 64, vec_body, 0)
        pltpu.async_copy(o_v, out_hbm.at[pl.ds(off, CHUNK)], so[b])

      return chunk_body

    chunk_bodies = (make_chunk_body(0), make_chunk_body(1))

    def pair_body(g, carry):
        chunk_bodies[0](g * 2, ta_v, da_v, oa_v)
        chunk_bodies[1](g * 2 + 1, tb_v, db_v, ob_v)
        return carry

    lax.fori_loop(0, NCH // 2, pair_body, 0)
    for b in range(2):
        pltpu.make_async_copy(
            o_bufs[b], out_hbm.at[pl.ds(base, CHUNK)], so[b]).wait()


@functools.cache
def _sc_predict():
    return pl.kernel(
        _sc_body,
        out_type=jax.ShapeDtypeStruct((N,), jnp.float32),
        mesh=plsc.VectorSubcoreMesh(core_axis_name="c", subcore_axis_name="s",
                                    num_cores=NUM_CORES,
                                    num_subcores=NUM_SUBCORES),
        compiler_params=pltpu.CompilerParams(needs_layout_passes=False),
        scratch_types=(
            [pltpu.VMEM((NPAIR * NUM_T,), jnp.int32)]
            + [pltpu.VMEM((CHUNK,), jnp.float32) for _ in range(6)]
            + [pltpu.SemaphoreType.DMA for _ in range(6)]
        ),
    )


def kernel(times, depths, motion):
    table = _build_table(motion)
    return _sc_predict()(table, times, depths)

# --- scband reference (transcript-rebuilt; emitter-appended) ---
"""Pipeline reference for scband-motion-predictor-38671885533788 (READ-ONLY COPY).

The authoritative reference and input builder live on the scoring server;
editing this copy changes nothing except your own understanding.
"""

import jax, jax.numpy as jnp
import numpy as np

BOUND = 0.1
T0, T1 = 0.0, 1.0
BIN = 1e-4
KW = 1e-3
D = 16
EPS = 0.001
NUM_T = int(np.ceil((T1 - T0) / BIN))  # 10000
N = 2097152


def _kernel():
    kernel_slope = 0.5 * KW / BIN
    half_kernel = np.arange(1.0, 0.0, -1.0 / kernel_slope)
    kernel = np.concatenate([half_kernel[::-1], half_kernel[1:]])
    kernel /= np.sum(kernel)
    return jnp.asarray(kernel, jnp.float32)


def _smooth_motion(motion, kernel, conv_ones):
    # motion: [D, NUM_T]; kernel symmetric so convolve == cross-correlate
    m = BOUND * jnp.tanh(motion)
    sm = jax.vmap(lambda r: jnp.convolve(r, kernel, mode='same'))(m)
    sm = sm / conv_ones
    sm = sm - jax.lax.stop_gradient(jnp.mean(sm, axis=1, keepdims=True))
    return sm


def setup_inputs(seed: int = 0) -> dict:
    key = jax.random.key(seed)
    k1, k2, k3 = jax.random.split(key, 3)
    times = jax.random.uniform(k1, (N,), dtype=jnp.float32)
    depths = jax.random.uniform(k2, (N,), dtype=jnp.float32)
    # learned parameter (torch initializes to zeros; use small random so grads flow)
    motion = jax.random.normal(k3, (D, NUM_T), dtype=jnp.float32) * 0.1
    return {"times": times, "depths": depths, "motion": motion}


def reference(times, depths, motion):
    kernel = _kernel()
    conv_ones = jnp.convolve(jnp.ones((NUM_T,), jnp.float32), kernel, mode='same')
    depth_levels = jnp.linspace(0.0, 1.0, D).astype(jnp.float32)
    depth_smoothing = 1.0 / max(1, D - 1) + EPS
    eps2 = EPS * EPS

    sm = _smooth_motion(motion, kernel, conv_ones)  # [D, NUM_T]
    time_bins = jnp.floor((times - T0) / BIN).astype(jnp.int32)
    pred_motions = sm[:, time_bins]  # gather -> [D, N]
    diffs = jnp.abs(depths[None, :] - depth_levels[:, None])  # [D, N]
    coeffs = jax.nn.relu(depth_smoothing - diffs)
    coeffs = coeffs / (eps2 + jnp.sum(coeffs, axis=0, keepdims=True))
    pred = jnp.sum(pred_motions * coeffs, axis=0)  # [N]
    return pred

if __name__ == "__main__":
    import jax
    _d = setup_inputs()
    print(jax.jit(kernel)(*tuple(_d.values())))

</pallas_src>

<mosaic_0001>
#map = affine_map<(d0, d1) -> (0)>
module attributes {stable_mosaic.version = 14 : i64} {
  func.func @_sc_body(%arg0: i32, %arg1: i32, %arg2: memref<80000xi32, #tpu.memory_space<hbm>>, %arg3: memref<2097152xf32, #tpu.memory_space<hbm>>, %arg4: memref<2097152xf32, #tpu.memory_space<hbm>>, %arg5: memref<2097152xf32, #tpu.memory_space<hbm>>, %arg6: memref<80000xi32, #tpu.memory_space<vmem>>, %arg7: memref<8192xf32, #tpu.memory_space<vmem>>, %arg8: memref<8192xf32, #tpu.memory_space<vmem>>, %arg9: memref<8192xf32, #tpu.memory_space<vmem>>, %arg10: memref<8192xf32, #tpu.memory_space<vmem>>, %arg11: memref<8192xf32, #tpu.memory_space<vmem>>, %arg12: memref<8192xf32, #tpu.memory_space<vmem>>, %arg13: memref<!tpu.dma_semaphore, #tpu.memory_space<semaphore_mem>>, %arg14: memref<!tpu.dma_semaphore, #tpu.memory_space<semaphore_mem>>, %arg15: memref<!tpu.dma_semaphore, #tpu.memory_space<semaphore_mem>>, %arg16: memref<!tpu.dma_semaphore, #tpu.memory_space<semaphore_mem>>, %arg17: memref<!tpu.dma_semaphore, #tpu.memory_space<semaphore_mem>>, %arg18: memref<!tpu.dma_semaphore, #tpu.memory_space<semaphore_mem>>) attributes {dimension_semantics = [#tpu.dimension_semantics<core_parallel>, #tpu.dimension_semantics<subcore_parallel>], iteration_bounds = array<i64: 2, 16>, scalar_prefetch = 0 : i64, scratch_operands = 13 : i64, tpu.core_type = #tpu.core_type<sc_vector_subcore>, window_params = [{transform_indices = #map}, {transform_indices = #map}, {transform_indices = #map}, {transform_indices = #map}]} {
    %mul3A = arith.constant 2 : i32
    %mul3A_0 = arith.muli %arg1, %mul3A : i32
    %add3A = arith.addi %mul3A_0, %arg0 : i32
    %mul3A_1 = arith.constant 65536 : i32
    %mul3A_2 = arith.muli %add3A, %mul3A_1 : i32
    %dma_start3A = tpu.memref_slice %arg3[%mul3A_2] : memref<2097152xf32, #tpu.memory_space<hbm>> -> memref<8192xf32, #tpu.memory_space<hbm>>
    %dma_start3A_3 = tpu.memref_slice %arg3[%mul3A_2] : memref<2097152xf32, #tpu.memory_space<hbm>> -> memref<8192xf32, #tpu.memory_space<hbm>>
    tpu.enqueue_dma source(%dma_start3A_3 : memref<8192xf32, #tpu.memory_space<hbm>>) target(%arg7 : memref<8192xf32, #tpu.memory_space<vmem>>) target_semaphore(%arg13 : memref<!tpu.dma_semaphore, #tpu.memory_space<semaphore_mem>>)
    %dma_start3A_4 = tpu.memref_slice %arg4[%mul3A_2] : memref<2097152xf32, #tpu.memory_space<hbm>> -> memref<8192xf32, #tpu.memory_space<hbm>>
    %dma_start3A_5 = tpu.memref_slice %arg4[%mul3A_2] : memref<2097152xf32, #tpu.memory_space<hbm>> -> memref<8192xf32, #tpu.memory_space<hbm>>
    tpu.enqueue_dma source(%dma_start3A_5 : memref<8192xf32, #tpu.memory_space<hbm>>) target(%arg9 : memref<8192xf32, #tpu.memory_space<vmem>>) target_semaphore(%arg15 : memref<!tpu.dma_semaphore, #tpu.memory_space<semaphore_mem>>)
    "tpu.region"() ({
      %run_scoped3A = tpu.sem_alloc : memref<!tpu.dma_semaphore, #tpu.memory_space<semaphore_mem>>
      tpu.enqueue_dma source(%arg2 : memref<80000xi32, #tpu.memory_space<hbm>>) target(%arg6 : memref<80000xi32, #tpu.memory_space<vmem>>) target_semaphore(%run_scoped3A : memref<!tpu.dma_semaphore, #tpu.memory_space<semaphore_mem>>)
      tpu.wait_dma2 semaphore(%run_scoped3A : memref<!tpu.dma_semaphore, #tpu.memory_space<semaphore_mem>>) src(%arg2 : memref<80000xi32, #tpu.memory_space<hbm>>) dst(%arg6 : memref<80000xi32, #tpu.memory_space<vmem>>)
      tpu.yield
    }) : () -> ()
    %scan3A = arith.constant 0 : i32
    %scan3A_6 = arith.constant 0 : i32
    %scan3A_7 = arith.constant 4 : i32
    %scan3A_8 = arith.addi %scan3A_6, %scan3A_7 : i32
    %scan3A_9 = arith.constant 1 : i32
    scf.for %scan3A_14 = %scan3A_6 to %scan3A_8 step %scan3A_9  : i32 {
      %mul3A_15 = arith.constant 2 : i32
      %mul3A_16 = arith.muli %scan3A_14, %mul3A_15 : i32
      %mul3A_17 = arith.constant 8192 : i32
      %mul3A_18 = arith.muli %mul3A_16, %mul3A_17 : i32
      %add3A_19 = arith.addi %mul3A_2, %mul3A_18 : i32
      %dma_wait3A_20 = tpu.memref_slice %arg3[%add3A_19] : memref<2097152xf32, #tpu.memory_space<hbm>> -> memref<8192xf32, #tpu.memory_space<hbm>>
      %dma_wait3A_21 = tpu.memref_slice %arg3[%add3A_19] : memref<2097152xf32, #tpu.memory_space<hbm>> -> memref<8192xf32, #tpu.memory_space<hbm>>
      tpu.wait_dma2 semaphore(%arg13 : memref<!tpu.dma_semaphore, #tpu.memory_space<semaphore_mem>>) src(%dma_wait3A_21 : memref<8192xf32, #tpu.memory_space<hbm>>) dst(%arg7 : memref<8192xf32, #tpu.memory_space<vmem>>)
      %dma_wait3A_22 = tpu.memref_slice %arg4[%add3A_19] : memref<2097152xf32, #tpu.memory_space<hbm>> -> memref<8192xf32, #tpu.memory_space<hbm>>
      %dma_wait3A_23 = tpu.memref_slice %arg4[%add3A_19] : memref<2097152xf32, #tpu.memory_space<hbm>> -> memref<8192xf32, #tpu.memory_space<hbm>>
      tpu.wait_dma2 semaphore(%arg15 : memref<!tpu.dma_semaphore, #tpu.memory_space<semaphore_mem>>) src(%dma_wait3A_23 : memref<8192xf32, #tpu.memory_space<hbm>>) dst(%arg9 : memref<8192xf32, #tpu.memory_space<vmem>>)
      %add3A_24 = arith.constant 1 : i32
      %add3A_25 = arith.addi %mul3A_16, %add3A_24 : i32
      %lt3A = arith.constant 8 : i32
      %lt3A_26 = arith.cmpi slt, %add3A_25, %lt3A : i32
      %convert_element_type3A = arith.extui %lt3A_26 : i1 to i32
      %cond3A = arith.constant 0 : i32
      %cond3A_27 = arith.cmpi ne, %convert_element_type3A, %cond3A : i32
      scf.if %cond3A_27 {
        %add3A_71 = arith.constant 1 : i32
        %add3A_72 = arith.addi %mul3A_16, %add3A_71 : i32
        %mul3A_73 = arith.constant 8192 : i32
        %mul3A_74 = arith.muli %add3A_72, %mul3A_73 : i32
        %add3A_75 = arith.addi %mul3A_2, %mul3A_74 : i32
        %dma_start3A_76 = tpu.memref_slice %arg3[%add3A_75] : memref<2097152xf32, #tpu.memory_space<hbm>> -> memref<8192xf32, #tpu.memory_space<hbm>>
        %dma_start3A_77 = tpu.memref_slice %arg3[%add3A_75] : memref<2097152xf32, #tpu.memory_space<hbm>> -> memref<8192xf32, #tpu.memory_space<hbm>>
        tpu.enqueue_dma source(%dma_start3A_77 : memref<8192xf32, #tpu.memory_space<hbm>>) target(%arg8 : memref<8192xf32, #tpu.memory_space<vmem>>) target_semaphore(%arg14 : memref<!tpu.dma_semaphore, #tpu.memory_space<semaphore_mem>>)
        %dma_start3A_78 = tpu.memref_slice %arg4[%add3A_75] : memref<2097152xf32, #tpu.memory_space<hbm>> -> memref<8192xf32, #tpu.memory_space<hbm>>
        %dma_start3A_79 = tpu.memref_slice %arg4[%add3A_75] : memref<2097152xf32, #tpu.memory_space<hbm>> -> memref<8192xf32, #tpu.memory_space<hbm>>
        tpu.enqueue_dma source(%dma_start3A_79 : memref<8192xf32, #tpu.memory_space<hbm>>) target(%arg10 : memref<8192xf32, #tpu.memory_space<vmem>>) target_semaphore(%arg16 : memref<!tpu.dma_semaphore, #tpu.memory_space<semaphore_mem>>)
      } else {
      }
      %ge3A = arith.constant 2 : i32
      %ge3A_28 = arith.cmpi sge, %mul3A_16, %ge3A : i32
      %convert_element_type3A_29 = arith.extui %ge3A_28 : i1 to i32
      %cond3A_30 = arith.constant 0 : i32
      %cond3A_31 = arith.cmpi ne, %convert_element_type3A_29, %cond3A_30 : i32
      scf.if %cond3A_31 {
        %dma_wait3A_71 = tpu.memref_slice %arg5[%add3A_19] : memref<2097152xf32, #tpu.memory_space<hbm>> -> memref<8192xf32, #tpu.memory_space<hbm>>
        %dma_wait3A_72 = tpu.memref_slice %arg5[%add3A_19] : memref<2097152xf32, #tpu.memory_space<hbm>> -> memref<8192xf32, #tpu.memory_space<hbm>>
        tpu.wait_dma2 semaphore(%arg17 : memref<!tpu.dma_semaphore, #tpu.memory_space<semaphore_mem>>) src(%arg11 : memref<8192xf32, #tpu.memory_space<vmem>>) dst(%dma_wait3A_72 : memref<8192xf32, #tpu.memory_space<hbm>>)
      } else {
      }
      %scan3A_32 = arith.constant 0 : i32
      %scan3A_33 = arith.constant 0 : i32
      %scan3A_34 = arith.constant 128 : i32
      %scan3A_35 = arith.addi %scan3A_33, %scan3A_34 : i32
      %scan3A_36 = arith.constant 1 : i32
      scf.for %scan3A_71 = %scan3A_33 to %scan3A_35 step %scan3A_36  : i32 {
        %mul3A_72 = arith.constant 4 : i32
        %mul3A_73 = arith.muli %scan3A_71, %mul3A_72 : i32
        %mul3A_74 = arith.constant 16 : i32
        %mul3A_75 = arith.muli %mul3A_73, %mul3A_74 : i32
        %get3A = arith.index_cast %mul3A_75 : i32 to index
        %get3A_76 = tpu.vector_load %arg7[%get3A] {strides = array<i32>} : memref<8192xf32, #tpu.memory_space<vmem>>, vector<16xf32>,
        %get3A_77 = arith.index_cast %mul3A_75 : i32 to index
        %get3A_78 = tpu.vector_load %arg9[%get3A_77] {strides = array<i32>} : memref<8192xf32, #tpu.memory_space<vmem>>, vector<16xf32>,
        %mul3A_79 = arith.constant 1.000000e+04 : f32
        %mul3A_80 = vector.broadcast %mul3A_79 : f32 to vector<16xf32>
        %mul3A_81 = arith.mulf %get3A_76, %mul3A_80 : vector<16xf32>
        %convert_element_type3A_82 = arith.fptosi %mul3A_81 : vector<16xf32> to vector<16xi32>
        %mul3A_83 = arith.constant 1.500000e+01 : f32
        %mul3A_84 = vector.broadcast %mul3A_83 : f32 to vector<16xf32>
        %mul3A_85 = arith.mulf %get3A_78, %mul3A_84 : vector<16xf32>
        %convert_element_type3A_86 = arith.fptosi %mul3A_85 : vector<16xf32> to vector<16xi32>
        %shift_right_arithmetic3A = arith.constant 1 : i32
        %shift_right_arithmetic3A_87 = vector.broadcast %shift_right_arithmetic3A : i32 to vector<16xi32>
        %shift_right_arithmetic3A_88 = arith.shrsi %convert_element_type3A_86, %shift_right_arithmetic3A_87 : vector<16xi32>
        %max3A = arith.constant 1 : i32
        %max3A_89 = vector.broadcast %max3A : i32 to vector<16xi32>
        %max3A_90 = arith.maxsi %shift_right_arithmetic3A_88, %max3A_89 : vector<16xi32>
        %min3A = arith.constant 6 : i32
        %min3A_91 = vector.broadcast %min3A : i32 to vector<16xi32>
        %min3A_92 = arith.minsi %max3A_90, %min3A_91 : vector<16xi32>
        %sub3A = arith.constant 1 : i32
        %sub3A_93 = vector.broadcast %sub3A : i32 to vector<16xi32>
        %sub3A_94 = arith.subi %min3A_92, %sub3A_93 : vector<16xi32>
        %mul3A_95 = arith.constant 10000 : i32
        %mul3A_96 = vector.broadcast %mul3A_95 : i32 to vector<16xi32>
        %mul3A_97 = arith.muli %sub3A_94, %mul3A_96 : vector<16xi32>
        %add3A_98 = arith.addi %mul3A_97, %convert_element_type3A_82 : vector<16xi32>
        %convert_element_type3A_99 = arith.sitofp %sub3A_94 : vector<16xi32> to vector<16xf32>
        %mul3A_100 = arith.constant 0.13333334 : f32
        %mul3A_101 = vector.broadcast %mul3A_100 : f32 to vector<16xf32>
        %mul3A_102 = arith.mulf %convert_element_type3A_99, %mul3A_101 : vector<16xf32>
        %sub3A_103 = arith.subf %get3A_78, %mul3A_102 : vector<16xf32>
        %broadcast_in_dim3A = arith.constant 0.000000e+00 : f32
        %broadcast_in_dim3A_104 = vector.broadcast %broadcast_in_dim3A : f32 to vector<16xf32>
        %broadcast_in_dim3A_105 = arith.constant 0.000000e+00 : f32
        %broadcast_in_dim3A_106 = vector.broadcast %broadcast_in_dim3A_105 : f32 to vector<16xf32>
        %add3A_107 = arith.constant 0 : i32
        %add3A_108 = vector.broadcast %add3A_107 : i32 to vector<16xi32>
        %add3A_109 = arith.addi %add3A_98, %add3A_108 : vector<16xi32>
        %gather3A = tpu.vector_load_idx %arg6[%add3A_109] : memref<80000xi32, #tpu.memory_space<vmem>>[vector<16xi32>], vector<16xi32>,
        %shift_left3A = arith.constant 16 : i32
        %shift_left3A_110 = vector.broadcast %shift_left3A : i32 to vector<16xi32>
        %shift_left3A_111 = arith.shli %gather3A, %shift_left3A_110 : vector<16xi32>
        %bitcast_convert_type3A = tpu.bitcast %shift_left3A_111 : vector<16xi32> -> vector<16xf32>
        %and3A = arith.constant -65536 : i32
        %and3A_112 = vector.broadcast %and3A : i32 to vector<16xi32>
        %and3A_113 = arith.andi %gather3A, %and3A_112 : vector<16xi32>
        %bitcast_convert_type3A_114 = tpu.bitcast %and3A_113 : vector<16xi32> -> vector<16xf32>
        %sub3A_115 = arith.constant 0.000000e+00 : f32
        %sub3A_116 = vector.broadcast %sub3A_115 : f32 to vector<16xf32>
        %sub3A_117 = arith.subf %sub3A_103, %sub3A_116 : vector<16xf32>
        %sub3A_118 = arith.constant 0.0666666701 : f32
        %sub3A_119 = vector.broadcast %sub3A_118 : f32 to vector<16xf32>
        %sub3A_120 = arith.subf %sub3A_117, %sub3A_119 : vector<16xf32>
        %abs3A = math.absf %sub3A_117 : vector<16xf32>
        %sub3A_121 = arith.constant 0.0676666647 : f32
        %sub3A_122 = vector.broadcast %sub3A_121 : f32 to vector<16xf32>
        %sub3A_123 = arith.subf %sub3A_122, %abs3A : vector<16xf32>
        %max3A_124 = arith.constant 0.000000e+00 : f32
        %max3A_125 = vector.broadcast %max3A_124 : f32 to vector<16xf32>
        %max3A_126 = arith.maximumf %sub3A_123, %max3A_125 : vector<16xf32>
        %abs3A_127 = math.absf %sub3A_120 : vector<16xf32>
        %sub3A_128 = arith.constant 0.0676666647 : f32
        %sub3A_129 = vector.broadcast %sub3A_128 : f32 to vector<16xf32>
        %sub3A_130 = arith.subf %sub3A_129, %abs3A_127 : vector<16xf32>
        %max3A_131 = arith.constant 0.000000e+00 : f32
        %max3A_132 = vector.broadcast %max3A_131 : f32 to vector<16xf32>
        %max3A_133 = arith.maximumf %sub3A_130, %max3A_132 : vector<16xf32>
        %mul3A_134 = arith.mulf %max3A_126, %bitcast_convert_type3A : vector<16xf32>
        %add3A_135 = arith.addf %broadcast_in_dim3A_104, %mul3A_134 : vector<16xf32>
        %mul3A_136 = arith.mulf %max3A_133, %bitcast_convert_type3A_114 : vector<16xf32>
        %add3A_137 = arith.addf %add3A_135, %mul3A_136 : vector<16xf32>
        %add3A_138 = arith.addf %broadcast_in_dim3A_106, %max3A_126 : vector<16xf32>
        %add3A_139 = arith.addf %add3A_138, %max3A_133 : vector<16xf32>
        %add3A_140 = arith.constant 10000 : i32
        %add3A_141 = vector.broadcast %add3A_140 : i32 to vector<16xi32>
        %add3A_142 = arith.addi %add3A_98, %add3A_141 : vector<16xi32>
        %gather3A_143 = tpu.vector_load_idx %arg6[%add3A_142] : memref<80000xi32, #tpu.memory_space<vmem>>[vector<16xi32>], vector<16xi32>,
        %shift_left3A_144 = arith.constant 16 : i32
        %shift_left3A_145 = vector.broadcast %shift_left3A_144 : i32 to vector<16xi32>
        %shift_left3A_146 = arith.shli %gather3A_143, %shift_left3A_145 : vector<16xi32>
        %bitcast_convert_type3A_147 = tpu.bitcast %shift_left3A_146 : vector<16xi32> -> vector<16xf32>
        %and3A_148 = arith.constant -65536 : i32
        %and3A_149 = vector.broadcast %and3A_148 : i32 to vector<16xi32>
        %and3A_150 = arith.andi %gather3A_143, %and3A_149 : vector<16xi32>
        %bitcast_convert_type3A_151 = tpu.bitcast %and3A_150 : vector<16xi32> -> vector<16xf32>
        %sub3A_152 = arith.constant 0.13333334 : f32
        %sub3A_153 = vector.broadcast %sub3A_152 : f32 to vector<16xf32>
        %sub3A_154 = arith.subf %sub3A_103, %sub3A_153 : vector<16xf32>
        %sub3A_155 = arith.constant 0.0666666701 : f32
        %sub3A_156 = vector.broadcast %sub3A_155 : f32 to vector<16xf32>
        %sub3A_157 = arith.subf %sub3A_154, %sub3A_156 : vector<16xf32>
        %abs3A_158 = math.absf %sub3A_154 : vector<16xf32>
        %sub3A_159 = arith.constant 0.0676666647 : f32
        %sub3A_160 = vector.broadcast %sub3A_159 : f32 to vector<16xf32>
        %sub3A_161 = arith.subf %sub3A_160, %abs3A_158 : vector<16xf32>
        %max3A_162 = arith.constant 0.000000e+00 : f32
        %max3A_163 = vector.broadcast %max3A_162 : f32 to vector<16xf32>
        %max3A_164 = arith.maximumf %sub3A_161, %max3A_163 : vector<16xf32>
        %abs3A_165 = math.absf %sub3A_157 : vector<16xf32>
        %sub3A_166 = arith.constant 0.0676666647 : f32
        %sub3A_167 = vector.broadcast %sub3A_166 : f32 to vector<16xf32>
        %sub3A_168 = arith.subf %sub3A_167, %abs3A_165 : vector<16xf32>
        %max3A_169 = arith.constant 0.000000e+00 : f32
        %max3A_170 = vector.broadcast %max3A_169 : f32 to vector<16xf32>
        %max3A_171 = arith.maximumf %sub3A_168, %max3A_170 : vector<16xf32>
        %mul3A_172 = arith.mulf %max3A_164, %bitcast_convert_type3A_147 : vector<16xf32>
        %add3A_173 = arith.addf %add3A_137, %mul3A_172 : vector<16xf32>
        %mul3A_174 = arith.mulf %max3A_171, %bitcast_convert_type3A_151 : vector<16xf32>
        %add3A_175 = arith.addf %add3A_173, %mul3A_174 : vector<16xf32>
        %add3A_176 = arith.addf %add3A_139, %max3A_164 : vector<16xf32>
        %add3A_177 = arith.addf %add3A_176, %max3A_171 : vector<16xf32>
        %add3A_178 = arith.constant 20000 : i32
        %add3A_179 = vector.broadcast %add3A_178 : i32 to vector<16xi32>
        %add3A_180 = arith.addi %add3A_98, %add3A_179 : vector<16xi32>
        %gather3A_181 = tpu.vector_load_idx %arg6[%add3A_180] : memref<80000xi32, #tpu.memory_space<vmem>>[vector<16xi32>], vector<16xi32>,
        %shift_left3A_182 = arith.constant 16 : i32
        %shift_left3A_183 = vector.broadcast %shift_left3A_182 : i32 to vector<16xi32>
        %shift_left3A_184 = arith.shli %gather3A_181, %shift_left3A_183 : vector<16xi32>
        %bitcast_convert_type3A_185 = tpu.bitcast %shift_left3A_184 : vector<16xi32> -> vector<16xf32>
        %and3A_186 = arith.constant -65536 : i32
        %and3A_187 = vector.broadcast %and3A_186 : i32 to vector<16xi32>
        %and3A_188 = arith.andi %gather3A_181, %and3A_187 : vector<16xi32>
        %bitcast_convert_type3A_189 = tpu.bitcast %and3A_188 : vector<16xi32> -> vector<16xf32>
        %sub3A_190 = arith.constant 0.266666681 : f32
        %sub3A_191 = vector.broadcast %sub3A_190 : f32 to vector<16xf32>
        %sub3A_192 = arith.subf %sub3A_103, %sub3A_191 : vector<16xf32>
        %sub3A_193 = arith.constant 0.0666666701 : f32
        %sub3A_194 = vector.broadcast %sub3A_193 : f32 to vector<16xf32>
        %sub3A_195 = arith.subf %sub3A_192, %sub3A_194 : vector<16xf32>
        %abs3A_196 = math.absf %sub3A_192 : vector<16xf32>
        %sub3A_197 = arith.constant 0.0676666647 : f32
        %sub3A_198 = vector.broadcast %sub3A_197 : f32 to vector<16xf32>
        %sub3A_199 = arith.subf %sub3A_198, %abs3A_196 : vector<16xf32>
        %max3A_200 = arith.constant 0.000000e+00 : f32
        %max3A_201 = vector.broadcast %max3A_200 : f32 to vector<16xf32>
        %max3A_202 = arith.maximumf %sub3A_199, %max3A_201 : vector<16xf32>
        %abs3A_203 = math.absf %sub3A_195 : vector<16xf32>
        %sub3A_204 = arith.constant 0.0676666647 : f32
        %sub3A_205 = vector.broadcast %sub3A_204 : f32 to vector<16xf32>
        %sub3A_206 = arith.subf %sub3A_205, %abs3A_203 : vector<16xf32>
        %max3A_207 = arith.constant 0.000000e+00 : f32
        %max3A_208 = vector.broadcast %max3A_207 : f32 to vector<16xf32>
        %max3A_209 = arith.maximumf %sub3A_206, %max3A_208 : vector<16xf32>
        %mul3A_210 = arith.mulf %max3A_202, %bitcast_convert_type3A_185 : vector<16xf32>
        %add3A_211 = arith.addf %add3A_175, %mul3A_210 : vector<16xf32>
        %mul3A_212 = arith.mulf %max3A_209, %bitcast_convert_type3A_189 : vector<16xf32>
        %add3A_213 = arith.addf %add3A_211, %mul3A_212 : vector<16xf32>
        %add3A_214 = arith.addf %add3A_177, %max3A_202 : vector<16xf32>
        %add3A_215 = arith.addf %add3A_214, %max3A_209 : vector<16xf32>
        %add3A_216 = arith.constant 9.99999997E-7 : f32
        %add3A_217 = vector.broadcast %add3A_216 : f32 to vector<16xf32>
        %add3A_218 = arith.addf %add3A_217, %add3A_215 : vector<16xf32>
        %mul3A_219 = arith.constant 14.4613161 : f32
        %mul3A_220 = vector.broadcast %mul3A_219 : f32 to vector<16xf32>
        %mul3A_221 = arith.mulf %add3A_218, %mul3A_220 : vector<16xf32>
        %sub3A_222 = arith.constant 2.000000e+00 : f32
        %sub3A_223 = vector.broadcast %sub3A_222 : f32 to vector<16xf32>
        %sub3A_224 = arith.subf %sub3A_223, %mul3A_221 : vector<16xf32>
        %mul3A_225 = arith.constant 14.4613161 : f32
        %mul3A_226 = vector.broadcast %mul3A_225 : f32 to vector<16xf32>
        %mul3A_227 = arith.mulf %mul3A_226, %sub3A_224 : vector<16xf32>
        %mul3A_228 = arith.mulf %add3A_213, %mul3A_227 : vector<16xf32>
        %swap3A = arith.index_cast %mul3A_75 : i32 to index
        %swap3A_229 = tpu.vector_load %arg11[%swap3A] {strides = array<i32>} : memref<8192xf32, #tpu.memory_space<vmem>>, vector<16xf32>,
        tpu.vector_store %arg11[%swap3A], %mul3A_228 {strides = array<i32>} : memref<8192xf32, #tpu.memory_space<vmem>>, vector<16xf32>,
        %mul3A_230 = arith.constant 4 : i32
        %mul3A_231 = arith.muli %scan3A_71, %mul3A_230 : i32
        %add3A_232 = arith.constant 1 : i32
        %add3A_233 = arith.addi %mul3A_231, %add3A_232 : i32
        %mul3A_234 = arith.constant 16 : i32
        %mul3A_235 = arith.muli %add3A_233, %mul3A_234 : i32
        %get3A_236 = arith.index_cast %mul3A_235 : i32 to index
        %get3A_237 = tpu.vector_load %arg7[%get3A_236] {strides = array<i32>} : memref<8192xf32, #tpu.memory_space<vmem>>, vector<16xf32>,
        %get3A_238 = arith.index_cast %mul3A_235 : i32 to index
        %get3A_239 = tpu.vector_load %arg9[%get3A_238] {strides = array<i32>} : memref<8192xf32, #tpu.memory_space<vmem>>, vector<16xf32>,
        %mul3A_240 = arith.constant 1.000000e+04 : f32
        %mul3A_241 = vector.broadcast %mul3A_240 : f32 to vector<16xf32>
        %mul3A_242 = arith.mulf %get3A_237, %mul3A_241 : vector<16xf32>
        %convert_element_type3A_243 = arith.fptosi %mul3A_242 : vector<16xf32> to vector<16xi32>
        %mul3A_244 = arith.constant 1.500000e+01 : f32
        %mul3A_245 = vector.broadcast %mul3A_244 : f32 to vector<16xf32>
        %mul3A_246 = arith.mulf %get3A_239, %mul3A_245 : vector<16xf32>
        %convert_element_type3A_247 = arith.fptosi %mul3A_246 : vector<16xf32> to vector<16xi32>
        %shift_right_arithmetic3A_248 = arith.constant 1 : i32
        %shift_right_arithmetic3A_249 = vector.broadcast %shift_right_arithmetic3A_248 : i32 to vector<16xi32>
        %shift_right_arithmetic3A_250 = arith.shrsi %convert_element_type3A_247, %shift_right_arithmetic3A_249 : vector<16xi32>
        %max3A_251 = arith.constant 1 : i32
        %max3A_252 = vector.broadcast %max3A_251 : i32 to vector<16xi32>
        %max3A_253 = arith.maxsi %shift_right_arithmetic3A_250, %max3A_252 : vector<16xi32>
        %min3A_254 = arith.constant 6 : i32
        %min3A_255 = vector.broadcast %min3A_254 : i32 to vector<16xi32>
        %min3A_256 = arith.minsi %max3A_253, %min3A_255 : vector<16xi32>
        %sub3A_257 = arith.constant 1 : i32
        %sub3A_258 = vector.broadcast %sub3A_257 : i32 to vector<16xi32>
        %sub3A_259 = arith.subi %min3A_256, %sub3A_258 : vector<16xi32>
        %mul3A_260 = arith.constant 10000 : i32
        %mul3A_261 = vector.broadcast %mul3A_260 : i32 to vector<16xi32>
        %mul3A_262 = arith.muli %sub3A_259, %mul3A_261 : vector<16xi32>
        %add3A_263 = arith.addi %mul3A_262, %convert_element_type3A_243 : vector<16xi32>
        %convert_element_type3A_264 = arith.sitofp %sub3A_259 : vector<16xi32> to vector<16xf32>
        %mul3A_265 = arith.constant 0.13333334 : f32
        %mul3A_266 = vector.broadcast %mul3A_265 : f32 to vector<16xf32>
        %mul3A_267 = arith.mulf %convert_element_type3A_264, %mul3A_266 : vector<16xf32>
        %sub3A_268 = arith.subf %get3A_239, %mul3A_267 : vector<16xf32>
        %broadcast_in_dim3A_269 = arith.constant 0.000000e+00 : f32
        %broadcast_in_dim3A_270 = vector.broadcast %broadcast_in_dim3A_269 : f32 to vector<16xf32>
        %broadcast_in_dim3A_271 = arith.constant 0.000000e+00 : f32
        %broadcast_in_dim3A_272 = vector.broadcast %broadcast_in_dim3A_271 : f32 to vector<16xf32>
        %add3A_273 = arith.constant 0 : i32
        %add3A_274 = vector.broadcast %add3A_273 : i32 to vector<16xi32>
        %add3A_275 = arith.addi %add3A_263, %add3A_274 : vector<16xi32>
        %gather3A_276 = tpu.vector_load_idx %arg6[%add3A_275] : memref<80000xi32, #tpu.memory_space<vmem>>[vector<16xi32>], vector<16xi32>,
        %shift_left3A_277 = arith.constant 16 : i32
        %shift_left3A_278 = vector.broadcast %shift_left3A_277 : i32 to vector<16xi32>
        %shift_left3A_279 = arith.shli %gather3A_276, %shift_left3A_278 : vector<16xi32>
        %bitcast_convert_type3A_280 = tpu.bitcast %shift_left3A_279 : vector<16xi32> -> vector<16xf32>
        %and3A_281 = arith.constant -65536 : i32
        %and3A_282 = vector.broadcast %and3A_281 : i32 to vector<16xi32>
        %and3A_283 = arith.andi %gather3A_276, %and3A_282 : vector<16xi32>
        %bitcast_convert_type3A_284 = tpu.bitcast %and3A_283 : vector<16xi32> -> vector<16xf32>
        %sub3A_285 = arith.constant 0.000000e+00 : f32
        %sub3A_286 = vector.broadcast %sub3A_285 : f32 to vector<16xf32>
        %sub3A_287 = arith.subf %sub3A_268, %sub3A_286 : vector<16xf32>
        %sub3A_288 = arith.constant 0.0666666701 : f32
        %sub3A_289 = vector.broadcast %sub3A_288 : f32 to vector<16xf32>
        %sub3A_290 = arith.subf %sub3A_287, %sub3A_289 : vector<16xf32>
        %abs3A_291 = math.absf %sub3A_287 : vector<16xf32>
        %sub3A_292 = arith.constant 0.0676666647 : f32
        %sub3A_293 = vector.broadcast %sub3A_292 : f32 to vector<16xf32>
        %sub3A_294 = arith.subf %sub3A_293, %abs3A_291 : vector<16xf32>
        %max3A_295 = arith.constant 0.000000e+00 : f32
        %max3A_296 = vector.broadcast %max3A_295 : f32 to vector<16xf32>
        %max3A_297 = arith.maximumf %sub3A_294, %max3A_296 : vector<16xf32>
        %abs3A_298 = math.absf %sub3A_290 : vector<16xf32>
        %sub3A_299 = arith.constant 0.0676666647 : f32
        %sub3A_300 = vector.broadcast %sub3A_299 : f32 to vector<16xf32>
        %sub3A_301 = arith.subf %sub3A_300, %abs3A_298 : vector<16xf32>
        %max3A_302 = arith.constant 0.000000e+00 : f32
        %max3A_303 = vector.broadcast %max3A_302 : f32 to vector<16xf32>
        %max3A_304 = arith.maximumf %sub3A_301, %max3A_303 : vector<16xf32>
        %mul3A_305 = arith.mulf %max3A_297, %bitcast_convert_type3A_280 : vector<16xf32>
        %add3A_306 = arith.addf %broadcast_in_dim3A_270, %mul3A_305 : vector<16xf32>
        %mul3A_307 = arith.mulf %max3A_304, %bitcast_convert_type3A_284 : vector<16xf32>
        %add3A_308 = arith.addf %add3A_306, %mul3A_307 : vector<16xf32>
        %add3A_309 = arith.addf %broadcast_in_dim3A_272, %max3A_297 : vector<16xf32>
        %add3A_310 = arith.addf %add3A_309, %max3A_304 : vector<16xf32>
        %add3A_311 = arith.constant 10000 : i32
        %add3A_312 = vector.broadcast %add3A_311 : i32 to vector<16xi32>
        %add3A_313 = arith.addi %add3A_263, %add3A_312 : vector<16xi32>
        %gather3A_314 = tpu.vector_load_idx %arg6[%add3A_313] : memref<80000xi32, #tpu.memory_space<vmem>>[vector<16xi32>], vector<16xi32>,
        %shift_left3A_315 = arith.constant 16 : i32
        %shift_left3A_316 = vector.broadcast %shift_left3A_315 : i32 to vector<16xi32>
        %shift_left3A_317 = arith.shli %gather3A_314, %shift_left3A_316 : vector<16xi32>
        %bitcast_convert_type3A_318 = tpu.bitcast %shift_left3A_317 : vector<16xi32> -> vector<16xf32>
        %and3A_319 = arith.constant -65536 : i32
        %and3A_320 = vector.broadcast %and3A_319 : i32 to vector<16xi32>
        %and3A_321 = arith.andi %gather3A_314, %and3A_320 : vector<16xi32>
        %bitcast_convert_type3A_322 = tpu.bitcast %and3A_321 : vector<16xi32> -> vector<16xf32>
        %sub3A_323 = arith.constant 0.13333334 : f32
        %sub3A_324 = vector.broadcast %sub3A_323 : f32 to vector<16xf32>
        %sub3A_325 = arith.subf %sub3A_268, %sub3A_324 : vector<16xf32>
        %sub3A_326 = arith.constant 0.0666666701 : f32
        %sub3A_327 = vector.broadcast %sub3A_326 : f32 to vector<16xf32>
        %sub3A_328 = arith.subf %sub3A_325, %sub3A_327 : vector<16xf32>
        %abs3A_329 = math.absf %sub3A_325 : vector<16xf32>
        %sub3A_330 = arith.constant 0.0676666647 : f32
        %sub3A_331 = vector.broadcast %sub3A_330 : f32 to vector<16xf32>
        %sub3A_332 = arith.subf %sub3A_331, %abs3A_329 : vector<16xf32>
        %max3A_333 = arith.constant 0.000000e+00 : f32
        %max3A_334 = vector.broadcast %max3A_333 : f32 to vector<16xf32>
        %max3A_335 = arith.maximumf %sub3A_332, %max3A_334 : vector<16xf32>
        %abs3A_336 = math.absf %sub3A_328 : vector<16xf32>
        %sub3A_337 = arith.constant 0.0676666647 : f32
        %sub3A_338 = vector.broadcast %sub3A_337 : f32 to vector<16xf32>
        %sub3A_339 = arith.subf %sub3A_338, %abs3A_336 : vector<16xf32>
        %max3A_340 = arith.constant 0.000000e+00 : f32
        %max3A_341 = vector.broadcast %max3A_340 : f32 to vector<16xf32>
        %max3A_342 = arith.maximumf %sub3A_339, %max3A_341 : vector<16xf32>
        %mul3A_343 = arith.mulf %max3A_335, %bitcast_convert_type3A_318 : vector<16xf32>
        %add3A_344 = arith.addf %add3A_308, %mul3A_343 : vector<16xf32>
        %mul3A_345 = arith.mulf %max3A_342, %bitcast_convert_type3A_322 : vector<16xf32>
        %add3A_346 = arith.addf %add3A_344, %mul3A_345 : vector<16xf32>
        %add3A_347 = arith.addf %add3A_310, %max3A_335 : vector<16xf32>
        %add3A_348 = arith.addf %add3A_347, %max3A_342 : vector<16xf32>
        %add3A_349 = arith.constant 20000 : i32
        %add3A_350 = vector.broadcast %add3A_349 : i32 to vector<16xi32>
        %add3A_351 = arith.addi %add3A_263, %add3A_350 : vector<16xi32>
        %gather3A_352 = tpu.vector_load_idx %arg6[%add3A_351] : memref<80000xi32, #tpu.memory_space<vmem>>[vector<16xi32>], vector<16xi32>,
        %shift_left3A_353 = arith.constant 16 : i32
        %shift_left3A_354 = vector.broadcast %shift_left3A_353 : i32 to vector<16xi32>
        %shift_left3A_355 = arith.shli %gather3A_352, %shift_left3A_354 : vector<16xi32>
        %bitcast_convert_type3A_356 = tpu.bitcast %shift_left3A_355 : vector<16xi32> -> vector<16xf32>
        %and3A_357 = arith.constant -65536 : i32
        %and3A_358 = vector.broadcast %and3A_357 : i32 to vector<16xi32>
        %and3A_359 = arith.andi %gather3A_352, %and3A_358 : vector<16xi32>
        %bitcast_convert_type3A_360 = tpu.bitcast %and3A_359 : vector<16xi32> -> vector<16xf32>
        %sub3A_361 = arith.constant 0.266666681 : f32
        %sub3A_362 = vector.broadcast %sub3A_361 : f32 to vector<16xf32>
        %sub3A_363 = arith.subf %sub3A_268, %sub3A_362 : vector<16xf32>
        %sub3A_364 = arith.constant 0.0666666701 : f32
        %sub3A_365 = vector.broadcast %sub3A_364 : f32 to vector<16xf32>
        %sub3A_366 = arith.subf %sub3A_363, %sub3A_365 : vector<16xf32>
        %abs3A_367 = math.absf %sub3A_363 : vector<16xf32>
        %sub3A_368 = arith.constant 0.0676666647 : f32
        %sub3A_369 = vector.broadcast %sub3A_368 : f32 to vector<16xf32>
        %sub3A_370 = arith.subf %sub3A_369, %abs3A_367 : vector<16xf32>
        %max3A_371 = arith.constant 0.000000e+00 : f32
        %max3A_372 = vector.broadcast %max3A_371 : f32 to vector<16xf32>
        %max3A_373 = arith.maximumf %sub3A_370, %max3A_372 : vector<16xf32>
        %abs3A_374 = math.absf %sub3A_366 : vector<16xf32>
        %sub3A_375 = arith.constant 0.0676666647 : f32
        %sub3A_376 = vector.broadcast %sub3A_375 : f32 to vector<16xf32>
        %sub3A_377 = arith.subf %sub3A_376, %abs3A_374 : vector<16xf32>
        %max3A_378 = arith.constant 0.000000e+00 : f32
        %max3A_379 = vector.broadcast %max3A_378 : f32 to vector<16xf32>
        %max3A_380 = arith.maximumf %sub3A_377, %max3A_379 : vector<16xf32>
        %mul3A_381 = arith.mulf %max3A_373, %bitcast_convert_type3A_356 : vector<16xf32>
        %add3A_382 = arith.addf %add3A_346, %mul3A_381 : vector<16xf32>
        %mul3A_383 = arith.mulf %max3A_380, %bitcast_convert_type3A_360 : vector<16xf32>
        %add3A_384 = arith.addf %add3A_382, %mul3A_383 : vector<16xf32>
        %add3A_385 = arith.addf %add3A_348, %max3A_373 : vector<16xf32>
        %add3A_386 = arith.addf %add3A_385, %max3A_380 : vector<16xf32>
        %add3A_387 = arith.constant 9.99999997E-7 : f32
        %add3A_388 = vector.broadcast %add3A_387 : f32 to vector<16xf32>
        %add3A_389 = arith.addf %add3A_388, %add3A_386 : vector<16xf32>
        %mul3A_390 = arith.constant 14.4613161 : f32
        %mul3A_391 = vector.broadcast %mul3A_390 : f32 to vector<16xf32>
        %mul3A_392 = arith.mulf %add3A_389, %mul3A_391 : vector<16xf32>
        %sub3A_393 = arith.constant 2.000000e+00 : f32
        %sub3A_394 = vector.broadcast %sub3A_393 : f32 to vector<16xf32>
        %sub3A_395 = arith.subf %sub3A_394, %mul3A_392 : vector<16xf32>
        %mul3A_396 = arith.constant 14.4613161 : f32
        %mul3A_397 = vector.broadcast %mul3A_396 : f32 to vector<16xf32>
        %mul3A_398 = arith.mulf %mul3A_397, %sub3A_395 : vector<16xf32>
        %mul3A_399 = arith.mulf %add3A_384, %mul3A_398 : vector<16xf32>
        %swap3A_400 = arith.index_cast %mul3A_235 : i32 to index
        %swap3A_401 = tpu.vector_load %arg11[%swap3A_400] {strides = array<i32>} : memref<8192xf32, #tpu.memory_space<vmem>>, vector<16xf32>,
        tpu.vector_store %arg11[%swap3A_400], %mul3A_399 {strides = array<i32>} : memref<8192xf32, #tpu.memory_space<vmem>>, vector<16xf32>,
        %mul3A_402 = arith.constant 4 : i32
        %mul3A_403 = arith.muli %scan3A_71, %mul3A_402 : i32
        %add3A_404 = arith.constant 2 : i32
        %add3A_405 = arith.addi %mul3A_403, %add3A_404 : i32
        %mul3A_406 = arith.constant 16 : i32
        %mul3A_407 = arith.muli %add3A_405, %mul3A_406 : i32
        %get3A_408 = arith.index_cast %mul3A_407 : i32 to index
        %get3A_409 = tpu.vector_load %arg7[%get3A_408] {strides = array<i32>} : memref<8192xf32, #tpu.memory_space<vmem>>, vector<16xf32>,
        %get3A_410 = arith.index_cast %mul3A_407 : i32 to index
        %get3A_411 = tpu.vector_load %arg9[%get3A_410] {strides = array<i32>} : memref<8192xf32, #tpu.memory_space<vmem>>, vector<16xf32>,
        %mul3A_412 = arith.constant 1.000000e+04 : f32
        %mul3A_413 = vector.broadcast %mul3A_412 : f32 to vector<16xf32>
        %mul3A_414 = arith.mulf %get3A_409, %mul3A_413 : vector<16xf32>
        %convert_element_type3A_415 = arith.fptosi %mul3A_414 : vector<16xf32> to vector<16xi32>
        %mul3A_416 = arith.constant 1.500000e+01 : f32
        %mul3A_417 = vector.broadcast %mul3A_416 : f32 to vector<16xf32>
        %mul3A_418 = arith.mulf %get3A_411, %mul3A_417 : vector<16xf32>
        %convert_element_type3A_419 = arith.fptosi %mul3A_418 : vector<16xf32> to vector<16xi32>
        %shift_right_arithmetic3A_420 = arith.constant 1 : i32
        %shift_right_arithmetic3A_421 = vector.broadcast %shift_right_arithmetic3A_420 : i32 to vector<16xi32>
        %shift_right_arithmetic3A_422 = arith.shrsi %convert_element_type3A_419, %shift_right_arithmetic3A_421 : vector<16xi32>
        %max3A_423 = arith.constant 1 : i32
        %max3A_424 = vector.broadcast %max3A_423 : i32 to vector<16xi32>
        %max3A_425 = arith.maxsi %shift_right_arithmetic3A_422, %max3A_424 : vector<16xi32>
        %min3A_426 = arith.constant 6 : i32
        %min3A_427 = vector.broadcast %min3A_426 : i32 to vector<16xi32>
        %min3A_428 = arith.minsi %max3A_425, %min3A_427 : vector<16xi32>
        %sub3A_429 = arith.constant 1 : i32
        %sub3A_430 = vector.broadcast %sub3A_429 : i32 to vector<16xi32>
        %sub3A_431 = arith.subi %min3A_428, %sub3A_430 : vector<16xi32>
        %mul3A_432 = arith.constant 10000 : i32
        %mul3A_433 = vector.broadcast %mul3A_432 : i32 to vector<16xi32>
        %mul3A_434 = arith.muli %sub3A_431, %mul3A_433 : vector<16xi32>
        %add3A_435 = arith.addi %mul3A_434, %convert_element_type3A_415 : vector<16xi32>
        %convert_element_type3A_436 = arith.sitofp %sub3A_431 : vector<16xi32> to vector<16xf32>
        %mul3A_437 = arith.constant 0.13333334 : f32
        %mul3A_438 = vector.broadcast %mul3A_437 : f32 to vector<16xf32>
        %mul3A_439 = arith.mulf %convert_element_type3A_436, %mul3A_438 : vector<16xf32>
        %sub3A_440 = arith.subf %get3A_411, %mul3A_439 : vector<16xf32>
        %broadcast_in_dim3A_441 = arith.constant 0.000000e+00 : f32
        %broadcast_in_dim3A_442 = vector.broadcast %broadcast_in_dim3A_441 : f32 to vector<16xf32>
        %broadcast_in_dim3A_443 = arith.constant 0.000000e+00 : f32
        %broadcast_in_dim3A_444 = vector.broadcast %broadcast_in_dim3A_443 : f32 to vector<16xf32>
        %add3A_445 = arith.constant 0 : i32
        %add3A_446 = vector.broadcast %add3A_445 : i32 to vector<16xi32>
        %add3A_447 = arith.addi %add3A_435, %add3A_446 : vector<16xi32>
        %gather3A_448 = tpu.vector_load_idx %arg6[%add3A_447] : memref<80000xi32, #tpu.memory_space<vmem>>[vector<16xi32>], vector<16xi32>,
        %shift_left3A_449 = arith.constant 16 : i32
        %shift_left3A_450 = vector.broadcast %shift_left3A_449 : i32 to vector<16xi32>
        %shift_left3A_451 = arith.shli %gather3A_448, %shift_left3A_450 : vector<16xi32>
        %bitcast_convert_type3A_452 = tpu.bitcast %shift_left3A_451 : vector<16xi32> -> vector<16xf32>
        %and3A_453 = arith.constant -65536 : i32
        %and3A_454 = vector.broadcast %and3A_453 : i32 to vector<16xi32>
        %and3A_455 = arith.andi %gather3A_448, %and3A_454 : vector<16xi32>
        %bitcast_convert_type3A_456 = tpu.bitcast %and3A_455 : vector<16xi32> -> vector<16xf32>
        %sub3A_457 = arith.constant 0.000000e+00 : f32
        %sub3A_458 = vector.broadcast %sub3A_457 : f32 to vector<16xf32>
        %sub3A_459 = arith.subf %sub3A_440, %sub3A_458 : vector<16xf32>
        %sub3A_460 = arith.constant 0.0666666701 : f32
        %sub3A_461 = vector.broadcast %sub3A_460 : f32 to vector<16xf32>
        %sub3A_462 = arith.subf %sub3A_459, %sub3A_461 : vector<16xf32>
        %abs3A_463 = math.absf %sub3A_459 : vector<16xf32>
        %sub3A_464 = arith.constant 0.0676666647 : f32
        %sub3A_465 = vector.broadcast %sub3A_464 : f32 to vector<16xf32>
        %sub3A_466 = arith.subf %sub3A_465, %abs3A_463 : vector<16xf32>
        %max3A_467 = arith.constant 0.000000e+00 : f32
        %max3A_468 = vector.broadcast %max3A_467 : f32 to vector<16xf32>
        %max3A_469 = arith.maximumf %sub3A_466, %max3A_468 : vector<16xf32>
        %abs3A_470 = math.absf %sub3A_462 : vector<16xf32>
        %sub3A_471 = arith.constant 0.0676666647 : f32
        %sub3A_472 = vector.broadcast %sub3A_471 : f32 to vector<16xf32>
        %sub3A_473 = arith.subf %sub3A_472, %abs3A_470 : vector<16xf32>
        %max3A_474 = arith.constant 0.000000e+00 : f32
        %max3A_475 = vector.broadcast %max3A_474 : f32 to vector<16xf32>
        %max3A_476 = arith.maximumf %sub3A_473, %max3A_475 : vector<16xf32>
        %mul3A_477 = arith.mulf %max3A_469, %bitcast_convert_type3A_452 : vector<16xf32>
        %add3A_478 = arith.addf %broadcast_in_dim3A_442, %mul3A_477 : vector<16xf32>
        %mul3A_479 = arith.mulf %max3A_476, %bitcast_convert_type3A_456 : vector<16xf32>
        %add3A_480 = arith.addf %add3A_478, %mul3A_479 : vector<16xf32>
        %add3A_481 = arith.addf %broadcast_in_dim3A_444, %max3A_469 : vector<16xf32>
        %add3A_482 = arith.addf %add3A_481, %max3A_476 : vector<16xf32>
        %add3A_483 = arith.constant 10000 : i32
        %add3A_484 = vector.broadcast %add3A_483 : i32 to vector<16xi32>
        %add3A_485 = arith.addi %add3A_435, %add3A_484 : vector<16xi32>
        %gather3A_486 = tpu.vector_load_idx %arg6[%add3A_485] : memref<80000xi32, #tpu.memory_space<vmem>>[vector<16xi32>], vector<16xi32>,
        %shift_left3A_487 = arith.constant 16 : i32
        %shift_left3A_488 = vector.broadcast %shift_left3A_487 : i32 to vector<16xi32>
        %shift_left3A_489 = arith.shli %gather3A_486, %shift_left3A_488 : vector<16xi32>
        %bitcast_convert_type3A_490 = tpu.bitcast %shift_left3A_489 : vector<16xi32> -> vector<16xf32>
        %and3A_491 = arith.constant -65536 : i32
        %and3A_492 = vector.broadcast %and3A_491 : i32 to vector<16xi32>
        %and3A_493 = arith.andi %gather3A_486, %and3A_492 : vector<16xi32>
        %bitcast_convert_type3A_494 = tpu.bitcast %and3A_493 : vector<16xi32> -> vector<16xf32>
        %sub3A_495 = arith.constant 0.13333334 : f32
        %sub3A_496 = vector.broadcast %sub3A_495 : f32 to vector<16xf32>
        %sub3A_497 = arith.subf %sub3A_440, %sub3A_496 : vector<16xf32>
        %sub3A_498 = arith.constant 0.0666666701 : f32
        %sub3A_499 = vector.broadcast %sub3A_498 : f32 to vector<16xf32>
        %sub3A_500 = arith.subf %sub3A_497, %sub3A_499 : vector<16xf32>
        %abs3A_501 = math.absf %sub3A_497 : vector<16xf32>
        %sub3A_502 = arith.constant 0.0676666647 : f32
        %sub3A_503 = vector.broadcast %sub3A_502 : f32 to vector<16xf32>
        %sub3A_504 = arith.subf %sub3A_503, %abs3A_501 : vector<16xf32>
        %max3A_505 = arith.constant 0.000000e+00 : f32
        %max3A_506 = vector.broadcast %max3A_505 : f32 to vector<16xf32>
        %max3A_507 = arith.maximumf %sub3A_504, %max3A_506 : vector<16xf32>
        %abs3A_508 = math.absf %sub3A_500 : vector<16xf32>
        %sub3A_509 = arith.constant 0.0676666647 : f32
        %sub3A_510 = vector.broadcast %sub3A_509 : f32 to vector<16xf32>
        %sub3A_511 = arith.subf %sub3A_510, %abs3A_508 : vector<16xf32>
        %max3A_512 = arith.constant 0.000000e+00 : f32
        %max3A_513 = vector.broadcast %max3A_512 : f32 to vector<16xf32>
        %max3A_514 = arith.maximumf %sub3A_511, %max3A_513 : vector<16xf32>
        %mul3A_515 = arith.mulf %max3A_507, %bitcast_convert_type3A_490 : vector<16xf32>
        %add3A_516 = arith.addf %add3A_480, %mul3A_515 : vector<16xf32>
        %mul3A_517 = arith.mulf %max3A_514, %bitcast_convert_type3A_494 : vector<16xf32>
        %add3A_518 = arith.addf %add3A_516, %mul3A_517 : vector<16xf32>
        %add3A_519 = arith.addf %add3A_482, %max3A_507 : vector<16xf32>
        %add3A_520 = arith.addf %add3A_519, %max3A_514 : vector<16xf32>
        %add3A_521 = arith.constant 20000 : i32
        %add3A_522 = vector.broadcast %add3A_521 : i32 to vector<16xi32>
        %add3A_523 = arith.addi %add3A_435, %add3A_522 : vector<16xi32>
        %gather3A_524 = tpu.vector_load_idx %arg6[%add3A_523] : memref<80000xi32, #tpu.memory_space<vmem>>[vector<16xi32>], vector<16xi32>,
        %shift_left3A_525 = arith.constant 16 : i32
        %shift_left3A_526 = vector.broadcast %shift_left3A_525 : i32 to vector<16xi32>
        %shift_left3A_527 = arith.shli %gather3A_524, %shift_left3A_526 : vector<16xi32>
        %bitcast_convert_type3A_528 = tpu.bitcast %shift_left3A_527 : vector<16xi32> -> vector<16xf32>
        %and3A_529 = arith.constant -65536 : i32
        %and3A_530 = vector.broadcast %and3A_529 : i32 to vector<16xi32>
        %and3A_531 = arith.andi %gather3A_524, %and3A_530 : vector<16xi32>
        %bitcast_convert_type3A_532 = tpu.bitcast %and3A_531 : vector<16xi32> -> vector<16xf32>
        %sub3A_533 = arith.constant 0.266666681 : f32
        %sub3A_534 = vector.broadcast %sub3A_533 : f32 to vector<16xf32>
        %sub3A_535 = arith.subf %sub3A_440, %sub3A_534 : vector<16xf32>
        %sub3A_536 = arith.constant 0.0666666701 : f32
        %sub3A_537 = vector.broadcast %sub3A_536 : f32 to vector<16xf32>
        %sub3A_538 = arith.subf %sub3A_535, %sub3A_537 : vector<16xf32>
        %abs3A_539 = math.absf %sub3A_535 : vector<16xf32>
        %sub3A_540 = arith.constant 0.0676666647 : f32
        %sub3A_541 = vector.broadcast %sub3A_540 : f32 to vector<16xf32>
        %sub3A_542 = arith.subf %sub3A_541, %abs3A_539 : vector<16xf32>
        %max3A_543 = arith.constant 0.000000e+00 : f32
        %max3A_544 = vector.broadcast %max3A_543 : f32 to vector<16xf32>
        %max3A_545 = arith.maximumf %sub3A_542, %max3A_544 : vector<16xf32>
        %abs3A_546 = math.absf %sub3A_538 : vector<16xf32>
        %sub3A_547 = arith.constant 0.0676666647 : f32
        %sub3A_548 = vector.broadcast %sub3A_547 : f32 to vector<16xf32>
        %sub3A_549 = arith.subf %sub3A_548, %abs3A_546 : vector<16xf32>
        %max3A_550 = arith.constant 0.000000e+00 : f32
        %max3A_551 = vector.broadcast %max3A_550 : f32 to vector<16xf32>
        %max3A_552 = arith.maximumf %sub3A_549, %max3A_551 : vector<16xf32>
        %mul3A_553 = arith.mulf %max3A_545, %bitcast_convert_type3A_528 : vector<16xf32>
        %add3A_554 = arith.addf %add3A_518, %mul3A_553 : vector<16xf32>
        %mul3A_555 = arith.mulf %max3A_552, %bitcast_convert_type3A_532 : vector<16xf32>
        %add3A_556 = arith.addf %add3A_554, %mul3A_555 : vector<16xf32>
        %add3A_557 = arith.addf %add3A_520, %max3A_545 : vector<16xf32>
        %add3A_558 = arith.addf %add3A_557, %max3A_552 : vector<16xf32>
        %add3A_559 = arith.constant 9.99999997E-7 : f32
        %add3A_560 = vector.broadcast %add3A_559 : f32 to vector<16xf32>
        %add3A_561 = arith.addf %add3A_560, %add3A_558 : vector<16xf32>
        %mul3A_562 = arith.constant 14.4613161 : f32
        %mul3A_563 = vector.broadcast %mul3A_562 : f32 to vector<16xf32>
        %mul3A_564 = arith.mulf %add3A_561, %mul3A_563 : vector<16xf32>
        %sub3A_565 = arith.constant 2.000000e+00 : f32
        %sub3A_566 = vector.broadcast %sub3A_565 : f32 to vector<16xf32>
        %sub3A_567 = arith.subf %sub3A_566, %mul3A_564 : vector<16xf32>
        %mul3A_568 = arith.constant 14.4613161 : f32
        %mul3A_569 = vector.broadcast %mul3A_568 : f32 to vector<16xf32>
        %mul3A_570 = arith.mulf %mul3A_569, %sub3A_567 : vector<16xf32>
        %mul3A_571 = arith.mulf %add3A_556, %mul3A_570 : vector<16xf32>
        %swap3A_572 = arith.index_cast %mul3A_407 : i32 to index
        %swap3A_573 = tpu.vector_load %arg11[%swap3A_572] {strides = array<i32>} : memref<8192xf32, #tpu.memory_space<vmem>>, vector<16xf32>,
        tpu.vector_store %arg11[%swap3A_572], %mul3A_571 {strides = array<i32>} : memref<8192xf32, #tpu.memory_space<vmem>>, vector<16xf32>,
        %mul3A_574 = arith.constant 4 : i32
        %mul3A_575 = arith.muli %scan3A_71, %mul3A_574 : i32
        %add3A_576 = arith.constant 3 : i32
        %add3A_577 = arith.addi %mul3A_575, %add3A_576 : i32
        %mul3A_578 = arith.constant 16 : i32
        %mul3A_579 = arith.muli %add3A_577, %mul3A_578 : i32
        %get3A_580 = arith.index_cast %mul3A_579 : i32 to index
        %get3A_581 = tpu.vector_load %arg7[%get3A_580] {strides = array<i32>} : memref<8192xf32, #tpu.memory_space<vmem>>, vector<16xf32>,
        %get3A_582 = arith.index_cast %mul3A_579 : i32 to index
        %get3A_583 = tpu.vector_load %arg9[%get3A_582] {strides = array<i32>} : memref<8192xf32, #tpu.memory_space<vmem>>, vector<16xf32>,
        %mul3A_584 = arith.constant 1.000000e+04 : f32
        %mul3A_585 = vector.broadcast %mul3A_584 : f32 to vector<16xf32>
        %mul3A_586 = arith.mulf %get3A_581, %mul3A_585 : vector<16xf32>
        %convert_element_type3A_587 = arith.fptosi %mul3A_586 : vector<16xf32> to vector<16xi32>
        %mul3A_588 = arith.constant 1.500000e+01 : f32
        %mul3A_589 = vector.broadcast %mul3A_588 : f32 to vector<16xf32>
        %mul3A_590 = arith.mulf %get3A_583, %mul3A_589 : vector<16xf32>
        %convert_element_type3A_591 = arith.fptosi %mul3A_590 : vector<16xf32> to vector<16xi32>
        %shift_right_arithmetic3A_592 = arith.constant 1 : i32
        %shift_right_arithmetic3A_593 = vector.broadcast %shift_right_arithmetic3A_592 : i32 to vector<16xi32>
        %shift_right_arithmetic3A_594 = arith.shrsi %convert_element_type3A_591, %shift_right_arithmetic3A_593 : vector<16xi32>
        %max3A_595 = arith.constant 1 : i32
        %max3A_596 = vector.broadcast %max3A_595 : i32 to vector<16xi32>
        %max3A_597 = arith.maxsi %shift_right_arithmetic3A_594, %max3A_596 : vector<16xi32>
        %min3A_598 = arith.constant 6 : i32
        %min3A_599 = vector.broadcast %min3A_598 : i32 to vector<16xi32>
        %min3A_600 = arith.minsi %max3A_597, %min3A_599 : vector<16xi32>
        %sub3A_601 = arith.constant 1 : i32
        %sub3A_602 = vector.broadcast %sub3A_601 : i32 to vector<16xi32>
        %sub3A_603 = arith.subi %min3A_600, %sub3A_602 : vector<16xi32>
        %mul3A_604 = arith.constant 10000 : i32
        %mul3A_605 = vector.broadcast %mul3A_604 : i32 to vector<16xi32>
        %mul3A_606 = arith.muli %sub3A_603, %mul3A_605 : vector<16xi32>
        %add3A_607 = arith.addi %mul3A_606, %convert_element_type3A_587 : vector<16xi32>
        %convert_element_type3A_608 = arith.sitofp %sub3A_603 : vector<16xi32> to vector<16xf32>
        %mul3A_609 = arith.constant 0.13333334 : f32
        %mul3A_610 = vector.broadcast %mul3A_609 : f32 to vector<16xf32>
        %mul3A_611 = arith.mulf %convert_element_type3A_608, %mul3A_610 : vector<16xf32>
        %sub3A_612 = arith.subf %get3A_583, %mul3A_611 : vector<16xf32>
        %broadcast_in_dim3A_613 = arith.constant 0.000000e+00 : f32
        %broadcast_in_dim3A_614 = vector.broadcast %broadcast_in_dim3A_613 : f32 to vector<16xf32>
        %broadcast_in_dim3A_615 = arith.constant 0.000000e+00 : f32
        %broadcast_in_dim3A_616 = vector.broadcast %broadcast_in_dim3A_615 : f32 to vector<16xf32>
        %add3A_617 = arith.constant 0 : i32
        %add3A_618 = vector.broadcast %add3A_617 : i32 to vector<16xi32>
        %add3A_619 = arith.addi %add3A_607, %add3A_618 : vector<16xi32>
        %gather3A_620 = tpu.vector_load_idx %arg6[%add3A_619] : memref<80000xi32, #tpu.memory_space<vmem>>[vector<16xi32>], vector<16xi32>,
        %shift_left3A_621 = arith.constant 16 : i32
        %shift_left3A_622 = vector.broadcast %shift_left3A_621 : i32 to vector<16xi32>
        %shift_left3A_623 = arith.shli %gather3A_620, %shift_left3A_622 : vector<16xi32>
        %bitcast_convert_type3A_624 = tpu.bitcast %shift_left3A_623 : vector<16xi32> -> vector<16xf32>
        %and3A_625 = arith.constant -65536 : i32
        %and3A_626 = vector.broadcast %and3A_625 : i32 to vector<16xi32>
        %and3A_627 = arith.andi %gather3A_620, %and3A_626 : vector<16xi32>
        %bitcast_convert_type3A_628 = tpu.bitcast %and3A_627 : vector<16xi32> -> vector<16xf32>
        %sub3A_629 = arith.constant 0.000000e+00 : f32
        %sub3A_630 = vector.broadcast %sub3A_629 : f32 to vector<16xf32>
        %sub3A_631 = arith.subf %sub3A_612, %sub3A_630 : vector<16xf32>
        %sub3A_632 = arith.constant 0.0666666701 : f32
        %sub3A_633 = vector.broadcast %sub3A_632 : f32 to vector<16xf32>
        %sub3A_634 = arith.subf %sub3A_631, %sub3A_633 : vector<16xf32>
        %abs3A_635 = math.absf %sub3A_631 : vector<16xf32>
        %sub3A_636 = arith.constant 0.0676666647 : f32
        %sub3A_637 = vector.broadcast %sub3A_636 : f32 to vector<16xf32>
        %sub3A_638 = arith.subf %sub3A_637, %abs3A_635 : vector<16xf32>
        %max3A_639 = arith.constant 0.000000e+00 : f32
        %max3A_640 = vector.broadcast %max3A_639 : f32 to vector<16xf32>
        %max3A_641 = arith.maximumf %sub3A_638, %max3A_640 : vector<16xf32>
        %abs3A_642 = math.absf %sub3A_634 : vector<16xf32>
        %sub3A_643 = arith.constant 0.0676666647 : f32
        %sub3A_644 = vector.broadcast %sub3A_643 : f32 to vector<16xf32>
        %sub3A_645 = arith.subf %sub3A_644, %abs3A_642 : vector<16xf32>
        %max3A_646 = arith.constant 0.000000e+00 : f32
        %max3A_647 = vector.broadcast %max3A_646 : f32 to vector<16xf32>
        %max3A_648 = arith.maximumf %sub3A_645, %max3A_647 : vector<16xf32>
        %mul3A_649 = arith.mulf %max3A_641, %bitcast_convert_type3A_624 : vector<16xf32>
        %add3A_650 = arith.addf %broadcast_in_dim3A_614, %mul3A_649 : vector<16xf32>
        %mul3A_651 = arith.mulf %max3A_648, %bitcast_convert_type3A_628 : vector<16xf32>
        %add3A_652 = arith.addf %add3A_650, %mul3A_651 : vector<16xf32>
        %add3A_653 = arith.addf %broadcast_in_dim3A_616, %max3A_641 : vector<16xf32>
        %add3A_654 = arith.addf %add3A_653, %max3A_648 : vector<16xf32>
        %add3A_655 = arith.constant 10000 : i32
        %add3A_656 = vector.broadcast %add3A_655 : i32 to vector<16xi32>
        %add3A_657 = arith.addi %add3A_607, %add3A_656 : vector<16xi32>
        %gather3A_658 = tpu.vector_load_idx %arg6[%add3A_657] : memref<80000xi32, #tpu.memory_space<vmem>>[vector<16xi32>], vector<16xi32>,
        %shift_left3A_659 = arith.constant 16 : i32
        %shift_left3A_660 = vector.broadcast %shift_left3A_659 : i32 to vector<16xi32>
        %shift_left3A_661 = arith.shli %gather3A_658, %shift_left3A_660 : vector<16xi32>
        %bitcast_convert_type3A_662 = tpu.bitcast %shift_left3A_661 : vector<16xi32> -> vector<16xf32>
        %and3A_663 = arith.constant -65536 : i32
        %and3A_664 = vector.broadcast %and3A_663 : i32 to vector<16xi32>
        %and3A_665 = arith.andi %gather3A_658, %and3A_664 : vector<16xi32>
        %bitcast_convert_type3A_666 = tpu.bitcast %and3A_665 : vector<16xi32> -> vector<16xf32>
        %sub3A_667 = arith.constant 0.13333334 : f32
        %sub3A_668 = vector.broadcast %sub3A_667 : f32 to vector<16xf32>
        %sub3A_669 = arith.subf %sub3A_612, %sub3A_668 : vector<16xf32>
        %sub3A_670 = arith.constant 0.0666666701 : f32
        %sub3A_671 = vector.broadcast %sub3A_670 : f32 to vector<16xf32>
        %sub3A_672 = arith.subf %sub3A_669, %sub3A_671 : vector<16xf32>
        %abs3A_673 = math.absf %sub3A_669 : vector<16xf32>
        %sub3A_674 = arith.constant 0.0676666647 : f32
        %sub3A_675 = vector.broadcast %sub3A_674 : f32 to vector<16xf32>
        %sub3A_676 = arith.subf %sub3A_675, %abs3A_673 : vector<16xf32>
        %max3A_677 = arith.constant 0.000000e+00 : f32
        %max3A_678 = vector.broadcast %max3A_677 : f32 to vector<16xf32>
        %max3A_679 = arith.maximumf %sub3A_676, %max3A_678 : vector<16xf32>
        %abs3A_680 = math.absf %sub3A_672 : vector<16xf32>
        %sub3A_681 = arith.constant 0.0676666647 : f32
        %sub3A_682 = vector.broadcast %sub3A_681 : f32 to vector<16xf32>
        %sub3A_683 = arith.subf %sub3A_682, %abs3A_680 : vector<16xf32>
        %max3A_684 = arith.constant 0.000000e+00 : f32
        %max3A_685 = vector.broadcast %max3A_684 : f32 to vector<16xf32>
        %max3A_686 = arith.maximumf %sub3A_683, %max3A_685 : vector<16xf32>
        %mul3A_687 = arith.mulf %max3A_679, %bitcast_convert_type3A_662 : vector<16xf32>
        %add3A_688 = arith.addf %add3A_652, %mul3A_687 : vector<16xf32>
        %mul3A_689 = arith.mulf %max3A_686, %bitcast_convert_type3A_666 : vector<16xf32>
        %add3A_690 = arith.addf %add3A_688, %mul3A_689 : vector<16xf32>
        %add3A_691 = arith.addf %add3A_654, %max3A_679 : vector<16xf32>
        %add3A_692 = arith.addf %add3A_691, %max3A_686 : vector<16xf32>
        %add3A_693 = arith.constant 20000 : i32
        %add3A_694 = vector.broadcast %add3A_693 : i32 to vector<16xi32>
        %add3A_695 = arith.addi %add3A_607, %add3A_694 : vector<16xi32>
        %gather3A_696 = tpu.vector_load_idx %arg6[%add3A_695] : memref<80000xi32, #tpu.memory_space<vmem>>[vector<16xi32>], vector<16xi32>,
        %shift_left3A_697 = arith.constant 16 : i32
        %shift_left3A_698 = vector.broadcast %shift_left3A_697 : i32 to vector<16xi32>
        %shift_left3A_699 = arith.shli %gather3A_696, %shift_left3A_698 : vector<16xi32>
        %bitcast_convert_type3A_700 = tpu.bitcast %shift_left3A_699 : vector<16xi32> -> vector<16xf32>
        %and3A_701 = arith.constant -65536 : i32
        %and3A_702 = vector.broadcast %and3A_701 : i32 to vector<16xi32>
        %and3A_703 = arith.andi %gather3A_696, %and3A_702 : vector<16xi32>
        %bitcast_convert_type3A_704 = tpu.bitcast %and3A_703 : vector<16xi32> -> vector<16xf32>
        %sub3A_705 = arith.constant 0.266666681 : f32
        %sub3A_706 = vector.broadcast %sub3A_705 : f32 to vector<16xf32>
        %sub3A_707 = arith.subf %sub3A_612, %sub3A_706 : vector<16xf32>
        %sub3A_708 = arith.constant 0.0666666701 : f32
        %sub3A_709 = vector.broadcast %sub3A_708 : f32 to vector<16xf32>
        %sub3A_710 = arith.subf %sub3A_707, %sub3A_709 : vector<16xf32>
        %abs3A_711 = math.absf %sub3A_707 : vector<16xf32>
        %sub3A_712 = arith.constant 0.0676666647 : f32
        %sub3A_713 = vector.broadcast %sub3A_712 : f32 to vector<16xf32>
        %sub3A_714 = arith.subf %sub3A_713, %abs3A_711 : vector<16xf32>
        %max3A_715 = arith.constant 0.000000e+00 : f32
        %max3A_716 = vector.broadcast %max3A_715 : f32 to vector<16xf32>
        %max3A_717 = arith.maximumf %sub3A_714, %max3A_716 : vector<16xf32>
        %abs3A_718 = math.absf %sub3A_710 : vector<16xf32>
        %sub3A_719 = arith.constant 0.0676666647 : f32
        %sub3A_720 = vector.broadcast %sub3A_719 : f32 to vector<16xf32>
        %sub3A_721 = arith.subf %sub3A_720, %abs3A_718 : vector<16xf32>
        %max3A_722 = arith.constant 0.000000e+00 : f32
        %max3A_723 = vector.broadcast %max3A_722 : f32 to vector<16xf32>
        %max3A_724 = arith.maximumf %sub3A_721, %max3A_723 : vector<16xf32>
        %mul3A_725 = arith.mulf %max3A_717, %bitcast_convert_type3A_700 : vector<16xf32>
        %add3A_726 = arith.addf %add3A_690, %mul3A_725 : vector<16xf32>
        %mul3A_727 = arith.mulf %max3A_724, %bitcast_convert_type3A_704 : vector<16xf32>
        %add3A_728 = arith.addf %add3A_726, %mul3A_727 : vector<16xf32>
        %add3A_729 = arith.addf %add3A_692, %max3A_717 : vector<16xf32>
        %add3A_730 = arith.addf %add3A_729, %max3A_724 : vector<16xf32>
        %add3A_731 = arith.constant 9.99999997E-7 : f32
        %add3A_732 = vector.broadcast %add3A_731 : f32 to vector<16xf32>
        %add3A_733 = arith.addf %add3A_732, %add3A_730 : vector<16xf32>
        %mul3A_734 = arith.constant 14.4613161 : f32
        %mul3A_735 = vector.broadcast %mul3A_734 : f32 to vector<16xf32>
        %mul3A_736 = arith.mulf %add3A_733, %mul3A_735 : vector<16xf32>
        %sub3A_737 = arith.constant 2.000000e+00 : f32
        %sub3A_738 = vector.broadcast %sub3A_737 : f32 to vector<16xf32>
        %sub3A_739 = arith.subf %sub3A_738, %mul3A_736 : vector<16xf32>
        %mul3A_740 = arith.constant 14.4613161 : f32
        %mul3A_741 = vector.broadcast %mul3A_740 : f32 to vector<16xf32>
        %mul3A_742 = arith.mulf %mul3A_741, %sub3A_739 : vector<16xf32>
        %mul3A_743 = arith.mulf %add3A_728, %mul3A_742 : vector<16xf32>
        %swap3A_744 = arith.index_cast %mul3A_579 : i32 to index
        %swap3A_745 = tpu.vector_load %arg11[%swap3A_744] {strides = array<i32>} : memref<8192xf32, #tpu.memory_space<vmem>>, vector<16xf32>,
        tpu.vector_store %arg11[%swap3A_744], %mul3A_743 {strides = array<i32>} : memref<8192xf32, #tpu.memory_space<vmem>>, vector<16xf32>,
      }
      %scan3A_37 = arith.constant 128 : i32
      %dma_start3A_38 = tpu.memref_slice %arg5[%add3A_19] : memref<2097152xf32, #tpu.memory_space<hbm>> -> memref<8192xf32, #tpu.memory_space<hbm>>
      %dma_start3A_39 = tpu.memref_slice %arg5[%add3A_19] : memref<2097152xf32, #tpu.memory_space<hbm>> -> memref<8192xf32, #tpu.memory_space<hbm>>
      tpu.enqueue_dma source(%arg11 : memref<8192xf32, #tpu.memory_space<vmem>>) target(%dma_start3A_39 : memref<8192xf32, #tpu.memory_space<hbm>>) target_semaphore(%arg17 : memref<!tpu.dma_semaphore, #tpu.memory_space<semaphore_mem>>)
      %mul3A_40 = arith.constant 2 : i32
      %mul3A_41 = arith.muli %scan3A_14, %mul3A_40 : i32
      %add3A_42 = arith.constant 1 : i32
      %add3A_43 = arith.addi %mul3A_41, %add3A_42 : i32
      %mul3A_44 = arith.constant 8192 : i32
      %mul3A_45 = arith.muli %add3A_43, %mul3A_44 : i32
      %add3A_46 = arith.addi %mul3A_2, %mul3A_45 : i32
      %dma_wait3A_47 = tpu.memref_slice %arg3[%add3A_46] : memref<2097152xf32, #tpu.memory_space<hbm>> -> memref<8192xf32, #tpu.memory_space<hbm>>
      %dma_wait3A_48 = tpu.memref_slice %arg3[%add3A_46] : memref<2097152xf32, #tpu.memory_space<hbm>> -> memref<8192xf32, #tpu.memory_space<hbm>>
      tpu.wait_dma2 semaphore(%arg14 : memref<!tpu.dma_semaphore, #tpu.memory_space<semaphore_mem>>) src(%dma_wait3A_48 : memref<8192xf32, #tpu.memory_space<hbm>>) dst(%arg8 : memref<8192xf32, #tpu.memory_space<vmem>>)
      %dma_wait3A_49 = tpu.memref_slice %arg4[%add3A_46] : memref<2097152xf32, #tpu.memory_space<hbm>> -> memref<8192xf32, #tpu.memory_space<hbm>>
      %dma_wait3A_50 = tpu.memref_slice %arg4[%add3A_46] : memref<2097152xf32, #tpu.memory_space<hbm>> -> memref<8192xf32, #tpu.memory_space<hbm>>
      tpu.wait_dma2 semaphore(%arg16 : memref<!tpu.dma_semaphore, #tpu.memory_space<semaphore_mem>>) src(%dma_wait3A_50 : memref<8192xf32, #tpu.memory_space<hbm>>) dst(%arg10 : memref<8192xf32, #tpu.memory_space<vmem>>)
      %add3A_51 = arith.constant 1 : i32
      %add3A_52 = arith.addi %add3A_43, %add3A_51 : i32
      %lt3A_53 = arith.constant 8 : i32
      %lt3A_54 = arith.cmpi slt, %add3A_52, %lt3A_53 : i32
      %convert_element_type3A_55 = arith.extui %lt3A_54 : i1 to i32
      %cond3A_56 = arith.constant 0 : i32
      %cond3A_57 = arith.cmpi ne, %convert_element_type3A_55, %cond3A_56 : i32
      scf.if %cond3A_57 {
        %add3A_71 = arith.constant 1 : i32
        %add3A_72 = arith.addi %add3A_43, %add3A_71 : i32
        %mul3A_73 = arith.constant 8192 : i32
        %mul3A_74 = arith.muli %add3A_72, %mul3A_73 : i32
        %add3A_75 = arith.addi %mul3A_2, %mul3A_74 : i32
        %dma_start3A_76 = tpu.memref_slice %arg3[%add3A_75] : memref<2097152xf32, #tpu.memory_space<hbm>> -> memref<8192xf32, #tpu.memory_space<hbm>>
        %dma_start3A_77 = tpu.memref_slice %arg3[%add3A_75] : memref<2097152xf32, #tpu.memory_space<hbm>> -> memref<8192xf32, #tpu.memory_space<hbm>>
        tpu.enqueue_dma source(%dma_start3A_77 : memref<8192xf32, #tpu.memory_space<hbm>>) target(%arg7 : memref<8192xf32, #tpu.memory_space<vmem>>) target_semaphore(%arg13 : memref<!tpu.dma_semaphore, #tpu.memory_space<semaphore_mem>>)
        %dma_start3A_78 = tpu.memref_slice %arg4[%add3A_75] : memref<2097152xf32, #tpu.memory_space<hbm>> -> memref<8192xf32, #tpu.memory_space<hbm>>
        %dma_start3A_79 = tpu.memref_slice %arg4[%add3A_75] : memref<2097152xf32, #tpu.memory_space<hbm>> -> memref<8192xf32, #tpu.memory_space<hbm>>
        tpu.enqueue_dma source(%dma_start3A_79 : memref<8192xf32, #tpu.memory_space<hbm>>) target(%arg9 : memref<8192xf32, #tpu.memory_space<vmem>>) target_semaphore(%arg15 : memref<!tpu.dma_semaphore, #tpu.memory_space<semaphore_mem>>)
      } else {
      }
      %ge3A_58 = arith.constant 2 : i32
      %ge3A_59 = arith.cmpi sge, %add3A_43, %ge3A_58 : i32
      %convert_element_type3A_60 = arith.extui %ge3A_59 : i1 to i32
      %cond3A_61 = arith.constant 0 : i32
      %cond3A_62 = arith.cmpi ne, %convert_element_type3A_60, %cond3A_61 : i32
      scf.if %cond3A_62 {
        %dma_wait3A_71 = tpu.memref_slice %arg5[%add3A_46] : memref<2097152xf32, #tpu.memory_space<hbm>> -> memref<8192xf32, #tpu.memory_space<hbm>>
        %dma_wait3A_72 = tpu.memref_slice %arg5[%add3A_46] : memref<2097152xf32, #tpu.memory_space<hbm>> -> memref<8192xf32, #tpu.memory_space<hbm>>
        tpu.wait_dma2 semaphore(%arg18 : memref<!tpu.dma_semaphore, #tpu.memory_space<semaphore_mem>>) src(%arg12 : memref<8192xf32, #tpu.memory_space<vmem>>) dst(%dma_wait3A_72 : memref<8192xf32, #tpu.memory_space<hbm>>)
      } else {
      }
      %scan3A_63 = arith.constant 0 : i32
      %scan3A_64 = arith.constant 0 : i32
      %scan3A_65 = arith.constant 128 : i32
      %scan3A_66 = arith.addi %scan3A_64, %scan3A_65 : i32
      %scan3A_67 = arith.constant 1 : i32
      scf.for %scan3A_71 = %scan3A_64 to %scan3A_66 step %scan3A_67  : i32 {
        %mul3A_72 = arith.constant 4 : i32
        %mul3A_73 = arith.muli %scan3A_71, %mul3A_72 : i32
        %mul3A_74 = arith.constant 16 : i32
        %mul3A_75 = arith.muli %mul3A_73, %mul3A_74 : i32
        %get3A = arith.index_cast %mul3A_75 : i32 to index
        %get3A_76 = tpu.vector_load %arg8[%get3A] {strides = array<i32>} : memref<8192xf32, #tpu.memory_space<vmem>>, vector<16xf32>,
        %get3A_77 = arith.index_cast %mul3A_75 : i32 to index
        %get3A_78 = tpu.vector_load %arg10[%get3A_77] {strides = array<i32>} : memref<8192xf32, #tpu.memory_space<vmem>>, vector<16xf32>,
        %mul3A_79 = arith.constant 1.000000e+04 : f32
        %mul3A_80 = vector.broadcast %mul3A_79 : f32 to vector<16xf32>
        %mul3A_81 = arith.mulf %get3A_76, %mul3A_80 : vector<16xf32>
        %convert_element_type3A_82 = arith.fptosi %mul3A_81 : vector<16xf32> to vector<16xi32>
        %mul3A_83 = arith.constant 1.500000e+01 : f32
        %mul3A_84 = vector.broadcast %mul3A_83 : f32 to vector<16xf32>
        %mul3A_85 = arith.mulf %get3A_78, %mul3A_84 : vector<16xf32>
        %convert_element_type3A_86 = arith.fptosi %mul3A_85 : vector<16xf32> to vector<16xi32>
        %shift_right_arithmetic3A = arith.constant 1 : i32
        %shift_right_arithmetic3A_87 = vector.broadcast %shift_right_arithmetic3A : i32 to vector<16xi32>
        %shift_right_arithmetic3A_88 = arith.shrsi %convert_element_type3A_86, %shift_right_arithmetic3A_87 : vector<16xi32>
        %max3A = arith.constant 1 : i32
        %max3A_89 = vector.broadcast %max3A : i32 to vector<16xi32>
        %max3A_90 = arith.maxsi %shift_right_arithmetic3A_88, %max3A_89 : vector<16xi32>
        %min3A = arith.constant 6 : i32
        %min3A_91 = vector.broadcast %min3A : i32 to vector<16xi32>
        %min3A_92 = arith.minsi %max3A_90, %min3A_91 : vector<16xi32>
        %sub3A = arith.constant 1 : i32
        %sub3A_93 = vector.broadcast %sub3A : i32 to vector<16xi32>
        %sub3A_94 = arith.subi %min3A_92, %sub3A_93 : vector<16xi32>
        %mul3A_95 = arith.constant 10000 : i32
        %mul3A_96 = vector.broadcast %mul3A_95 : i32 to vector<16xi32>
        %mul3A_97 = arith.muli %sub3A_94, %mul3A_96 : vector<16xi32>
        %add3A_98 = arith.addi %mul3A_97, %convert_element_type3A_82 : vector<16xi32>
        %convert_element_type3A_99 = arith.sitofp %sub3A_94 : vector<16xi32> to vector<16xf32>
        %mul3A_100 = arith.constant 0.13333334 : f32
        %mul3A_101 = vector.broadcast %mul3A_100 : f32 to vector<16xf32>
        %mul3A_102 = arith.mulf %convert_element_type3A_99, %mul3A_101 : vector<16xf32>
        %sub3A_103 = arith.subf %get3A_78, %mul3A_102 : vector<16xf32>
        %broadcast_in_dim3A = arith.constant 0.000000e+00 : f32
        %broadcast_in_dim3A_104 = vector.broadcast %broadcast_in_dim3A : f32 to vector<16xf32>
        %broadcast_in_dim3A_105 = arith.constant 0.000000e+00 : f32
        %broadcast_in_dim3A_106 = vector.broadcast %broadcast_in_dim3A_105 : f32 to vector<16xf32>
        %add3A_107 = arith.constant 0 : i32
        %add3A_108 = vector.broadcast %add3A_107 : i32 to vector<16xi32>
        %add3A_109 = arith.addi %add3A_98, %add3A_108 : vector<16xi32>
        %gather3A = tpu.vector_load_idx %arg6[%add3A_109] : memref<80000xi32, #tpu.memory_space<vmem>>[vector<16xi32>], vector<16xi32>,
        %shift_left3A = arith.constant 16 : i32
        %shift_left3A_110 = vector.broadcast %shift_left3A : i32 to vector<16xi32>
        %shift_left3A_111 = arith.shli %gather3A, %shift_left3A_110 : vector<16xi32>
        %bitcast_convert_type3A = tpu.bitcast %shift_left3A_111 : vector<16xi32> -> vector<16xf32>
        %and3A = arith.constant -65536 : i32
        %and3A_112 = vector.broadcast %and3A : i32 to vector<16xi32>
        %and3A_113 = arith.andi %gather3A, %and3A_112 : vector<16xi32>
        %bitcast_convert_type3A_114 = tpu.bitcast %and3A_113 : vector<16xi32> -> vector<16xf32>
        %sub3A_115 = arith.constant 0.000000e+00 : f32
        %sub3A_116 = vector.broadcast %sub3A_115 : f32 to vector<16xf32>
        %sub3A_117 = arith.subf %sub3A_103, %sub3A_116 : vector<16xf32>
        %sub3A_118 = arith.constant 0.0666666701 : f32
        %sub3A_119 = vector.broadcast %sub3A_118 : f32 to vector<16xf32>
        %sub3A_120 = arith.subf %sub3A_117, %sub3A_119 : vector<16xf32>
        %abs3A = math.absf %sub3A_117 : vector<16xf32>
        %sub3A_121 = arith.constant 0.0676666647 : f32
        %sub3A_122 = vector.broadcast %sub3A_121 : f32 to vector<16xf32>
        %sub3A_123 = arith.subf %sub3A_122, %abs3A : vector<16xf32>
        %max3A_124 = arith.constant 0.000000e+00 : f32
        %max3A_125 = vector.broadcast %max3A_124 : f32 to vector<16xf32>
        %max3A_126 = arith.maximumf %sub3A_123, %max3A_125 : vector<16xf32>
        %abs3A_127 = math.absf %sub3A_120 : vector<16xf32>
        %sub3A_128 = arith.constant 0.0676666647 : f32
        %sub3A_129 = vector.broadcast %sub3A_128 : f32 to vector<16xf32>
        %sub3A_130 = arith.subf %sub3A_129, %abs3A_127 : vector<16xf32>
        %max3A_131 = arith.constant 0.000000e+00 : f32
        %max3A_132 = vector.broadcast %max3A_131 : f32 to vector<16xf32>
        %max3A_133 = arith.maximumf %sub3A_130, %max3A_132 : vector<16xf32>
        %mul3A_134 = arith.mulf %max3A_126, %bitcast_convert_type3A : vector<16xf32>
        %add3A_135 = arith.addf %broadcast_in_dim3A_104, %mul3A_134 : vector<16xf32>
        %mul3A_136 = arith.mulf %max3A_133, %bitcast_convert_type3A_114 : vector<16xf32>
        %add3A_137 = arith.addf %add3A_135, %mul3A_136 : vector<16xf32>
        %add3A_138 = arith.addf %broadcast_in_dim3A_106, %max3A_126 : vector<16xf32>
        %add3A_139 = arith.addf %add3A_138, %max3A_133 : vector<16xf32>
        %add3A_140 = arith.constant 10000 : i32
        %add3A_141 = vector.broadcast %add3A_140 : i32 to vector<16xi32>
        %add3A_142 = arith.addi %add3A_98, %add3A_141 : vector<16xi32>
        %gather3A_143 = tpu.vector_load_idx %arg6[%add3A_142] : memref<80000xi32, #tpu.memory_space<vmem>>[vector<16xi32>], vector<16xi32>,
        %shift_left3A_144 = arith.constant 16 : i32
        %shift_left3A_145 = vector.broadcast %shift_left3A_144 : i32 to vector<16xi32>
        %shift_left3A_146 = arith.shli %gather3A_143, %shift_left3A_145 : vector<16xi32>
        %bitcast_convert_type3A_147 = tpu.bitcast %shift_left3A_146 : vector<16xi32> -> vector<16xf32>
        %and3A_148 = arith.constant -65536 : i32
        %and3A_149 = vector.broadcast %and3A_148 : i32 to vector<16xi32>
        %and3A_150 = arith.andi %gather3A_143, %and3A_149 : vector<16xi32>
        %bitcast_convert_type3A_151 = tpu.bitcast %and3A_150 : vector<16xi32> -> vector<16xf32>
        %sub3A_152 = arith.constant 0.13333334 : f32
        %sub3A_153 = vector.broadcast %sub3A_152 : f32 to vector<16xf32>
        %sub3A_154 = arith.subf %sub3A_103, %sub3A_153 : vector<16xf32>
        %sub3A_155 = arith.constant 0.0666666701 : f32
        %sub3A_156 = vector.broadcast %sub3A_155 : f32 to vector<16xf32>
        %sub3A_157 = arith.subf %sub3A_154, %sub3A_156 : vector<16xf32>
        %abs3A_158 = math.absf %sub3A_154 : vector<16xf32>
        %sub3A_159 = arith.constant 0.0676666647 : f32
        %sub3A_160 = vector.broadcast %sub3A_159 : f32 to vector<16xf32>
        %sub3A_161 = arith.subf %sub3A_160, %abs3A_158 : vector<16xf32>
        %max3A_162 = arith.constant 0.000000e+00 : f32
        %max3A_163 = vector.broadcast %max3A_162 : f32 to vector<16xf32>
        %max3A_164 = arith.maximumf %sub3A_161, %max3A_163 : vector<16xf32>
        %abs3A_165 = math.absf %sub3A_157 : vector<16xf32>
        %sub3A_166 = arith.constant 0.0676666647 : f32
        %sub3A_167 = vector.broadcast %sub3A_166 : f32 to vector<16xf32>
        %sub3A_168 = arith.subf %sub3A_167, %abs3A_165 : vector<16xf32>
        %max3A_169 = arith.constant 0.000000e+00 : f32
        %max3A_170 = vector.broadcast %max3A_169 : f32 to vector<16xf32>
        %max3A_171 = arith.maximumf %sub3A_168, %max3A_170 : vector<16xf32>
        %mul3A_172 = arith.mulf %max3A_164, %bitcast_convert_type3A_147 : vector<16xf32>
        %add3A_173 = arith.addf %add3A_137, %mul3A_172 : vector<16xf32>
        %mul3A_174 = arith.mulf %max3A_171, %bitcast_convert_type3A_151 : vector<16xf32>
        %add3A_175 = arith.addf %add3A_173, %mul3A_174 : vector<16xf32>
        %add3A_176 = arith.addf %add3A_139, %max3A_164 : vector<16xf32>
        %add3A_177 = arith.addf %add3A_176, %max3A_171 : vector<16xf32>
        %add3A_178 = arith.constant 20000 : i32
        %add3A_179 = vector.broadcast %add3A_178 : i32 to vector<16xi32>
        %add3A_180 = arith.addi %add3A_98, %add3A_179 : vector<16xi32>
        %gather3A_181 = tpu.vector_load_idx %arg6[%add3A_180] : memref<80000xi32, #tpu.memory_space<vmem>>[vector<16xi32>], vector<16xi32>,
        %shift_left3A_182 = arith.constant 16 : i32
        %shift_left3A_183 = vector.broadcast %shift_left3A_182 : i32 to vector<16xi32>
        %shift_left3A_184 = arith.shli %gather3A_181, %shift_left3A_183 : vector<16xi32>
        %bitcast_convert_type3A_185 = tpu.bitcast %shift_left3A_184 : vector<16xi32> -> vector<16xf32>
        %and3A_186 = arith.constant -65536 : i32
        %and3A_187 = vector.broadcast %and3A_186 : i32 to vector<16xi32>
        %and3A_188 = arith.andi %gather3A_181, %and3A_187 : vector<16xi32>
        %bitcast_convert_type3A_189 = tpu.bitcast %and3A_188 : vector<16xi32> -> vector<16xf32>
        %sub3A_190 = arith.constant 0.266666681 : f32
        %sub3A_191 = vector.broadcast %sub3A_190 : f32 to vector<16xf32>
        %sub3A_192 = arith.subf %sub3A_103, %sub3A_191 : vector<16xf32>
        %sub3A_193 = arith.constant 0.0666666701 : f32
        %sub3A_194 = vector.broadcast %sub3A_193 : f32 to vector<16xf32>
        %sub3A_195 = arith.subf %sub3A_192, %sub3A_194 : vector<16xf32>
        %abs3A_196 = math.absf %sub3A_192 : vector<16xf32>
        %sub3A_197 = arith.constant 0.0676666647 : f32
        %sub3A_198 = vector.broadcast %sub3A_197 : f32 to vector<16xf32>
        %sub3A_199 = arith.subf %sub3A_198, %abs3A_196 : vector<16xf32>
        %max3A_200 = arith.constant 0.000000e+00 : f32
        %max3A_201 = vector.broadcast %max3A_200 : f32 to vector<16xf32>
        %max3A_202 = arith.maximumf %sub3A_199, %max3A_201 : vector<16xf32>
        %abs3A_203 = math.absf %sub3A_195 : vector<16xf32>
        %sub3A_204 = arith.constant 0.0676666647 : f32
        %sub3A_205 = vector.broadcast %sub3A_204 : f32 to vector<16xf32>
        %sub3A_206 = arith.subf %sub3A_205, %abs3A_203 : vector<16xf32>
        %max3A_207 = arith.constant 0.000000e+00 : f32
        %max3A_208 = vector.broadcast %max3A_207 : f32 to vector<16xf32>
        %max3A_209 = arith.maximumf %sub3A_206, %max3A_208 : vector<16xf32>
        %mul3A_210 = arith.mulf %max3A_202, %bitcast_convert_type3A_185 : vector<16xf32>
        %add3A_211 = arith.addf %add3A_175, %mul3A_210 : vector<16xf32>
        %mul3A_212 = arith.mulf %max3A_209, %bitcast_convert_type3A_189 : vector<16xf32>
        %add3A_213 = arith.addf %add3A_211, %mul3A_212 : vector<16xf32>
        %add3A_214 = arith.addf %add3A_177, %max3A_202 : vector<16xf32>
        %add3A_215 = arith.addf %add3A_214, %max3A_209 : vector<16xf32>
        %add3A_216 = arith.constant 9.99999997E-7 : f32
        %add3A_217 = vector.broadcast %add3A_216 : f32 to vector<16xf32>
        %add3A_218 = arith.addf %add3A_217, %add3A_215 : vector<16xf32>
        %mul3A_219 = arith.constant 14.4613161 : f32
        %mul3A_220 = vector.broadcast %mul3A_219 : f32 to vector<16xf32>
        %mul3A_221 = arith.mulf %add3A_218, %mul3A_220 : vector<16xf32>
        %sub3A_222 = arith.constant 2.000000e+00 : f32
        %sub3A_223 = vector.broadcast %sub3A_222 : f32 to vector<16xf32>
        %sub3A_224 = arith.subf %sub3A_223, %mul3A_221 : vector<16xf32>
        %mul3A_225 = arith.constant 14.4613161 : f32
        %mul3A_226 = vector.broadcast %mul3A_225 : f32 to vector<16xf32>
        %mul3A_227 = arith.mulf %mul3A_226, %sub3A_224 : vector<16xf32>
        %mul3A_228 = arith.mulf %add3A_213, %mul3A_227 : vector<16xf32>
        %swap3A = arith.index_cast %mul3A_75 : i32 to index
        %swap3A_229 = tpu.vector_load %arg12[%swap3A] {strides = array<i32>} : memref<8192xf32, #tpu.memory_space<vmem>>, vector<16xf32>,
        tpu.vector_store %arg12[%swap3A], %mul3A_228 {strides = array<i32>} : memref<8192xf32, #tpu.memory_space<vmem>>, vector<16xf32>,
        %mul3A_230 = arith.constant 4 : i32
        %mul3A_231 = arith.muli %scan3A_71, %mul3A_230 : i32
        %add3A_232 = arith.constant 1 : i32
        %add3A_233 = arith.addi %mul3A_231, %add3A_232 : i32
        %mul3A_234 = arith.constant 16 : i32
        %mul3A_235 = arith.muli %add3A_233, %mul3A_234 : i32
        %get3A_236 = arith.index_cast %mul3A_235 : i32 to index
        %get3A_237 = tpu.vector_load %arg8[%get3A_236] {strides = array<i32>} : memref<8192xf32, #tpu.memory_space<vmem>>, vector<16xf32>,
        %get3A_238 = arith.index_cast %mul3A_235 : i32 to index
        %get3A_239 = tpu.vector_load %arg10[%get3A_238] {strides = array<i32>} : memref<8192xf32, #tpu.memory_space<vmem>>, vector<16xf32>,
        %mul3A_240 = arith.constant 1.000000e+04 : f32
        %mul3A_241 = vector.broadcast %mul3A_240 : f32 to vector<16xf32>
        %mul3A_242 = arith.mulf %get3A_237, %mul3A_241 : vector<16xf32>
        %convert_element_type3A_243 = arith.fptosi %mul3A_242 : vector<16xf32> to vector<16xi32>
        %mul3A_244 = arith.constant 1.500000e+01 : f32
        %mul3A_245 = vector.broadcast %mul3A_244 : f32 to vector<16xf32>
        %mul3A_246 = arith.mulf %get3A_239, %mul3A_245 : vector<16xf32>
        %convert_element_type3A_247 = arith.fptosi %mul3A_246 : vector<16xf32> to vector<16xi32>
        %shift_right_arithmetic3A_248 = arith.constant 1 : i32
        %shift_right_arithmetic3A_249 = vector.broadcast %shift_right_arithmetic3A_248 : i32 to vector<16xi32>
        %shift_right_arithmetic3A_250 = arith.shrsi %convert_element_type3A_247, %shift_right_arithmetic3A_249 : vector<16xi32>
        %max3A_251 = arith.constant 1 : i32
        %max3A_252 = vector.broadcast %max3A_251 : i32 to vector<16xi32>
        %max3A_253 = arith.maxsi %shift_right_arithmetic3A_250, %max3A_252 : vector<16xi32>
        %min3A_254 = arith.constant 6 : i32
        %min3A_255 = vector.broadcast %min3A_254 : i32 to vector<16xi32>
        %min3A_256 = arith.minsi %max3A_253, %min3A_255 : vector<16xi32>
        %sub3A_257 = arith.constant 1 : i32
        %sub3A_258 = vector.broadcast %sub3A_257 : i32 to vector<16xi32>
        %sub3A_259 = arith.subi %min3A_256, %sub3A_258 : vector<16xi32>
        %mul3A_260 = arith.constant 10000 : i32
        %mul3A_261 = vector.broadcast %mul3A_260 : i32 to vector<16xi32>
        %mul3A_262 = arith.muli %sub3A_259, %mul3A_261 : vector<16xi32>
        %add3A_263 = arith.addi %mul3A_262, %convert_element_type3A_243 : vector<16xi32>
        %convert_element_type3A_264 = arith.sitofp %sub3A_259 : vector<16xi32> to vector<16xf32>
        %mul3A_265 = arith.constant 0.13333334 : f32
        %mul3A_266 = vector.broadcast %mul3A_265 : f32 to vector<16xf32>
        %mul3A_267 = arith.mulf %convert_element_type3A_264, %mul3A_266 : vector<16xf32>
        %sub3A_268 = arith.subf %get3A_239, %mul3A_267 : vector<16xf32>
        %broadcast_in_dim3A_269 = arith.constant 0.000000e+00 : f32
        %broadcast_in_dim3A_270 = vector.broadcast %broadcast_in_dim3A_269 : f32 to vector<16xf32>
        %broadcast_in_dim3A_271 = arith.constant 0.000000e+00 : f32
        %broadcast_in_dim3A_272 = vector.broadcast %broadcast_in_dim3A_271 : f32 to vector<16xf32>
        %add3A_273 = arith.constant 0 : i32
        %add3A_274 = vector.broadcast %add3A_273 : i32 to vector<16xi32>
        %add3A_275 = arith.addi %add3A_263, %add3A_274 : vector<16xi32>
        %gather3A_276 = tpu.vector_load_idx %arg6[%add3A_275] : memref<80000xi32, #tpu.memory_space<vmem>>[vector<16xi32>], vector<16xi32>,
        %shift_left3A_277 = arith.constant 16 : i32
        %shift_left3A_278 = vector.broadcast %shift_left3A_277 : i32 to vector<16xi32>
        %shift_left3A_279 = arith.shli %gather3A_276, %shift_left3A_278 : vector<16xi32>
        %bitcast_convert_type3A_280 = tpu.bitcast %shift_left3A_279 : vector<16xi32> -> vector<16xf32>
        %and3A_281 = arith.constant -65536 : i32
        %and3A_282 = vector.broadcast %and3A_281 : i32 to vector<16xi32>
        %and3A_283 = arith.andi %gather3A_276, %and3A_282 : vector<16xi32>
        %bitcast_convert_type3A_284 = tpu.bitcast %and3A_283 : vector<16xi32> -> vector<16xf32>
        %sub3A_285 = arith.constant 0.000000e+00 : f32
        %sub3A_286 = vector.broadcast %sub3A_285 : f32 to vector<16xf32>
        %sub3A_287 = arith.subf %sub3A_268, %sub3A_286 : vector<16xf32>
        %sub3A_288 = arith.constant 0.0666666701 : f32
        %sub3A_289 = vector.broadcast %sub3A_288 : f32 to vector<16xf32>
        %sub3A_290 = arith.subf %sub3A_287, %sub3A_289 : vector<16xf32>
        %abs3A_291 = math.absf %sub3A_287 : vector<16xf32>
        %sub3A_292 = arith.constant 0.0676666647 : f32
        %sub3A_293 = vector.broadcast %sub3A_292 : f32 to vector<16xf32>
        %sub3A_294 = arith.subf %sub3A_293, %abs3A_291 : vector<16xf32>
        %max3A_295 = arith.constant 0.000000e+00 : f32
        %max3A_296 = vector.broadcast %max3A_295 : f32 to vector<16xf32>
        %max3A_297 = arith.maximumf %sub3A_294, %max3A_296 : vector<16xf32>
        %abs3A_298 = math.absf %sub3A_290 : vector<16xf32>
        %sub3A_299 = arith.constant 0.0676666647 : f32
        %sub3A_300 = vector.broadcast %sub3A_299 : f32 to vector<16xf32>
        %sub3A_301 = arith.subf %sub3A_300, %abs3A_298 : vector<16xf32>
        %max3A_302 = arith.constant 0.000000e+00 : f32
        %max3A_303 = vector.broadcast %max3A_302 : f32 to vector<16xf32>
        %max3A_304 = arith.maximumf %sub3A_301, %max3A_303 : vector<16xf32>
        %mul3A_305 = arith.mulf %max3A_297, %bitcast_convert_type3A_280 : vector<16xf32>
        %add3A_306 = arith.addf %broadcast_in_dim3A_270, %mul3A_305 : vector<16xf32>
        %mul3A_307 = arith.mulf %max3A_304, %bitcast_convert_type3A_284 : vector<16xf32>
        %add3A_308 = arith.addf %add3A_306, %mul3A_307 : vector<16xf32>
        %add3A_309 = arith.addf %broadcast_in_dim3A_272, %max3A_297 : vector<16xf32>
        %add3A_310 = arith.addf %add3A_309, %max3A_304 : vector<16xf32>
        %add3A_311 = arith.constant 10000 : i32
        %add3A_312 = vector.broadcast %add3A_311 : i32 to vector<16xi32>
        %add3A_313 = arith.addi %add3A_263, %add3A_312 : vector<16xi32>
        %gather3A_314 = tpu.vector_load_idx %arg6[%add3A_313] : memref<80000xi32, #tpu.memory_space<vmem>>[vector<16xi32>], vector<16xi32>,
        %shift_left3A_315 = arith.constant 16 : i32
        %shift_left3A_316 = vector.broadcast %shift_left3A_315 : i32 to vector<16xi32>
        %shift_left3A_317 = arith.shli %gather3A_314, %shift_left3A_316 : vector<16xi32>
        %bitcast_convert_type3A_318 = tpu.bitcast %shift_left3A_317 : vector<16xi32> -> vector<16xf32>
        %and3A_319 = arith.constant -65536 : i32
        %and3A_320 = vector.broadcast %and3A_319 : i32 to vector<16xi32>
        %and3A_321 = arith.andi %gather3A_314, %and3A_320 : vector<16xi32>
        %bitcast_convert_type3A_322 = tpu.bitcast %and3A_321 : vector<16xi32> -> vector<16xf32>
        %sub3A_323 = arith.constant 0.13333334 : f32
        %sub3A_324 = vector.broadcast %sub3A_323 : f32 to vector<16xf32>
        %sub3A_325 = arith.subf %sub3A_268, %sub3A_324 : vector<16xf32>
        %sub3A_326 = arith.constant 0.0666666701 : f32
        %sub3A_327 = vector.broadcast %sub3A_326 : f32 to vector<16xf32>
        %sub3A_328 = arith.subf %sub3A_325, %sub3A_327 : vector<16xf32>
        %abs3A_329 = math.absf %sub3A_325 : vector<16xf32>
        %sub3A_330 = arith.constant 0.0676666647 : f32
        %sub3A_331 = vector.broadcast %sub3A_330 : f32 to vector<16xf32>
        %sub3A_332 = arith.subf %sub3A_331, %abs3A_329 : vector<16xf32>
        %max3A_333 = arith.constant 0.000000e+00 : f32
        %max3A_334 = vector.broadcast %max3A_333 : f32 to vector<16xf32>
        %max3A_335 = arith.maximumf %sub3A_332, %max3A_334 : vector<16xf32>
        %abs3A_336 = math.absf %sub3A_328 : vector<16xf32>
        %sub3A_337 = arith.constant 0.0676666647 : f32
        %sub3A_338 = vector.broadcast %sub3A_337 : f32 to vector<16xf32>
        %sub3A_339 = arith.subf %sub3A_338, %abs3A_336 : vector<16xf32>
        %max3A_340 = arith.constant 0.000000e+00 : f32
        %max3A_341 = vector.broadcast %max3A_340 : f32 to vector<16xf32>
        %max3A_342 = arith.maximumf %sub3A_339, %max3A_341 : vector<16xf32>
        %mul3A_343 = arith.mulf %max3A_335, %bitcast_convert_type3A_318 : vector<16xf32>
        %add3A_344 = arith.addf %add3A_308, %mul3A_343 : vector<16xf32>
        %mul3A_345 = arith.mulf %max3A_342, %bitcast_convert_type3A_322 : vector<16xf32>
        %add3A_346 = arith.addf %add3A_344, %mul3A_345 : vector<16xf32>
        %add3A_347 = arith.addf %add3A_310, %max3A_335 : vector<16xf32>
        %add3A_348 = arith.addf %add3A_347, %max3A_342 : vector<16xf32>
        %add3A_349 = arith.constant 20000 : i32
        %add3A_350 = vector.broadcast %add3A_349 : i32 to vector<16xi32>
        %add3A_351 = arith.addi %add3A_263, %add3A_350 : vector<16xi32>
        %gather3A_352 = tpu.vector_load_idx %arg6[%add3A_351] : memref<80000xi32, #tpu.memory_space<vmem>>[vector<16xi32>], vector<16xi32>,
        %shift_left3A_353 = arith.constant 16 : i32
        %shift_left3A_354 = vector.broadcast %shift_left3A_353 : i32 to vector<16xi32>
        %shift_left3A_355 = arith.shli %gather3A_352, %shift_left3A_354 : vector<16xi32>
        %bitcast_convert_type3A_356 = tpu.bitcast %shift_left3A_355 : vector<16xi32> -> vector<16xf32>
        %and3A_357 = arith.constant -65536 : i32
        %and3A_358 = vector.broadcast %and3A_357 : i32 to vector<16xi32>
        %and3A_359 = arith.andi %gather3A_352, %and3A_358 : vector<16xi32>
        %bitcast_convert_type3A_360 = tpu.bitcast %and3A_359 : vector<16xi32> -> vector<16xf32>
        %sub3A_361 = arith.constant 0.266666681 : f32
        %sub3A_362 = vector.broadcast %sub3A_361 : f32 to vector<16xf32>
        %sub3A_363 = arith.subf %sub3A_268, %sub3A_362 : vector<16xf32>
        %sub3A_364 = arith.constant 0.0666666701 : f32
        %sub3A_365 = vector.broadcast %sub3A_364 : f32 to vector<16xf32>
        %sub3A_366 = arith.subf %sub3A_363, %sub3A_365 : vector<16xf32>
        %abs3A_367 = math.absf %sub3A_363 : vector<16xf32>
        %sub3A_368 = arith.constant 0.0676666647 : f32
        %sub3A_369 = vector.broadcast %sub3A_368 : f32 to vector<16xf32>
        %sub3A_370 = arith.subf %sub3A_369, %abs3A_367 : vector<16xf32>
        %max3A_371 = arith.constant 0.000000e+00 : f32
        %max3A_372 = vector.broadcast %max3A_371 : f32 to vector<16xf32>
        %max3A_373 = arith.maximumf %sub3A_370, %max3A_372 : vector<16xf32>
        %abs3A_374 = math.absf %sub3A_366 : vector<16xf32>
        %sub3A_375 = arith.constant 0.0676666647 : f32
        %sub3A_376 = vector.broadcast %sub3A_375 : f32 to vector<16xf32>
        %sub3A_377 = arith.subf %sub3A_376, %abs3A_374 : vector<16xf32>
        %max3A_378 = arith.constant 0.000000e+00 : f32
        %max3A_379 = vector.broadcast %max3A_378 : f32 to vector<16xf32>
        %max3A_380 = arith.maximumf %sub3A_377, %max3A_379 : vector<16xf32>
        %mul3A_381 = arith.mulf %max3A_373, %bitcast_convert_type3A_356 : vector<16xf32>
        %add3A_382 = arith.addf %add3A_346, %mul3A_381 : vector<16xf32>
        %mul3A_383 = arith.mulf %max3A_380, %bitcast_convert_type3A_360 : vector<16xf32>
        %add3A_384 = arith.addf %add3A_382, %mul3A_383 : vector<16xf32>
        %add3A_385 = arith.addf %add3A_348, %max3A_373 : vector<16xf32>
        %add3A_386 = arith.addf %add3A_385, %max3A_380 : vector<16xf32>
        %add3A_387 = arith.constant 9.99999997E-7 : f32
        %add3A_388 = vector.broadcast %add3A_387 : f32 to vector<16xf32>
        %add3A_389 = arith.addf %add3A_388, %add3A_386 : vector<16xf32>
        %mul3A_390 = arith.constant 14.4613161 : f32
        %mul3A_391 = vector.broadcast %mul3A_390 : f32 to vector<16xf32>
        %mul3A_392 = arith.mulf %add3A_389, %mul3A_391 : vector<16xf32>
        %sub3A_393 = arith.constant 2.000000e+00 : f32
        %sub3A_394 = vector.broadcast %sub3A_393 : f32 to vector<16xf32>
        %sub3A_395 = arith.subf %sub3A_394, %mul3A_392 : vector<16xf32>
        %mul3A_396 = arith.constant 14.4613161 : f32
        %mul3A_397 = vector.broadcast %mul3A_396 : f32 to vector<16xf32>
        %mul3A_398 = arith.mulf %mul3A_397, %sub3A_395 : vector<16xf32>
        %mul3A_399 = arith.mulf %add3A_384, %mul3A_398 : vector<16xf32>
        %swap3A_400 = arith.index_cast %mul3A_235 : i32 to index
        %swap3A_401 = tpu.vector_load %arg12[%swap3A_400] {strides = array<i32>} : memref<8192xf32, #tpu.memory_space<vmem>>, vector<16xf32>,
        tpu.vector_store %arg12[%swap3A_400], %mul3A_399 {strides = array<i32>} : memref<8192xf32, #tpu.memory_space<vmem>>, vector<16xf32>,
        %mul3A_402 = arith.constant 4 : i32
        %mul3A_403 = arith.muli %scan3A_71, %mul3A_402 : i32
        %add3A_404 = arith.constant 2 : i32
        %add3A_405 = arith.addi %mul3A_403, %add3A_404 : i32
        %mul3A_406 = arith.constant 16 : i32
        %mul3A_407 = arith.muli %add3A_405, %mul3A_406 : i32
        %get3A_408 = arith.index_cast %mul3A_407 : i32 to index
        %get3A_409 = tpu.vector_load %arg8[%get3A_408] {strides = array<i32>} : memref<8192xf32, #tpu.memory_space<vmem>>, vector<16xf32>,
        %get3A_410 = arith.index_cast %mul3A_407 : i32 to index
        %get3A_411 = tpu.vector_load %arg10[%get3A_410] {strides = array<i32>} : memref<8192xf32, #tpu.memory_space<vmem>>, vector<16xf32>,
        %mul3A_412 = arith.constant 1.000000e+04 : f32
        %mul3A_413 = vector.broadcast %mul3A_412 : f32 to vector<16xf32>
        %mul3A_414 = arith.mulf %get3A_409, %mul3A_413 : vector<16xf32>
        %convert_element_type3A_415 = arith.fptosi %mul3A_414 : vector<16xf32> to vector<16xi32>
        %mul3A_416 = arith.constant 1.500000e+01 : f32
        %mul3A_417 = vector.broadcast %mul3A_416 : f32 to vector<16xf32>
        %mul3A_418 = arith.mulf %get3A_411, %mul3A_417 : vector<16xf32>
        %convert_element_type3A_419 = arith.fptosi %mul3A_418 : vector<16xf32> to vector<16xi32>
        %shift_right_arithmetic3A_420 = arith.constant 1 : i32
        %shift_right_arithmetic3A_421 = vector.broadcast %shift_right_arithmetic3A_420 : i32 to vector<16xi32>
        %shift_right_arithmetic3A_422 = arith.shrsi %convert_element_type3A_419, %shift_right_arithmetic3A_421 : vector<16xi32>
        %max3A_423 = arith.constant 1 : i32
        %max3A_424 = vector.broadcast %max3A_423 : i32 to vector<16xi32>
        %max3A_425 = arith.maxsi %shift_right_arithmetic3A_422, %max3A_424 : vector<16xi32>
        %min3A_426 = arith.constant 6 : i32
        %min3A_427 = vector.broadcast %min3A_426 : i32 to vector<16xi32>
        %min3A_428 = arith.minsi %max3A_425, %min3A_427 : vector<16xi32>
        %sub3A_429 = arith.constant 1 : i32
        %sub3A_430 = vector.broadcast %sub3A_429 : i32 to vector<16xi32>
        %sub3A_431 = arith.subi %min3A_428, %sub3A_430 : vector<16xi32>
        %mul3A_432 = arith.constant 10000 : i32
        %mul3A_433 = vector.broadcast %mul3A_432 : i32 to vector<16xi32>
        %mul3A_434 = arith.muli %sub3A_431, %mul3A_433 : vector<16xi32>
        %add3A_435 = arith.addi %mul3A_434, %convert_element_type3A_415 : vector<16xi32>
        %convert_element_type3A_436 = arith.sitofp %sub3A_431 : vector<16xi32> to vector<16xf32>
        %mul3A_437 = arith.constant 0.13333334 : f32
        %mul3A_438 = vector.broadcast %mul3A_437 : f32 to vector<16xf32>
        %mul3A_439 = arith.mulf %convert_element_type3A_436, %mul3A_438 : vector<16xf32>
        %sub3A_440 = arith.subf %get3A_411, %mul3A_439 : vector<16xf32>
        %broadcast_in_dim3A_441 = arith.constant 0.000000e+00 : f32
        %broadcast_in_dim3A_442 = vector.broadcast %broadcast_in_dim3A_441 : f32 to vector<16xf32>
        %broadcast_in_dim3A_443 = arith.constant 0.000000e+00 : f32
        %broadcast_in_dim3A_444 = vector.broadcast %broadcast_in_dim3A_443 : f32 to vector<16xf32>
        %add3A_445 = arith.constant 0 : i32
        %add3A_446 = vector.broadcast %add3A_445 : i32 to vector<16xi32>
        %add3A_447 = arith.addi %add3A_435, %add3A_446 : vector<16xi32>
        %gather3A_448 = tpu.vector_load_idx %arg6[%add3A_447] : memref<80000xi32, #tpu.memory_space<vmem>>[vector<16xi32>], vector<16xi32>,
        %shift_left3A_449 = arith.constant 16 : i32
        %shift_left3A_450 = vector.broadcast %shift_left3A_449 : i32 to vector<16xi32>
        %shift_left3A_451 = arith.shli %gather3A_448, %shift_left3A_450 : vector<16xi32>
        %bitcast_convert_type3A_452 = tpu.bitcast %shift_left3A_451 : vector<16xi32> -> vector<16xf32>
        %and3A_453 = arith.constant -65536 : i32
        %and3A_454 = vector.broadcast %and3A_453 : i32 to vector<16xi32>
        %and3A_455 = arith.andi %gather3A_448, %and3A_454 : vector<16xi32>
        %bitcast_convert_type3A_456 = tpu.bitcast %and3A_455 : vector<16xi32> -> vector<16xf32>
        %sub3A_457 = arith.constant 0.000000e+00 : f32
        %sub3A_458 = vector.broadcast %sub3A_457 : f32 to vector<16xf32>
        %sub3A_459 = arith.subf %sub3A_440, %sub3A_458 : vector<16xf32>
        %sub3A_460 = arith.constant 0.0666666701 : f32
        %sub3A_461 = vector.broadcast %sub3A_460 : f32 to vector<16xf32>
        %sub3A_462 = arith.subf %sub3A_459, %sub3A_461 : vector<16xf32>
        %abs3A_463 = math.absf %sub3A_459 : vector<16xf32>
        %sub3A_464 = arith.constant 0.0676666647 : f32
        %sub3A_465 = vector.broadcast %sub3A_464 : f32 to vector<16xf32>
        %sub3A_466 = arith.subf %sub3A_465, %abs3A_463 : vector<16xf32>
        %max3A_467 = arith.constant 0.000000e+00 : f32
        %max3A_468 = vector.broadcast %max3A_467 : f32 to vector<16xf32>
        %max3A_469 = arith.maximumf %sub3A_466, %max3A_468 : vector<16xf32>
        %abs3A_470 = math.absf %sub3A_462 : vector<16xf32>
        %sub3A_471 = arith.constant 0.0676666647 : f32
        %sub3A_472 = vector.broadcast %sub3A_471 : f32 to vector<16xf32>
        %sub3A_473 = arith.subf %sub3A_472, %abs3A_470 : vector<16xf32>
        %max3A_474 = arith.constant 0.000000e+00 : f32
        %max3A_475 = vector.broadcast %max3A_474 : f32 to vector<16xf32>
        %max3A_476 = arith.maximumf %sub3A_473, %max3A_475 : vector<16xf32>
        %mul3A_477 = arith.mulf %max3A_469, %bitcast_convert_type3A_452 : vector<16xf32>
        %add3A_478 = arith.addf %broadcast_in_dim3A_442, %mul3A_477 : vector<16xf32>
        %mul3A_479 = arith.mulf %max3A_476, %bitcast_convert_type3A_456 : vector<16xf32>
        %add3A_480 = arith.addf %add3A_478, %mul3A_479 : vector<16xf32>
        %add3A_481 = arith.addf %broadcast_in_dim3A_444, %max3A_469 : vector<16xf32>
        %add3A_482 = arith.addf %add3A_481, %max3A_476 : vector<16xf32>
        %add3A_483 = arith.constant 10000 : i32
        %add3A_484 = vector.broadcast %add3A_483 : i32 to vector<16xi32>
        %add3A_485 = arith.addi %add3A_435, %add3A_484 : vector<16xi32>
        %gather3A_486 = tpu.vector_load_idx %arg6[%add3A_485] : memref<80000xi32, #tpu.memory_space<vmem>>[vector<16xi32>], vector<16xi32>,
        %shift_left3A_487 = arith.constant 16 : i32
        %shift_left3A_488 = vector.broadcast %shift_left3A_487 : i32 to vector<16xi32>
        %shift_left3A_489 = arith.shli %gather3A_486, %shift_left3A_488 : vector<16xi32>
        %bitcast_convert_type3A_490 = tpu.bitcast %shift_left3A_489 : vector<16xi32> -> vector<16xf32>
        %and3A_491 = arith.constant -65536 : i32
        %and3A_492 = vector.broadcast %and3A_491 : i32 to vector<16xi32>
        %and3A_493 = arith.andi %gather3A_486, %and3A_492 : vector<16xi32>
        %bitcast_convert_type3A_494 = tpu.bitcast %and3A_493 : vector<16xi32> -> vector<16xf32>
        %sub3A_495 = arith.constant 0.13333334 : f32
        %sub3A_496 = vector.broadcast %sub3A_495 : f32 to vector<16xf32>
        %sub3A_497 = arith.subf %sub3A_440, %sub3A_496 : vector<16xf32>
        %sub3A_498 = arith.constant 0.0666666701 : f32
        %sub3A_499 = vector.broadcast %sub3A_498 : f32 to vector<16xf32>
        %sub3A_500 = arith.subf %sub3A_497, %sub3A_499 : vector<16xf32>
        %abs3A_501 = math.absf %sub3A_497 : vector<16xf32>
        %sub3A_502 = arith.constant 0.0676666647 : f32
        %sub3A_503 = vector.broadcast %sub3A_502 : f32 to vector<16xf32>
        %sub3A_504 = arith.subf %sub3A_503, %abs3A_501 : vector<16xf32>
        %max3A_505 = arith.constant 0.000000e+00 : f32
        %max3A_506 = vector.broadcast %max3A_505 : f32 to vector<16xf32>
        %max3A_507 = arith.maximumf %sub3A_504, %max3A_506 : vector<16xf32>
        %abs3A_508 = math.absf %sub3A_500 : vector<16xf32>
        %sub3A_509 = arith.constant 0.0676666647 : f32
        %sub3A_510 = vector.broadcast %sub3A_509 : f32 to vector<16xf32>
        %sub3A_511 = arith.subf %sub3A_510, %abs3A_508 : vector<16xf32>
        %max3A_512 = arith.constant 0.000000e+00 : f32
        %max3A_513 = vector.broadcast %max3A_512 : f32 to vector<16xf32>
        %max3A_514 = arith.maximumf %sub3A_511, %max3A_513 : vector<16xf32>
        %mul3A_515 = arith.mulf %max3A_507, %bitcast_convert_type3A_490 : vector<16xf32>
        %add3A_516 = arith.addf %add3A_480, %mul3A_515 : vector<16xf32>
        %mul3A_517 = arith.mulf %max3A_514, %bitcast_convert_type3A_494 : vector<16xf32>
        %add3A_518 = arith.addf %add3A_516, %mul3A_517 : vector<16xf32>
        %add3A_519 = arith.addf %add3A_482, %max3A_507 : vector<16xf32>
        %add3A_520 = arith.addf %add3A_519, %max3A_514 : vector<16xf32>
        %add3A_521 = arith.constant 20000 : i32
        %add3A_522 = vector.broadcast %add3A_521 : i32 to vector<16xi32>
        %add3A_523 = arith.addi %add3A_435, %add3A_522 : vector<16xi32>
        %gather3A_524 = tpu.vector_load_idx %arg6[%add3A_523] : memref<80000xi32, #tpu.memory_space<vmem>>[vector<16xi32>], vector<16xi32>,
        %shift_left3A_525 = arith.constant 16 : i32
        %shift_left3A_526 = vector.broadcast %shift_left3A_525 : i32 to vector<16xi32>
        %shift_left3A_527 = arith.shli %gather3A_524, %shift_left3A_526 : vector<16xi32>
        %bitcast_convert_type3A_528 = tpu.bitcast %shift_left3A_527 : vector<16xi32> -> vector<16xf32>
        %and3A_529 = arith.constant -65536 : i32
        %and3A_530 = vector.broadcast %and3A_529 : i32 to vector<16xi32>
        %and3A_531 = arith.andi %gather3A_524, %and3A_530 : vector<16xi32>
        %bitcast_convert_type3A_532 = tpu.bitcast %and3A_531 : vector<16xi32> -> vector<16xf32>
        %sub3A_533 = arith.constant 0.266666681 : f32
        %sub3A_534 = vector.broadcast %sub3A_533 : f32 to vector<16xf32>
        %sub3A_535 = arith.subf %sub3A_440, %sub3A_534 : vector<16xf32>
        %sub3A_536 = arith.constant 0.0666666701 : f32
        %sub3A_537 = vector.broadcast %sub3A_536 : f32 to vector<16xf32>
        %sub3A_538 = arith.subf %sub3A_535, %sub3A_537 : vector<16xf32>
        %abs3A_539 = math.absf %sub3A_535 : vector<16xf32>
        %sub3A_540 = arith.constant 0.0676666647 : f32
        %sub3A_541 = vector.broadcast %sub3A_540 : f32 to vector<16xf32>
        %sub3A_542 = arith.subf %sub3A_541, %abs3A_539 : vector<16xf32>
        %max3A_543 = arith.constant 0.000000e+00 : f32
        %max3A_544 = vector.broadcast %max3A_543 : f32 to vector<16xf32>
        %max3A_545 = arith.maximumf %sub3A_542, %max3A_544 : vector<16xf32>
        %abs3A_546 = math.absf %sub3A_538 : vector<16xf32>
        %sub3A_547 = arith.constant 0.0676666647 : f32
        %sub3A_548 = vector.broadcast %sub3A_547 : f32 to vector<16xf32>
        %sub3A_549 = arith.subf %sub3A_548, %abs3A_546 : vector<16xf32>
        %max3A_550 = arith.constant 0.000000e+00 : f32
        %max3A_551 = vector.broadcast %max3A_550 : f32 to vector<16xf32>
        %max3A_552 = arith.maximumf %sub3A_549, %max3A_551 : vector<16xf32>
        %mul3A_553 = arith.mulf %max3A_545, %bitcast_convert_type3A_528 : vector<16xf32>
        %add3A_554 = arith.addf %add3A_518, %mul3A_553 : vector<16xf32>
        %mul3A_555 = arith.mulf %max3A_552, %bitcast_convert_type3A_532 : vector<16xf32>
        %add3A_556 = arith.addf %add3A_554, %mul3A_555 : vector<16xf32>
        %add3A_557 = arith.addf %add3A_520, %max3A_545 : vector<16xf32>
        %add3A_558 = arith.addf %add3A_557, %max3A_552 : vector<16xf32>
        %add3A_559 = arith.constant 9.99999997E-7 : f32
        %add3A_560 = vector.broadcast %add3A_559 : f32 to vector<16xf32>
        %add3A_561 = arith.addf %add3A_560, %add3A_558 : vector<16xf32>
        %mul3A_562 = arith.constant 14.4613161 : f32
        %mul3A_563 = vector.broadcast %mul3A_562 : f32 to vector<16xf32>
        %mul3A_564 = arith.mulf %add3A_561, %mul3A_563 : vector<16xf32>
        %sub3A_565 = arith.constant 2.000000e+00 : f32
        %sub3A_566 = vector.broadcast %sub3A_565 : f32 to vector<16xf32>
        %sub3A_567 = arith.subf %sub3A_566, %mul3A_564 : vector<16xf32>
        %mul3A_568 = arith.constant 14.4613161 : f32
        %mul3A_569 = vector.broadcast %mul3A_568 : f32 to vector<16xf32>
        %mul3A_570 = arith.mulf %mul3A_569, %sub3A_567 : vector<16xf32>
        %mul3A_571 = arith.mulf %add3A_556, %mul3A_570 : vector<16xf32>
        %swap3A_572 = arith.index_cast %mul3A_407 : i32 to index
        %swap3A_573 = tpu.vector_load %arg12[%swap3A_572] {strides = array<i32>} : memref<8192xf32, #tpu.memory_space<vmem>>, vector<16xf32>,
        tpu.vector_store %arg12[%swap3A_572], %mul3A_571 {strides = array<i32>} : memref<8192xf32, #tpu.memory_space<vmem>>, vector<16xf32>,
        %mul3A_574 = arith.constant 4 : i32
        %mul3A_575 = arith.muli %scan3A_71, %mul3A_574 : i32
        %add3A_576 = arith.constant 3 : i32
        %add3A_577 = arith.addi %mul3A_575, %add3A_576 : i32
        %mul3A_578 = arith.constant 16 : i32
        %mul3A_579 = arith.muli %add3A_577, %mul3A_578 : i32
        %get3A_580 = arith.index_cast %mul3A_579 : i32 to index
        %get3A_581 = tpu.vector_load %arg8[%get3A_580] {strides = array<i32>} : memref<8192xf32, #tpu.memory_space<vmem>>, vector<16xf32>,
        %get3A_582 = arith.index_cast %mul3A_579 : i32 to index
        %get3A_583 = tpu.vector_load %arg10[%get3A_582] {strides = array<i32>} : memref<8192xf32, #tpu.memory_space<vmem>>, vector<16xf32>,
        %mul3A_584 = arith.constant 1.000000e+04 : f32
        %mul3A_585 = vector.broadcast %mul3A_584 : f32 to vector<16xf32>
        %mul3A_586 = arith.mulf %get3A_581, %mul3A_585 : vector<16xf32>
        %convert_element_type3A_587 = arith.fptosi %mul3A_586 : vector<16xf32> to vector<16xi32>
        %mul3A_588 = arith.constant 1.500000e+01 : f32
        %mul3A_589 = vector.broadcast %mul3A_588 : f32 to vector<16xf32>
        %mul3A_590 = arith.mulf %get3A_583, %mul3A_589 : vector<16xf32>
        %convert_element_type3A_591 = arith.fptosi %mul3A_590 : vector<16xf32> to vector<16xi32>
        %shift_right_arithmetic3A_592 = arith.constant 1 : i32
        %shift_right_arithmetic3A_593 = vector.broadcast %shift_right_arithmetic3A_592 : i32 to vector<16xi32>
        %shift_right_arithmetic3A_594 = arith.shrsi %convert_element_type3A_591, %shift_right_arithmetic3A_593 : vector<16xi32>
        %max3A_595 = arith.constant 1 : i32
        %max3A_596 = vector.broadcast %max3A_595 : i32 to vector<16xi32>
        %max3A_597 = arith.maxsi %shift_right_arithmetic3A_594, %max3A_596 : vector<16xi32>
        %min3A_598 = arith.constant 6 : i32
        %min3A_599 = vector.broadcast %min3A_598 : i32 to vector<16xi32>
        %min3A_600 = arith.minsi %max3A_597, %min3A_599 : vector<16xi32>
        %sub3A_601 = arith.constant 1 : i32
        %sub3A_602 = vector.broadcast %sub3A_601 : i32 to vector<16xi32>
        %sub3A_603 = arith.subi %min3A_600, %sub3A_602 : vector<16xi32>
        %mul3A_604 = arith.constant 10000 : i32
        %mul3A_605 = vector.broadcast %mul3A_604 : i32 to vector<16xi32>
        %mul3A_606 = arith.muli %sub3A_603, %mul3A_605 : vector<16xi32>
        %add3A_607 = arith.addi %mul3A_606, %convert_element_type3A_587 : vector<16xi32>
        %convert_element_type3A_608 = arith.sitofp %sub3A_603 : vector<16xi32> to vector<16xf32>
        %mul3A_609 = arith.constant 0.13333334 : f32
        %mul3A_610 = vector.broadcast %mul3A_609 : f32 to vector<16xf32>
        %mul3A_611 = arith.mulf %convert_element_type3A_608, %mul3A_610 : vector<16xf32>
        %sub3A_612 = arith.subf %get3A_583, %mul3A_611 : vector<16xf32>
        %broadcast_in_dim3A_613 = arith.constant 0.000000e+00 : f32
        %broadcast_in_dim3A_614 = vector.broadcast %broadcast_in_dim3A_613 : f32 to vector<16xf32>
        %broadcast_in_dim3A_615 = arith.constant 0.000000e+00 : f32
        %broadcast_in_dim3A_616 = vector.broadcast %broadcast_in_dim3A_615 : f32 to vector<16xf32>
        %add3A_617 = arith.constant 0 : i32
        %add3A_618 = vector.broadcast %add3A_617 : i32 to vector<16xi32>
        %add3A_619 = arith.addi %add3A_607, %add3A_618 : vector<16xi32>
        %gather3A_620 = tpu.vector_load_idx %arg6[%add3A_619] : memref<80000xi32, #tpu.memory_space<vmem>>[vector<16xi32>], vector<16xi32>,
        %shift_left3A_621 = arith.constant 16 : i32
        %shift_left3A_622 = vector.broadcast %shift_left3A_621 : i32 to vector<16xi32>
        %shift_left3A_623 = arith.shli %gather3A_620, %shift_left3A_622 : vector<16xi32>
        %bitcast_convert_type3A_624 = tpu.bitcast %shift_left3A_623 : vector<16xi32> -> vector<16xf32>
        %and3A_625 = arith.constant -65536 : i32
        %and3A_626 = vector.broadcast %and3A_625 : i32 to vector<16xi32>
        %and3A_627 = arith.andi %gather3A_620, %and3A_626 : vector<16xi32>
        %bitcast_convert_type3A_628 = tpu.bitcast %and3A_627 : vector<16xi32> -> vector<16xf32>
        %sub3A_629 = arith.constant 0.000000e+00 : f32
        %sub3A_630 = vector.broadcast %sub3A_629 : f32 to vector<16xf32>
        %sub3A_631 = arith.subf %sub3A_612, %sub3A_630 : vector<16xf32>
        %sub3A_632 = arith.constant 0.0666666701 : f32
        %sub3A_633 = vector.broadcast %sub3A_632 : f32 to vector<16xf32>
        %sub3A_634 = arith.subf %sub3A_631, %sub3A_633 : vector<16xf32>
        %abs3A_635 = math.absf %sub3A_631 : vector<16xf32>
        %sub3A_636 = arith.constant 0.0676666647 : f32
        %sub3A_637 = vector.broadcast %sub3A_636 : f32 to vector<16xf32>
        %sub3A_638 = arith.subf %sub3A_637, %abs3A_635 : vector<16xf32>
        %max3A_639 = arith.constant 0.000000e+00 : f32
        %max3A_640 = vector.broadcast %max3A_639 : f32 to vector<16xf32>
        %max3A_641 = arith.maximumf %sub3A_638, %max3A_640 : vector<16xf32>
        %abs3A_642 = math.absf %sub3A_634 : vector<16xf32>
        %sub3A_643 = arith.constant 0.0676666647 : f32
        %sub3A_644 = vector.broadcast %sub3A_643 : f32 to vector<16xf32>
        %sub3A_645 = arith.subf %sub3A_644, %abs3A_642 : vector<16xf32>
        %max3A_646 = arith.constant 0.000000e+00 : f32
        %max3A_647 = vector.broadcast %max3A_646 : f32 to vector<16xf32>
        %max3A_648 = arith.maximumf %sub3A_645, %max3A_647 : vector<16xf32>
        %mul3A_649 = arith.mulf %max3A_641, %bitcast_convert_type3A_624 : vector<16xf32>
        %add3A_650 = arith.addf %broadcast_in_dim3A_614, %mul3A_649 : vector<16xf32>
        %mul3A_651 = arith.mulf %max3A_648, %bitcast_convert_type3A_628 : vector<16xf32>
        %add3A_652 = arith.addf %add3A_650, %mul3A_651 : vector<16xf32>
        %add3A_653 = arith.addf %broadcast_in_dim3A_616, %max3A_641 : vector<16xf32>
        %add3A_654 = arith.addf %add3A_653, %max3A_648 : vector<16xf32>
        %add3A_655 = arith.constant 10000 : i32
        %add3A_656 = vector.broadcast %add3A_655 : i32 to vector<16xi32>
        %add3A_657 = arith.addi %add3A_607, %add3A_656 : vector<16xi32>
        %gather3A_658 = tpu.vector_load_idx %arg6[%add3A_657] : memref<80000xi32, #tpu.memory_space<vmem>>[vector<16xi32>], vector<16xi32>,
        %shift_left3A_659 = arith.constant 16 : i32
        %shift_left3A_660 = vector.broadcast %shift_left3A_659 : i32 to vector<16xi32>
        %shift_left3A_661 = arith.shli %gather3A_658, %shift_left3A_660 : vector<16xi32>
        %bitcast_convert_type3A_662 = tpu.bitcast %shift_left3A_661 : vector<16xi32> -> vector<16xf32>
        %and3A_663 = arith.constant -65536 : i32
        %and3A_664 = vector.broadcast %and3A_663 : i32 to vector<16xi32>
        %and3A_665 = arith.andi %gather3A_658, %and3A_664 : vector<16xi32>
        %bitcast_convert_type3A_666 = tpu.bitcast %and3A_665 : vector<16xi32> -> vector<16xf32>
        %sub3A_667 = arith.constant 0.13333334 : f32
        %sub3A_668 = vector.broadcast %sub3A_667 : f32 to vector<16xf32>
        %sub3A_669 = arith.subf %sub3A_612, %sub3A_668 : vector<16xf32>
        %sub3A_670 = arith.constant 0.0666666701 : f32
        %sub3A_671 = vector.broadcast %sub3A_670 : f32 to vector<16xf32>
        %sub3A_672 = arith.subf %sub3A_669, %sub3A_671 : vector<16xf32>
        %abs3A_673 = math.absf %sub3A_669 : vector<16xf32>
        %sub3A_674 = arith.constant 0.0676666647 : f32
        %sub3A_675 = vector.broadcast %sub3A_674 : f32 to vector<16xf32>
        %sub3A_676 = arith.subf %sub3A_675, %abs3A_673 : vector<16xf32>
        %max3A_677 = arith.constant 0.000000e+00 : f32
        %max3A_678 = vector.broadcast %max3A_677 : f32 to vector<16xf32>
        %max3A_679 = arith.maximumf %sub3A_676, %max3A_678 : vector<16xf32>
        %abs3A_680 = math.absf %sub3A_672 : vector<16xf32>
        %sub3A_681 = arith.constant 0.0676666647 : f32
        %sub3A_682 = vector.broadcast %sub3A_681 : f32 to vector<16xf32>
        %sub3A_683 = arith.subf %sub3A_682, %abs3A_680 : vector<16xf32>
        %max3A_684 = arith.constant 0.000000e+00 : f32
        %max3A_685 = vector.broadcast %max3A_684 : f32 to vector<16xf32>
        %max3A_686 = arith.maximumf %sub3A_683, %max3A_685 : vector<16xf32>
        %mul3A_687 = arith.mulf %max3A_679, %bitcast_convert_type3A_662 : vector<16xf32>
        %add3A_688 = arith.addf %add3A_652, %mul3A_687 : vector<16xf32>
        %mul3A_689 = arith.mulf %max3A_686, %bitcast_convert_type3A_666 : vector<16xf32>
        %add3A_690 = arith.addf %add3A_688, %mul3A_689 : vector<16xf32>
        %add3A_691 = arith.addf %add3A_654, %max3A_679 : vector<16xf32>
        %add3A_692 = arith.addf %add3A_691, %max3A_686 : vector<16xf32>
        %add3A_693 = arith.constant 20000 : i32
        %add3A_694 = vector.broadcast %add3A_693 : i32 to vector<16xi32>
        %add3A_695 = arith.addi %add3A_607, %add3A_694 : vector<16xi32>
        %gather3A_696 = tpu.vector_load_idx %arg6[%add3A_695] : memref<80000xi32, #tpu.memory_space<vmem>>[vector<16xi32>], vector<16xi32>,
        %shift_left3A_697 = arith.constant 16 : i32
        %shift_left3A_698 = vector.broadcast %shift_left3A_697 : i32 to vector<16xi32>
        %shift_left3A_699 = arith.shli %gather3A_696, %shift_left3A_698 : vector<16xi32>
        %bitcast_convert_type3A_700 = tpu.bitcast %shift_left3A_699 : vector<16xi32> -> vector<16xf32>
        %and3A_701 = arith.constant -65536 : i32
        %and3A_702 = vector.broadcast %and3A_701 : i32 to vector<16xi32>
        %and3A_703 = arith.andi %gather3A_696, %and3A_702 : vector<16xi32>
        %bitcast_convert_type3A_704 = tpu.bitcast %and3A_703 : vector<16xi32> -> vector<16xf32>
        %sub3A_705 = arith.constant 0.266666681 : f32
        %sub3A_706 = vector.broadcast %sub3A_705 : f32 to vector<16xf32>
        %sub3A_707 = arith.subf %sub3A_612, %sub3A_706 : vector<16xf32>
        %sub3A_708 = arith.constant 0.0666666701 : f32
        %sub3A_709 = vector.broadcast %sub3A_708 : f32 to vector<16xf32>
        %sub3A_710 = arith.subf %sub3A_707, %sub3A_709 : vector<16xf32>
        %abs3A_711 = math.absf %sub3A_707 : vector<16xf32>
        %sub3A_712 = arith.constant 0.0676666647 : f32
        %sub3A_713 = vector.broadcast %sub3A_712 : f32 to vector<16xf32>
        %sub3A_714 = arith.subf %sub3A_713, %abs3A_711 : vector<16xf32>
        %max3A_715 = arith.constant 0.000000e+00 : f32
        %max3A_716 = vector.broadcast %max3A_715 : f32 to vector<16xf32>
        %max3A_717 = arith.maximumf %sub3A_714, %max3A_716 : vector<16xf32>
        %abs3A_718 = math.absf %sub3A_710 : vector<16xf32>
        %sub3A_719 = arith.constant 0.0676666647 : f32
        %sub3A_720 = vector.broadcast %sub3A_719 : f32 to vector<16xf32>
        %sub3A_721 = arith.subf %sub3A_720, %abs3A_718 : vector<16xf32>
        %max3A_722 = arith.constant 0.000000e+00 : f32
        %max3A_723 = vector.broadcast %max3A_722 : f32 to vector<16xf32>
        %max3A_724 = arith.maximumf %sub3A_721, %max3A_723 : vector<16xf32>
        %mul3A_725 = arith.mulf %max3A_717, %bitcast_convert_type3A_700 : vector<16xf32>
        %add3A_726 = arith.addf %add3A_690, %mul3A_725 : vector<16xf32>
        %mul3A_727 = arith.mulf %max3A_724, %bitcast_convert_type3A_704 : vector<16xf32>
        %add3A_728 = arith.addf %add3A_726, %mul3A_727 : vector<16xf32>
        %add3A_729 = arith.addf %add3A_692, %max3A_717 : vector<16xf32>
        %add3A_730 = arith.addf %add3A_729, %max3A_724 : vector<16xf32>
        %add3A_731 = arith.constant 9.99999997E-7 : f32
        %add3A_732 = vector.broadcast %add3A_731 : f32 to vector<16xf32>
        %add3A_733 = arith.addf %add3A_732, %add3A_730 : vector<16xf32>
        %mul3A_734 = arith.constant 14.4613161 : f32
        %mul3A_735 = vector.broadcast %mul3A_734 : f32 to vector<16xf32>
        %mul3A_736 = arith.mulf %add3A_733, %mul3A_735 : vector<16xf32>
        %sub3A_737 = arith.constant 2.000000e+00 : f32
        %sub3A_738 = vector.broadcast %sub3A_737 : f32 to vector<16xf32>
        %sub3A_739 = arith.subf %sub3A_738, %mul3A_736 : vector<16xf32>
        %mul3A_740 = arith.constant 14.4613161 : f32
        %mul3A_741 = vector.broadcast %mul3A_740 : f32 to vector<16xf32>
        %mul3A_742 = arith.mulf %mul3A_741, %sub3A_739 : vector<16xf32>
        %mul3A_743 = arith.mulf %add3A_728, %mul3A_742 : vector<16xf32>
        %swap3A_744 = arith.index_cast %mul3A_579 : i32 to index
        %swap3A_745 = tpu.vector_load %arg12[%swap3A_744] {strides = array<i32>} : memref<8192xf32, #tpu.memory_space<vmem>>, vector<16xf32>,
        tpu.vector_store %arg12[%swap3A_744], %mul3A_743 {strides = array<i32>} : memref<8192xf32, #tpu.memory_space<vmem>>, vector<16xf32>,
      }
      %scan3A_68 = arith.constant 128 : i32
      %dma_start3A_69 = tpu.memref_slice %arg5[%add3A_46] : memref<2097152xf32, #tpu.memory_space<hbm>> -> memref<8192xf32, #tpu.memory_space<hbm>>
      %dma_start3A_70 = tpu.memref_slice %arg5[%add3A_46] : memref<2097152xf32, #tpu.memory_space<hbm>> -> memref<8192xf32, #tpu.memory_space<hbm>>
      tpu.enqueue_dma source(%arg12 : memref<8192xf32, #tpu.memory_space<vmem>>) target(%dma_start3A_70 : memref<8192xf32, #tpu.memory_space<hbm>>) target_semaphore(%arg18 : memref<!tpu.dma_semaphore, #tpu.memory_space<semaphore_mem>>)
    }
    %scan3A_10 = arith.constant 4 : i32
    %dma_wait3A = tpu.memref_slice %arg5[%mul3A_2] : memref<2097152xf32, #tpu.memory_space<hbm>> -> memref<8192xf32, #tpu.memory_space<hbm>>
    %dma_wait3A_11 = tpu.memref_slice %arg5[%mul3A_2] : memref<2097152xf32, #tpu.memory_space<hbm>> -> memref<8192xf32, #tpu.memory_space<hbm>>
    tpu.wait_dma2 semaphore(%arg17 : memref<!tpu.dma_semaphore, #tpu.memory_space<semaphore_mem>>) src(%arg11 : memref<8192xf32, #tpu.memory_space<vmem>>) dst(%dma_wait3A_11 : memref<8192xf32, #tpu.memory_space<hbm>>)
    %dma_wait3A_12 = tpu.memref_slice %arg5[%mul3A_2] : memref<2097152xf32, #tpu.memory_space<hbm>> -> memref<8192xf32, #tpu.memory_space<hbm>>
    %dma_wait3A_13 = tpu.memref_slice %arg5[%mul3A_2] : memref<2097152xf32, #tpu.memory_space<hbm>> -> memref<8192xf32, #tpu.memory_space<hbm>>
    tpu.wait_dma2 semaphore(%arg18 : memref<!tpu.dma_semaphore, #tpu.memory_space<semaphore_mem>>) src(%arg12 : memref<8192xf32, #tpu.memory_space<vmem>>) dst(%dma_wait3A_13 : memref<8192xf32, #tpu.memory_space<hbm>>)
    return
  }
}

module attributes {stable_mosaic.version = 14 : i64} {
  func.func @_tc_table_body(%arg0: memref<16x10000xf32, #tpu.memory_space<vmem>>, %arg1: memref<1x10000xf32, #tpu.memory_space<vmem>>, %arg2: memref<8x10000xi32, #tpu.memory_space<vmem>>) attributes {dimension_semantics = [], scalar_prefetch = 0 : i64, scratch_operands = 0 : i64, tpu.core_type = #tpu.core_type<tc>} {
    %get3A = arith.constant 0 : index
    %get3A_0 = arith.constant 0 : index
    %get3A_1 = vector.load %arg0[%get3A, %get3A_0] : memref<16x10000xf32, #tpu.memory_space<vmem>>, vector<16x10000xf32>
    %tanh3A = math.tanh %get3A_1 : vector<16x10000xf32>
    %mul3A = arith.constant 1.000000e-01 : f32
    %mul3A_2 = vector.broadcast %mul3A : f32 to vector<16x10000xf32>
    %mul3A_3 = arith.mulf %mul3A_2, %tanh3A : vector<16x10000xf32>
    %broadcast_in_dim3A = arith.constant 0.000000e+00 : f32
    %broadcast_in_dim3A_4 = vector.broadcast %broadcast_in_dim3A : f32 to vector<16x4xf32>
    %concatenate3A = tpu.concatenate %broadcast_in_dim3A_4, %mul3A_3, %broadcast_in_dim3A_4 in 1 : vector<16x4xf32>, vector<16x10000xf32>, vector<16x4xf32> -> vector<16x10008xf32>
    %slice3A = vector.extract_strided_slice %concatenate3A {offsets = [0, 0], sizes = [16, 10000], strides = [1, 1]} : vector<16x10008xf32> to vector<16x10000xf32>
    %mul3A_5 = arith.constant 4.000000e-02 : f32
    %mul3A_6 = vector.broadcast %mul3A_5 : f32 to vector<16x10000xf32>
    %mul3A_7 = arith.mulf %mul3A_6, %slice3A : vector<16x10000xf32>
    %slice3A_8 = vector.extract_strided_slice %concatenate3A {offsets = [0, 1], sizes = [16, 10000], strides = [1, 1]} : vector<16x10008xf32> to vector<16x10000xf32>
    %mul3A_9 = arith.constant 8.000000e-02 : f32
    %mul3A_10 = vector.broadcast %mul3A_9 : f32 to vector<16x10000xf32>
    %mul3A_11 = arith.mulf %mul3A_10, %slice3A_8 : vector<16x10000xf32>
    %add3A = arith.addf %mul3A_7, %mul3A_11 : vector<16x10000xf32>
    %slice3A_12 = vector.extract_strided_slice %concatenate3A {offsets = [0, 2], sizes = [16, 10000], strides = [1, 1]} : vector<16x10008xf32> to vector<16x10000xf32>
    %mul3A_13 = arith.constant 1.200000e-01 : f32
    %mul3A_14 = vector.broadcast %mul3A_13 : f32 to vector<16x10000xf32>
    %mul3A_15 = arith.mulf %mul3A_14, %slice3A_12 : vector<16x10000xf32>
    %add3A_16 = arith.addf %add3A, %mul3A_15 : vector<16x10000xf32>
    %slice3A_17 = vector.extract_strided_slice %concatenate3A {offsets = [0, 3], sizes = [16, 10000], strides = [1, 1]} : vector<16x10008xf32> to vector<16x10000xf32>
    %mul3A_18 = arith.constant 1.600000e-01 : f32
    %mul3A_19 = vector.broadcast %mul3A_18 : f32 to vector<16x10000xf32>
    %mul3A_20 = arith.mulf %mul3A_19, %slice3A_17 : vector<16x10000xf32>
    %add3A_21 = arith.addf %add3A_16, %mul3A_20 : vector<16x10000xf32>
    %slice3A_22 = vector.extract_strided_slice %concatenate3A {offsets = [0, 4], sizes = [16, 10000], strides = [1, 1]} : vector<16x10008xf32> to vector<16x10000xf32>
    %mul3A_23 = arith.constant 2.000000e-01 : f32
    %mul3A_24 = vector.broadcast %mul3A_23 : f32 to vector<16x10000xf32>
    %mul3A_25 = arith.mulf %mul3A_24, %slice3A_22 : vector<16x10000xf32>
    %add3A_26 = arith.addf %add3A_21, %mul3A_25 : vector<16x10000xf32>
    %slice3A_27 = vector.extract_strided_slice %concatenate3A {offsets = [0, 5], sizes = [16, 10000], strides = [1, 1]} : vector<16x10008xf32> to vector<16x10000xf32>
    %mul3A_28 = arith.constant 1.600000e-01 : f32
    %mul3A_29 = vector.broadcast %mul3A_28 : f32 to vector<16x10000xf32>
    %mul3A_30 = arith.mulf %mul3A_29, %slice3A_27 : vector<16x10000xf32>
    %add3A_31 = arith.addf %add3A_26, %mul3A_30 : vector<16x10000xf32>
    %slice3A_32 = vector.extract_strided_slice %concatenate3A {offsets = [0, 6], sizes = [16, 10000], strides = [1, 1]} : vector<16x10008xf32> to vector<16x10000xf32>
    %mul3A_33 = arith.constant 1.200000e-01 : f32
    %mul3A_34 = vector.broadcast %mul3A_33 : f32 to vector<16x10000xf32>
    %mul3A_35 = arith.mulf %mul3A_34, %slice3A_32 : vector<16x10000xf32>
    %add3A_36 = arith.addf %add3A_31, %mul3A_35 : vector<16x10000xf32>
    %slice3A_37 = vector.extract_strided_slice %concatenate3A {offsets = [0, 7], sizes = [16, 10000], strides = [1, 1]} : vector<16x10008xf32> to vector<16x10000xf32>
    %mul3A_38 = arith.constant 8.000000e-02 : f32
    %mul3A_39 = vector.broadcast %mul3A_38 : f32 to vector<16x10000xf32>
    %mul3A_40 = arith.mulf %mul3A_39, %slice3A_37 : vector<16x10000xf32>
    %add3A_41 = arith.addf %add3A_36, %mul3A_40 : vector<16x10000xf32>
    %slice3A_42 = vector.extract_strided_slice %concatenate3A {offsets = [0, 8], sizes = [16, 10000], strides = [1, 1]} : vector<16x10008xf32> to vector<16x10000xf32>
    %mul3A_43 = arith.constant 4.000000e-02 : f32
    %mul3A_44 = vector.broadcast %mul3A_43 : f32 to vector<16x10000xf32>
    %mul3A_45 = arith.mulf %mul3A_44, %slice3A_42 : vector<16x10000xf32>
    %add3A_46 = arith.addf %add3A_41, %mul3A_45 : vector<16x10000xf32>
    %get3A_47 = arith.constant 0 : index
    %get3A_48 = arith.constant 0 : index
    %get3A_49 = vector.load %arg1[%get3A_47, %get3A_48] : memref<1x10000xf32, #tpu.memory_space<vmem>>, vector<1x10000xf32>
    %div3A = vector.broadcast %get3A_49 : vector<1x10000xf32> to vector<16x10000xf32>
    %div3A_50 = arith.divf %add3A_46, %div3A : vector<16x10000xf32>
    %reduce_sum3A = arith.constant dense<0.000000e+00> : vector<16xf32>
    %reduce_sum3A_51 = vector.multi_reduction <add>, %div3A_50, %reduce_sum3A [1] : vector<16x10000xf32> to vector<16xf32>
    %broadcast_in_dim3A_52 = vector.shape_cast %reduce_sum3A_51 : vector<16xf32> to vector<16x1xf32>
    %div3A_53 = arith.constant 1.000000e+04 : f32
    %div3A_54 = vector.broadcast %div3A_53 : f32 to vector<16x1xf32>
    %div3A_55 = arith.divf %broadcast_in_dim3A_52, %div3A_54 : vector<16x1xf32>
    %sub3A = vector.broadcast %div3A_55 : vector<16x1xf32> to vector<16x10000xf32>
    %sub3A_56 = arith.subf %div3A_50, %sub3A : vector<16x10000xf32>
    %slice3A_57 = vector.extract_strided_slice %sub3A_56 {offsets = [0, 0], sizes = [8, 10000], strides = [1, 1]} : vector<16x10000xf32> to vector<8x10000xf32>
    %bitcast_convert_type3A = tpu.bitcast %slice3A_57 : vector<8x10000xf32> -> vector<8x10000xi32>
    %slice3A_58 = vector.extract_strided_slice %sub3A_56 {offsets = [8, 0], sizes = [8, 10000], strides = [1, 1]} : vector<16x10000xf32> to vector<8x10000xf32>
    %bitcast_convert_type3A_59 = tpu.bitcast %slice3A_58 : vector<8x10000xf32> -> vector<8x10000xi32>
    %add3A_60 = arith.constant 32767 : i32
    %add3A_61 = vector.broadcast %add3A_60 : i32 to vector<8x10000xi32>
    %add3A_62 = arith.addi %bitcast_convert_type3A, %add3A_61 : vector<8x10000xi32>
    %shift_right_logical3A = arith.constant 16 : i32
    %shift_right_logical3A_63 = vector.broadcast %shift_right_logical3A : i32 to vector<8x10000xi32>
    %shift_right_logical3A_64 = arith.shrui %bitcast_convert_type3A, %shift_right_logical3A_63 : vector<8x10000xi32>
    %and3A = arith.constant 1 : i32
    %and3A_65 = vector.broadcast %and3A : i32 to vector<8x10000xi32>
    %and3A_66 = arith.andi %shift_right_logical3A_64, %and3A_65 : vector<8x10000xi32>
    %add3A_67 = arith.addi %add3A_62, %and3A_66 : vector<8x10000xi32>
    %add3A_68 = arith.constant 32767 : i32
    %add3A_69 = vector.broadcast %add3A_68 : i32 to vector<8x10000xi32>
    %add3A_70 = arith.addi %bitcast_convert_type3A_59, %add3A_69 : vector<8x10000xi32>
    %shift_right_logical3A_71 = arith.constant 16 : i32
    %shift_right_logical3A_72 = vector.broadcast %shift_right_logical3A_71 : i32 to vector<8x10000xi32>
    %shift_right_logical3A_73 = arith.shrui %bitcast_convert_type3A_59, %shift_right_logical3A_72 : vector<8x10000xi32>
    %and3A_74 = arith.constant 1 : i32
    %and3A_75 = vector.broadcast %and3A_74 : i32 to vector<8x10000xi32>
    %and3A_76 = arith.andi %shift_right_logical3A_73, %and3A_75 : vector<8x10000xi32>
    %add3A_77 = arith.addi %add3A_70, %and3A_76 : vector<8x10000xi32>
    %and3A_78 = arith.constant -65536 : i32
    %and3A_79 = vector.broadcast %and3A_78 : i32 to vector<8x10000xi32>
    %and3A_80 = arith.andi %add3A_77, %and3A_79 : vector<8x10000xi32>
    %shift_right_logical3A_81 = arith.constant 16 : i32
    %shift_right_logical3A_82 = vector.broadcast %shift_right_logical3A_81 : i32 to vector<8x10000xi32>
    %shift_right_logical3A_83 = arith.shrui %add3A_67, %shift_right_logical3A_82 : vector<8x10000xi32>
    %or3A = arith.ori %and3A_80, %shift_right_logical3A_83 : vector<8x10000xi32>
    %bitcast_convert_type3A_84 = tpu.bitcast %or3A : vector<8x10000xi32> -> vector<8x10000xi32>
    %swap3A = arith.constant 0 : index
    %swap3A_85 = arith.constant 0 : index
    %swap3A_86 = vector.load %arg2[%swap3A, %swap3A_85] : memref<8x10000xi32, #tpu.memory_space<vmem>>, vector<8x10000xi32>
    tpu.vector_store %arg2[%swap3A, %swap3A_85], %bitcast_convert_type3A_84 {strides = array<i32>} : memref<8x10000xi32, #tpu.memory_space<vmem>>, vector<8x10000xi32>,
    return
  }
}

</mosaic_0001>

<sc_bundles>
// kernel: kernel.4.cloned.1.call-start
scs
__scs_entry_jumppad:
0x0: {  	(pc) =	sbr.rel $0x88, $3  }
0x1: {  	(tag) =	ssettag $0x0;
	lr =	simm.s32 $0x1  }
0x2: {  	[smem:$0x3F9E] =	sst lr;
	_ =	strace $0xD0000000  }
0x3: {  	_ = 	snop  }
0x4: {  	_ = 	snop  }
0x5: {  	_ = 	snop  }
0x6: {  	_ = 	snop  }
0x7: {  	_ = 	snop  }
__scs_overlays_trampoline_lowered:
0x8: {  	[smem:$0x3FAD] =	sst s0  }
0x9: {  	[smem:$0x3FAE] =	sst s1  }
0xa: {  	[smem:$0x3FAF] =	sst s2  }
0xb: {  	[smem:$0x3FB0] =	sst s3  }
0xc: {  	[smem:$0x3FB1] =	sst s4  }
0xd: {  	[smem:$0x3FB2] =	sst s5  }
0xe: {  	[smem:$0x3FB3] =	sst s6  }
0xf: {  	[smem:$0x3FB4] =	sst s7  }
0x10: {  	[smem:$0x3FB5] =	sst s8  }
0x11: {  	[smem:$0x3FB6] =	sst s9;
	s0 =	simm.s32 @!p0 $0x0  }
0x12: {  	s1 =	sld [smem:$0x3F9C];
	s0 =	simm.s32 @p0 $0x1  }
0x13: {  	[smem:$0x3FB7] =	sst s0;
	s0 =	simm.s32 @!p1 $0x0  }
0x14: {  	s2 =	sld [smem:$0x3F9B];
	s0 =	simm.s32 @p1 $0x1  }
0x15: {  	[smem:$0x3FB8] =	sst s0;
	s0 =	simm.s32 @!p2 $0x0  }
0x16: {  	s3 =	sld [smem:$0x3FDB];
	s0 =	simm.s32 @p2 $0x1  }
0x17: {  	s4 =	simm.s32 $0x1BF5;
	[smem:$0x3FBA] =	sst s0  }
0x18: {  	s0 =	sld [smem:$0x3F9D];
	_ =	swait.ge [sflag:s4], $0x0  }
0x19: {  	s7 =	sld [smem:$0x3F9E]  }
0x1a: {  	s8 =	sadd.s32 $0xFFFFE003, lr  }
0x1b: {  	s9 =	sadd.s32 $0xFFFFFEF7, lr;
	s5 =	simm.s32 $0xFFFFFFFF;
	p2 =	slt.u32 s8, $0xFFFFF086  }
0x1c: {  	p1 =	slt.u32 s9, $0xF7A;
	s5 =	simm.s32 @!p2 $0x0  }
0x1d: {  	s5 =	simm.s32 @p1 $0x1;
	p0 =	seq.s32 s7, s2  }
0x1e: {  	s7 =	smul.u32 @!p0 $0xF7A, s2;
	p2 =	seq.s32 @!p0 s5, $0x0  }
0x1f: {  	s9 =	smul.u32 $0xF7A, s1;
	s8 =	simm.s32 @!p0 $0x1BF5;
	p2 =	por !p2, p0  }
0x20: {  	[sflag:s8] =	ssyncset.s32 @!p0 $0xFFFFF086;
	s6 =	sadd.s32 @!p0 s3, s7;
	s7 =	simm.s32 @!p0 $0x108  }
0x21: {  	s3 =	sadd.s32 s3, s9;
	s6 =	sadd.s32 @!p0 $0x88, s6;
	s7 =	simm.s32 @p2 $0x1082  }
0x22: {  	[simem:s7], [sflag:s8] =	dma.local @!p0 [hbm:s6], $0xF7A  }
0x23: {  	s9 =	sor.u32 $0xD0000000, s2;
	s6 =	simm.s32 $0x108;
	_ =	swait.ge @!p0 [sflag:s8], $0x0  }
0x24: {  	s3 =	sadd.s32 $0x88, s3;
	s6 =	simm.s32 @!p1 $0x1082;
	[sflag:s4] =	ssyncset.s32 $0xFFFFF086  }
0x25: {  	[simem:s6], [sflag:s4] =	dma.local [hbm:s3], $0xF7A  }
0x26: {  	[smem:$0x3F9E] =	sst s1;
	(tag) =	ssettag s2;
	_ =	strace s9  }
0x27: {  	s1 =	sld [smem:$0x3FAE]  }
0x28: {  	s2 =	sld [smem:$0x3FAF]  }
0x29: {  	s4 =	sld [smem:$0x3FB1]  }
0x2a: {  	p0 =	seq.s32 s5, $0x0;
	s5 =	sld [smem:$0x3FB2]  }
0x2b: {  	s6 =	sld [smem:$0x3FB3]  }
0x2c: {  	s7 =	sld [smem:$0x3FB4]  }
0x2d: {  	s3 =	simm.s32 $0x108;
	s8 =	sld [smem:$0x3FB5]  }
0x2e: {  	s3 =	simm.s32 @!p0 $0x1082;
	s9 =	sld [smem:$0x3FB6]  }
0x2f: {  	lr =	sadd.s32 s0, s3;
	s0 =	sld [smem:$0x3FAD]  }
0x30: {  	s3 =	sld [smem:$0x3FB0]  }
0x31: {  	[smem:$0x3FB9] =	sst s10  }
0x32: {  	s10 =	sld [smem:$0x3FB7];
	_ =	sdelay $0x3  }
0x33: {  	p0 =	seq.s32 s10, $0x1;
	s10 =	sld [smem:$0x3FB9];
	_ =	sdelay $0x3  }
0x34: {  	[smem:$0x3FB9] =	sst s10  }
0x35: {  	s10 =	sld [smem:$0x3FB8];
	_ =	sdelay $0x3  }
0x36: {  	p1 =	seq.s32 s10, $0x1;
	s10 =	sld [smem:$0x3FB9];
	_ =	sdelay $0x3  }
0x37: {  	[smem:$0x3FB9] =	sst s10  }
0x38: {  	s10 =	sld [smem:$0x3FBA]  }
0x39: {  	_ = 	snop;
	(pc) =	sbr.ind lr, $3  }
0x3a: {  	_ = 	snop  }
0x3b: {  	_ = 	snop  }
0x3c: {  	p2 =	seq.s32 s10, $0x1;
	s10 =	sld [smem:$0x3FB9]  }
0x3d: {  	_ =	shalt  }
0x3e: {  	_ =	shalt  }
0x3f: {  	_ =	shalt  }
0x40: {  	_ =	shalt  }
0x41: {  	_ =	shalt  }
0x42: {  	_ =	shalt  }
0x43: {  	_ =	shalt  }
0x44: {  	_ =	shalt  }
0x45: {  	_ =	shalt  }
0x46: {  	_ =	shalt  }
0x47: {  	_ =	shalt  }
0x48: {  	_ =	shalt  }
0x49: {  	_ =	shalt  }
0x4a: {  	_ =	shalt  }
0x4b: {  	_ =	shalt  }
0x4c: {  	_ =	shalt  }
0x4d: {  	_ =	shalt  }
0x4e: {  	_ =	shalt  }
0x4f: {  	_ =	shalt  }
0x50: {  	_ =	shalt  }
0x51: {  	_ =	shalt  }
0x52: {  	_ =	shalt  }
0x53: {  	_ =	shalt  }
0x54: {  	_ =	shalt  }
0x55: {  	_ =	shalt  }
0x56: {  	_ =	shalt  }
0x57: {  	_ =	shalt  }
0x58: {  	_ =	shalt  }
0x59: {  	_ =	shalt  }
0x5a: {  	_ =	shalt  }
0x5b: {  	_ =	shalt  }
0x5c: {  	_ =	shalt  }
0x5d: {  	_ =	shalt  }
0x5e: {  	_ =	shalt  }
0x5f: {  	_ =	shalt  }
0x60: {  	_ =	shalt  }
0x61: {  	_ =	shalt  }
0x62: {  	_ =	shalt  }
0x63: {  	_ =	shalt  }
0x64: {  	_ =	shalt  }
0x65: {  	_ =	shalt  }
0x66: {  	_ =	shalt  }
0x67: {  	_ =	shalt  }
0x68: {  	_ =	shalt  }
0x69: {  	_ =	shalt  }
0x6a: {  	_ =	shalt  }
0x6b: {  	_ =	shalt  }
0x6c: {  	_ =	shalt  }
0x6d: {  	_ =	shalt  }
0x6e: {  	_ =	shalt  }
0x6f: {  	_ =	shalt  }
0x70: {  	_ =	shalt  }
0x71: {  	_ =	shalt  }
0x72: {  	_ =	shalt  }
0x73: {  	_ =	shalt  }
0x74: {  	_ =	shalt  }
0x75: {  	_ =	shalt  }
0x76: {  	_ =	shalt  }
0x77: {  	_ =	shalt  }
0x78: {  	_ =	shalt  }
0x79: {  	_ =	shalt  }
0x7a: {  	_ =	shalt  }
0x7b: {  	_ =	shalt  }
0x7c: {  	_ =	shalt  }
0x7d: {  	_ =	shalt  }
0x7e: {  	_ =	shalt  }
0x7f: {  	_ =	shalt  }
0x80: {  	_ =	shalt  }
0x81: {  	_ =	shalt  }
0x82: {  	_ =	shalt  }
0x83: {  	_ =	shalt  }
0x84: {  	_ =	shalt  }
0x85: {  	_ =	shalt  }
0x86: {  	_ =	shalt  }
0x87: {  	_ =	shalt  }
.Lfunc_end0:
.L_simem_size_0:
called_computation_lowered:
.L_overlay_start_0:
0x88: {  	s2 =	sld [smem:$0x3FD9]  }
0x89: {  	s3 =	sld [smem:$0x3FFE];
	_ =	sdelay $0x1  }
0x8a: {  	s1 =	srdreg.scid  }
0x8b: {  	s0 =	sand.u32 $0x1, s1  }
0x8c: {  	s17 =	sshll.u32 s0, $0xA;
	s2 =	sadd.s32 s3, s2  }
0x8d: {  	s2 =	sadd.s32 s2, s17  }
0x8e: {  	[smem:$0x3FC5] =	sst s2  }
0x8f: {  	_ = 	snop  }
0x90: {  	s2 =	sld [smem:$0x3FC9]  }
0x91: {  	s18 =	sld [smem:$0x3FC8]  }
0x92: {  	s4 =	sld [smem:$0x3FD0];
	(tm) =	ssettm $0x1  }
0x93: {  	s5 =	sld [smem:$0x3FFB];
	_ =	sdelay $0x3  }
0x94: {  	_ =	strace s5  }
0x95: {  	s5 =	sld [smem:$0x3FFC];
	_ =	sdelay $0x3  }
0x96: {  	_ =	strace s5  }
0x97: {  	s5 =	sld [smem:$0x3FFD];
	_ =	sdelay $0x3  }
0x98: {  	_ =	strace s5  }
0x99: {  	_ =	strace $0x8FFFFFFF  }
0x9a: {  	s19 =	sld [smem:$0x3FDB];
	_ =	sdelay $0x1  }
0x9b: {  	s6 =	simm.s32 $_scs_section_size  }
0x9c: {  	s7 =	simm.s32 $_size__tile_overlayer_lowered;
	s8 =	simm.s32 $_tile_overlayer_lowered  }
0x9d: {  	s22 =	simm.s32 $0x1BFF;
	s21 =	sshll.u32 s8, $0x1;
	s5 =	sadd.s32 s6, s19  }
0x9e: {  	s9 =	simm.s32 $0x0;
	s20 =	sshll.u32 s7, $0x1;
	s7 =	sadd.s32 s21, s5  }
0x9f: {  	[timem:s9], [sflag:s22] =	dma.local [hbm:s7], s20  }
0xa0: {  	_ =	swait.ge [sflag:s22], s20  }
0xa1: {  	s6 =	ssub.s32 $0x0, s20;
	[sflag:s22] =	ssyncset.done $0x0  }
0xa2: {  	[sflag:s22] =	ssyncadd.s32 s6;
	_ =	sdelay $0x1  }
0xa3: {  	s23 =	simm.s32 $0x1B8B  }
0xa4: {  	_ =	swait.ge [sflag:s23], $0x1  }
0xa5: {  	[sflag:s23] =	ssyncset.done $0x0  }
0xa6: {  	s25 =	simm.s32 $0x1B8E;
	s24 =	sld [smem:$0x3FFE];
	[sflag:s23] =	ssyncadd.s32 $0xFFFFFFFF  }
0xa7: {  	s26 =	simm.s32 $execute0_lowered;
	[smem:$0x3FD2] =	sst s25  }
0xa8: {  	s7 =	sshll.u32 s26, $0x1;
	_ =	strace $0x80000046;
	[dreg:$0x1] =	wrdreg $0xFFFFFFFF  }
0xa9: {  	s28 =	simm.s32 $_size_execute0_lowered;
	s5 =	sadd.s32 s5, s7;
	[dreg:$0x0] =	wrdreg $0x0  }
0xaa: {  	s7 =	sshll.u32 s28, $0x1;
	[dreg:$0x2] =	wrdreg s5  }
0xab: {  	[dreg:$0x3] =	wrdreg s7  }
0xac: {  	[dreg:$0x4] =	wrdreg $0xC0  }
0xad: {  	_ =	task [dreg:s9], $0x5FFFF  }
0xae: {  	[dreg:$0x1] =	wrdreg $0xFFFFFFFF  }
0xaf: {  	[dreg:$0x0] =	wrdreg $0x60  }
0xb0: {  	[dreg:$0x2] =	wrdreg s24  }
0xb1: {  	[dreg:$0x3] =	wrdreg s2  }
0xb2: {  	[dreg:$0x4] =	wrdreg s18  }
0xb3: {  	[dreg:$0x5] =	wrdreg s4  }
0xb4: {  	[dreg:$0x6] =	wrdreg $0x9  }
0xb5: {  	_ =	task.clear_ibuf [dreg:s9], $0x7FFFF;
	_ =	strace $0x90000046  }
0xb6: {  	s29 =	simm.s32 $0x9;
	_ =	strace $0x80000048  }
0xb7: {  	_ =	swait.ge [sflag:s29], $0x1  }
0xb8: {  	[sflag:s29] =	ssyncadd.s32 $0xFFFFFFFF  }
0xb9: {  	_ =	strace $0x90000048  }
0xba: {  	_ =	sfence  }
0xbb: {  	s30 =	sld [smem:$0x0];
	_ =	sdelay $0x2  }
0xbc: {  	s31 =	sshll.u32 s1, $0xD;
	s1 =	sshrl.u32 s1, $0x2  }
0xbd: {  	s3 =	sand.u32 $0x4000, s31;
	s1 =	sadd.s32 s1, s30  }
0xbe: {  	s0 =	sor.u32 s3, s0;
	s1 =	sshll.u32 s1, $0x11  }
0xbf: {  	s0 =	sor.u32 s1, s0  }
0xc0: {  	s0 =	sadd.s32 $0x8F2B, s0  }
0xc1: {  	[sflag:s0] =	ssyncadd.remote.s32 $0x1  }
0xc2: {  	_ =	sfence.sel $0xFFFF  }
0xc3: {  	[dreg:$0x0] =	wrdreg $0xFFFFFFFF;
	(pc) =	sbr.abs _section_cstart, $3  }
0xc4: {  	[dreg:$0x1] =	wrdreg $0xFFFFFFFF  }
0xc5: {  	_ =	task.clear_ibuf [dreg:s9], $0x2FFFF;
	_ =	strace $0x9FFFFFFF  }
0xc6: {  	(tm) =	ssettm $0x7FFFFFFF  }
0xc7: {  	_ =	shalt  }
tec
execute0_lowered:
.L_overlay_start_1:
0x0: {  	(tag) =	ssettag $0x1  }
0x1: {  	s0 =	rddreg [dreg:$0x0]  }
0x2: {  	s1 =	rddreg [dreg:$0x1]  }
0x3: {  	s3 =	rddreg [dreg:$0x2]  }
0x4: {  	s4 =	rddreg [dreg:$0x3]  }
0x5: {  	s2 =	srdreg.scid;
	s6 =	stileid.u32  }
0x6: {  	s5 =	simm.s32 $0x0;
	s14 =	simm.s32 $0x17880;
	s15 =	simm.s32 $0x7  }
0x7: {  	s16 =	simm.s32 $0x1;
	s17 =	simm.s32 $0x3;
	s18 =	simm.s32 $0x15880  }
0x8: {  	s19 =	simm.s32 $0x19880;
	s20 =	simm.s32 $0x1B880;
	s21 =	simm.s32 $0x2  }
0x9: {  	s22 =	simm.s32 $0x4;
	s23 =	simm.s32 $0x1D880;
	s24 =	simm.s32 $0x5  }
0xa: {  	s25 =	simm.s32 $0x6;
	s26 =	simm.s32 $0x0;
	s2 =	sand.u32 $0x1, s2  }
0xb: {  	s6 =	sshll.u32 s6, $0x11;
	[smem:$0x7FF] =	sst s5;
	s7 =	sshll.u32 s2, $0x10  }
0xc: {  	s2 =	ssub.s32 $0x2, s2;
	_ =	strace $0x80000047;
	s6 =	sor.u32 s7, s6  }
0xd: {  	s8 =	sshrl.u32 s2, $0x1;
	s7 =	sadd.s32 $0x800, s0;
	s9 =	sshrl.u32 s6, $0x3  }
0xe: {  	s31 =	ssub.s32 s2, s8;
	s10 =	sor.u32 $0x2000, s6;
	s11 =	sor.u32 $0x4000, s6  }
0xf: {  	s8 =	sadd.s32 s1, s9;
	s9 =	sadd.s32 s3, s9;
	s12 =	smax.u32 s31, $0x1  }
.LBB2_1:
0x10: {  	s0 =	simm.s32 $0x13880  }
0x11: {  	[tilespmem:s0], [sflag:$0x1] =	stream.linear.gather [hbm4b:s8+s5], $0x2000, $0x38;
	[tilespmem:$0x1F880] =	vst v63  }
0x12: {  	_ = 	snop  }
0x13: {  	[tilespmem:s14], [sflag:$0x3] =	stream.linear.gather [hbm4b:s9+s5], $0x2000, $0x38;
	[tilespmem:$0x1F880] =	vst v63  }
0x14: {  	_ = 	snop  }
0x15: {  	[tilespmem:s5], [sflag:$0x7] =	stream.linear.gather [hbm4b:s7+s5], $0x13880, $0x38;
	[tilespmem:$0x1F880] =	vst v63  }
0x16: {  	_ =	swait.ge [sflag:s15], $0x13880  }
0x17: {  	[sflag:s15] =	ssyncset.done $0x0  }
0x18: {  	s28 =	simm.s32 $0x0;
	[sflag:s15] =	ssyncadd.s32 $0xFFFEC780  }
.LBB2_2:
0x19: {  	_ =	swait.ge [sflag:s16], $0x2000  }
0x1a: {  	[sflag:s16] =	ssyncset.done $0x0  }
0x1b: {  	s30 =	sshll.u32 s28, $0xE;
	[sflag:s16] =	ssyncadd.s32 $0xFFFFE000  }
0x1c: {  	s0 =	sadd.s32 s10, s30;
	_ =	swait.ge [sflag:s17], $0x2000  }
0x1d: {  	s29 =	sshrl.u32 s0, $0x3;
	[sflag:s17] =	ssyncset.done $0x0  }
0x1e: {  	p0 =	seq.s32 s28, $0x0;
	s0 =	sadd.s32 s1, s29;
	[sflag:s17] =	ssyncadd.s32 $0xFFFFE000  }
0x1f: {  	[tilespmem:s18], [sflag:$0x2] =	stream.linear.gather [hbm4b:s0+s5], $0x2000, $0x38;
	[tilespmem:$0x1F880] =	vst v63  }
0x20: {  	s13 =	sadd.s32 s3, s29;
	s0 =	simm.s32 @!p0 $0x5  }
0x21: {  	[tilespmem:s19], [sflag:$0x4] =	stream.linear.gather [hbm4b:s13+s5], $0x2000, $0x38;
	[tilespmem:$0x1F880] =	vst v63  }
0x22: {  	_ =	swait.ge @!p0 [sflag:s0], $0x2000  }
0x23: {  	[sflag:s0] =	ssyncset.done @!p0 $0x0  }
0x24: {  	[sflag:s0] =	ssyncadd.s32 @!p0 $0xFFFFE000;
	s0 =	simm.s32 $0x0  }
0x25: {  	v0 =	vld [tilespmem:s0+$0x17880];
	_ =	sdelay $0x4  }
0x26: {  	v1 =	vmul.f32 $1.500000000e+01, v0;
	_ =	sdelay $0x1  }
0x27: {  	v1 =	vtrunc.f32 v1  }
0x28: {  	v1 =	vcvt.f32.s32 v1;
	_ =	sdelay $0x1  }
0x29: {  	v2 =	vld [tilespmem:s0+$0x13880];
	v1 =	vshra.s32 v1, $0x1  }
0x2a: {  	vm0 =	vgt.s32 v1, $0x1  }
0x2b: {  	v1 =	vnsel vm0, $0x1, v1  }
0x2c: {  	v1 =	vmin.u32 v1, $0x6  }
0x2d: {  	v3 =	vld [tilespmem:s0+$0x17890];
	v1 =	vadd.s32 $0xFFFFFFFF, v1  }
0x2e: {  	v2 =	vmul.f32 $1.000000000e+04, v2;
	v4 =	vcvt.s32.f32 v1;
	_ =	sdelay $0x1  }
0x2f: {  	v2 =	vtrunc.f32 v2;
	v4 =	vmul.f32 $1.333333400e-01, v4  }
0x30: {  	v2 =	vcvt.f32.s32 v2;
	v1 =	vmul.u32 $0x2710, v1  }
0x31: {  	v5 =	vmul.f32 $1.500000000e+01, v3;
	v0 =	vsub.f32 v0, v4  }
0x32: {  	v1 =	vadd.s32 v2, v1  }
0x33: {  	v2 =	vtrunc.f32 v5;
	v4 =	vadd.f32 $-6.666667010e-02, v0  }
0x34: {  	v5 =	vadd.s32 $0x2710, v1;
	v6 =	vadd.s32 $0x4E20, v1;
	v2 =	vcvt.f32.s32 v2  }
0x35: {  	v7 =	vand.u32 $0x7FFFFFFF, v0;
	v8 =	vadd.f32 $-1.333333400e-01, v0;
	v4 =	vand.u32 $0x7FFFFFFF, v4  }
0x36: {  	v2 =	vshra.s32 v2, $0x1;
	v7 =	vsub.f32 $6.766666470e-02, v7;
	v4 =	vsub.f32 $6.766666470e-02, v4  }
0x37: {  	vm13 =	vgt.s32 v2, $0x1;
	v1 =	vld.idx.msk [tilespmem:v1+s5+$0x0], $0xffff;
	v9 =	vadd.f32 $-6.666667010e-02, v8;
	v8 =	vand.u32 $0x7FFFFFFF, v8  }
0x38: {  	v7 =	vmax.f32 v7, $0.0e+00;
	v8 =	vsub.f32 $6.766666470e-02, v8;
	v4 =	vmax.f32 v4, $0.0e+00  }
0x39: {  	v0 =	vadd.f32 $-2.666666810e-01, v0;
	v9 =	vand.u32 $0x7FFFFFFF, v9;
	v10 =	vadd.f32 v4, v7  }
0x3a: {  	v2 =	vnsel vm13, $0x1, v2;
	v8 =	vmax.f32 v8, $0.0e+00;
	v9 =	vsub.f32 $6.766666470e-02, v9  }
0x3b: {  	v5 =	vld.idx.msk [tilespmem:v5+s5+$0x0], $0xffff;
	v11 =	vadd.f32 $-6.666667010e-02, v0;
	v0 =	vand.u32 $0x7FFFFFFF, v0;
	v10 =	vadd.f32 v10, v8  }
0x3c: {  	v0 =	vsub.f32 $6.766666470e-02, v0;
	v12 =	vshll.u32 v1, $0x10;
	v9 =	vmax.f32 v9, $0.0e+00  }
0x3d: {  	v13 =	vld [tilespmem:s0+$0x178A0];
	v11 =	vand.u32 $0x7FFFFFFF, v11;
	v7 =	vmul.f32 v12, v7;
	v10 =	vadd.f32 v10, v9  }
0x3e: {  	v60 =	vld [tilespmem:s0+$0x13890];
	v0 =	vmax.f32 v0, $0.0e+00;
	v11 =	vsub.f32 $6.766666470e-02, v11;
	v1 =	vand.u32 $0xFFFF0000, v1  }
0x3f: {  	v6 =	vld.idx.msk [tilespmem:v6+s5+$0x0], $0xffff;
	v1 =	vmul.f32 v1, v4;
	v7 =	vadd.f32 $0.0e+00, v7;
	v4 =	vadd.f32 v10, v0  }
0x40: {  	v2 =	vmin.u32 v2, $0x6;
	v11 =	vmax.f32 v11, $0.0e+00;
	v10 =	vshll.u32 v5, $0x10  }
0x41: {  	v1 =	vadd.f32 v1, v7;
	v7 =	vmul.f32 v10, v8;
	v4 =	vadd.f32 v4, v11  }
0x42: {  	v2 =	vadd.s32 $0xFFFFFFFF, v2;
	v5 =	vand.u32 $0xFFFF0000, v5;
	v8 =	vmul.f32 $1.500000000e+01, v13  }
0x43: {  	v5 =	vmul.f32 v5, v9;
	v1 =	vadd.f32 v1, v7;
	v4 =	vadd.f32 $9.999999970e-07, v4  }
0x44: {  	v9 =	vshll.u32 v6, $0x10;
	v10 =	vcvt.s32.f32 v2;
	v7 =	vmul.f32 $1.000000000e+04, v60  }
0x45: {  	v0 =	vmul.f32 v9, v0;
	v1 =	vadd.f32 v1, v5;
	v4 =	vmul.f32 $1.446131610e+01, v4  }
0x46: {  	v6 =	vand.u32 $0xFFFF0000, v6;
	v5 =	vtrunc.f32 v7;
	v7 =	vmul.f32 $1.333333400e-01, v10  }
0x47: {  	v0 =	vadd.f32 v1, v0;
	v1 =	vmul.f32 v6, v11;
	v4 =	vsub.f32 $2.000000000e+00, v4  }
0x48: {  	v2 =	vmul.u32 $0x2710, v2;
	v8 =	vtrunc.f32 v8;
	v5 =	vcvt.f32.s32 v5;
	v6 =	vld [tilespmem:s0+$0x138A0]  }
0x49: {  	v3 =	vsub.f32 v3, v7;
	v0 =	vadd.f32 v0, v1;
	v1 =	vmul.f32 $1.446131610e+01, v4  }
0x4a: {  	v2 =	vadd.s32 v5, v2;
	v4 =	vcvt.f32.s32 v8  }
0x4b: {  	v8 =	vadd.f32 $-1.333333400e-01, v3;
	v0 =	vmul.f32 v1, v0;
	v1 =	vadd.f32 $-6.666667010e-02, v3  }
0x4c: {  	v5 =	vadd.s32 $0x2710, v2;
	v7 =	vand.u32 $0x7FFFFFFF, v3  }
0x4d: {  	v6 =	vmul.f32 $1.000000000e+04, v6;
	v9 =	vadd.f32 $-6.666667010e-02, v8;
	v1 =	vand.u32 $0x7FFFFFFF, v1  }
0x4e: {  	v4 =	vshra.s32 v4, $0x1;
	[tilespmem:s0+$0x1B880] =	vst v0;
	v0 =	vsub.f32 $6.766666470e-02, v7;
	v1 =	vsub.f32 $6.766666470e-02, v1  }
0x4f: {  	v8 =	vand.u32 $0x7FFFFFFF, v8;
	v3 =	vadd.f32 $-2.666666810e-01, v3;
	vm14 =	vgt.s32 v4, $0x1;
	v7 =	vld.idx.msk [tilespmem:v2+s5+$0x0], $0xffff  }
0x50: {  	v8 =	vsub.f32 $6.766666470e-02, v8;
	v0 =	vmax.f32 v0, $0.0e+00;
	v1 =	vmax.f32 v1, $0.0e+00  }
0x51: {  	v9 =	vand.u32 $0x7FFFFFFF, v9;
	v4 =	vnsel vm14, $0x1, v4;
	v10 =	vadd.f32 v1, v0  }
0x52: {  	v2 =	vadd.s32 $0x4E20, v2;
	v8 =	vmax.f32 v8, $0.0e+00;
	v9 =	vsub.f32 $6.766666470e-02, v9  }
0x53: {  	v11 =	vadd.f32 $-6.666667010e-02, v3;
	v3 =	vand.u32 $0x7FFFFFFF, v3;
	v5 =	vld.idx.msk [tilespmem:v5+s5+$0x0], $0xffff;
	v10 =	vadd.f32 v10, v8  }
0x54: {  	v3 =	vsub.f32 $6.766666470e-02, v3;
	v9 =	vmax.f32 v9, $0.0e+00;
	v61 =	vshll.u32 v7, $0x10  }
0x55: {  	v11 =	vand.u32 $0x7FFFFFFF, v11;
	v0 =	vmul.f32 v61, v0;
	v10 =	vadd.f32 v10, v9  }
0x56: {  	v3 =	vmax.f32 v3, $0.0e+00;
	v11 =	vsub.f32 $6.766666470e-02, v11;
	v7 =	vand.u32 $0xFFFF0000, v7  }
0x57: {  	v2 =	vld.idx.msk [tilespmem:v2+s5+$0x0], $0xffff;
	v1 =	vmul.f32 v7, v1;
	v0 =	vadd.f32 $0.0e+00, v0;
	v7 =	vadd.f32 v10, v3  }
0x58: {  	v4 =	vmin.u32 v4, $0x6;
	v11 =	vmax.f32 v11, $0.0e+00;
	v10 =	vshll.u32 v5, $0x10  }
0x59: {  	v0 =	vadd.f32 v1, v0;
	v1 =	vmul.f32 v10, v8;
	v7 =	vadd.f32 v7, v11  }
0x5a: {  	v6 =	vtrunc.f32 v6;
	v4 =	vadd.s32 $0xFFFFFFFF, v4;
	v5 =	vand.u32 $0xFFFF0000, v5  }
0x5b: {  	v0 =	vadd.f32 v0, v1;
	v1 =	vmul.f32 v5, v9;
	v5 =	vadd.f32 $9.999999970e-07, v7  }
0x5c: {  	v6 =	vcvt.f32.s32 v6;
	v8 =	vshll.u32 v2, $0x10;
	v9 =	vcvt.s32.f32 v4  }
0x5d: {  	v7 =	vld [tilespmem:s0+$0x178B0];
	v0 =	vadd.f32 v0, v1;
	v1 =	vmul.f32 v8, v3;
	v3 =	vmul.f32 $1.446131610e+01, v5  }
0x5e: {  	v2 =	vand.u32 $0xFFFF0000, v2;
	v4 =	vmul.u32 $0x2710, v4;
	v5 =	vmul.f32 $1.333333400e-01, v9  }
0x5f: {  	v8 =	vld [tilespmem:s0+$0x138B0];
	v0 =	vadd.f32 v0, v1;
	v1 =	vmul.f32 v2, v11;
	v2 =	vsub.f32 $2.000000000e+00, v3  }
0x60: {  	v5 =	vsub.f32 v13, v5  }
0x61: {  	v4 =	vadd.s32 v6, v4;
	v0 =	vadd.f32 v0, v1;
	v1 =	vmul.f32 $1.446131610e+01, v2  }
0x62: {  	v3 =	vmul.f32 $1.500000000e+01, v7;
	v6 =	vadd.f32 $-6.666667010e-02, v5;
	v9 =	vand.u32 $0x7FFFFFFF, v5  }
0x63: {  	v10 =	vadd.f32 $-1.333333400e-01, v5;
	v5 =	vadd.f32 $-2.666666810e-01, v5;
	v0 =	vmul.f32 v1, v0  }
0x64: {  	v2 =	vadd.s32 $0x2710, v4;
	v8 =	vmul.f32 $1.000000000e+04, v8;
	v3 =	vtrunc.f32 v3  }
0x65: {  	v1 =	vadd.s32 $0x4E20, v4;
	v6 =	vand.u32 $0x7FFFFFFF, v6;
	v62 =	vadd.f32 $-6.666667010e-02, v5;
	[tilespmem:s0+$0x1B890] =	vst v0  }
0x66: {  	v3 =	vcvt.f32.s32 v3;
	v6 =	vsub.f32 $6.766666470e-02, v6;
	v0 =	vsub.f32 $6.766666470e-02, v9;
	v4 =	vld.idx.msk [tilespmem:v4+s5+$0x0], $0xffff  }
0x67: {  	v5 =	vand.u32 $0x7FFFFFFF, v5;
	v9 =	vadd.f32 $-6.666667010e-02, v10;
	v10 =	vand.u32 $0x7FFFFFFF, v10  }
0x68: {  	v6 =	vmax.f32 v6, $0.0e+00;
	v10 =	vsub.f32 $6.766666470e-02, v10;
	v0 =	vmax.f32 v0, $0.0e+00  }
0x69: {  	v5 =	vsub.f32 $6.766666470e-02, v5;
	v9 =	vand.u32 $0x7FFFFFFF, v9;
	v11 =	vadd.f32 v6, v0  }
0x6a: {  	v3 =	vshra.s32 v3, $0x1;
	v2 =	vld.idx.msk [tilespmem:v2+s5+$0x0], $0xffff;
	v10 =	vmax.f32 v10, $0.0e+00;
	v9 =	vsub.f32 $6.766666470e-02, v9  }
0x6b: {  	v12 =	vand.u32 $0x7FFFFFFF, v62;
	v11 =	vadd.f32 v11, v10;
	v63 =	vshll.u32 v4, $0x10  }
0x6c: {  	vm15 =	vgt.s32 v3, $0x1;
	v9 =	vmax.f32 v9, $0.0e+00;
	v0 =	vmul.f32 v63, v0  }
0x6d: {  	v5 =	vmax.f32 v5, $0.0e+00;
	v4 =	vand.u32 $0xFFFF0000, v4;
	v11 =	vadd.f32 v11, v9  }
0x6e: {  	v12 =	vsub.f32 $6.766666470e-02, v12;
	v1 =	vld.idx.msk [tilespmem:v1+s5+$0x0], $0xffff;
	v4 =	vmul.f32 v4, v6;
	v0 =	vadd.f32 $0.0e+00, v0  }
0x6f: {  	v3 =	vnsel vm15, $0x1, v3;
	v6 =	vadd.f32 v11, v5;
	v11 =	vshll.u32 v2, $0x10  }
0x70: {  	v12 =	vmax.f32 v12, $0.0e+00;
	v10 =	vmul.f32 v11, v10;
	v4 =	vadd.f32 v4, v0  }
0x71: {  	v3 =	vmin.u32 v3, $0x6;
	v2 =	vand.u32 $0xFFFF0000, v2;
	v6 =	vadd.f32 v6, v12  }
0x72: {  	s2 =	simm.s32 $0x40;
	v3 =	vadd.s32 $0xFFFFFFFF, v3;
	v2 =	vmul.f32 v2, v9;
	v4 =	vadd.f32 v4, v10  }
0x73: {  	v9 =	vshll.u32 v1, $0x10;
	v1 =	vand.u32 $0xFFFF0000, v1;
	v0 =	vld [tilespmem:s2+$0x17880];
	v6 =	vadd.f32 $9.999999970e-07, v6  }
0x74: {  	v10 =	vcvt.s32.f32 v3;
	v2 =	vadd.f32 v4, v2;
	v4 =	vmul.f32 v9, v5  }
0x75: {  	v1 =	vmul.f32 v1, v12;
	v5 =	vmul.f32 $1.446131610e+01, v6  }
0x76: {  	v6 =	vtrunc.f32 v8;
	v8 =	vmul.f32 $1.333333400e-01, v10;
	v2 =	vadd.f32 v2, v4  }
0x77: {  	v4 =	vsub.f32 $2.000000000e+00, v5;
	v5 =	vcvt.f32.s32 v6;
	v6 =	vmul.u32 $0x2710, v3  }
0x78: {  	v9 =	vld [tilespmem:s2+$0x13880];
	v10 =	vmul.f32 $1.500000000e+01, v0;
	v3 =	vsub.f32 v7, v8  }
0x79: {  	v1 =	vadd.f32 v2, v1;
	v2 =	vmul.f32 $1.446131610e+01, v4;
	v5 =	vadd.s32 v5, v6  }
0x7a: {  	v6 =	vtrunc.f32 v10;
	v4 =	vadd.s32 $0x2710, v5  }
0x7b: {  	v10 =	vadd.f32 $-6.666667010e-02, v3;
	v8 =	vmul.f32 v2, v1;
	v2 =	vadd.s32 $0x4E20, v5  }
0x7c: {  	v7 =	vcvt.f32.s32 v6;
	v6 =	vadd.f32 $-1.333333400e-01, v3  }
0x7d: {  	s31 =	sor.u32 s6, s30;
	s13 =	simm.s32 $0x200;
	v1 =	vmul.f32 $1.000000000e+04, v9;
	v9 =	vand.u32 $0x7FFFFFFF, v10;
	[tilespmem:s0+$0x1B8A0] =	vst v8;
	v8 =	vand.u32 $0x7FFFFFFF, v3  }
.LBB2_3:
0x7e: {  	p0 =	sne.s32 s13, $0x7F00;
	v7 =	vshra.s32 v7, $0x1;
	v5 =	vld.idx.msk [tilespmem:v5+s5+$0x0], $0xffff;
	v8 =	vsub.f32 $6.766666470e-02, v8;
	v9 =	vsub.f32 $6.766666470e-02, v9  }
0x7f: {  	vm0 =	vgt.s32 v7, $0x1;
	v4 =	vld.idx.msk [tilespmem:v4+s5+$0x0], $0xffff;
	v10 =	vadd.f32 $-6.666667010e-02, v6;
	v6 =	vand.u32 $0x7FFFFFFF, v6  }
0x80: {  	v8 =	vmax.f32 v8, $0.0e+00;
	v9 =	vmax.f32 v9, $0.0e+00;
	v6 =	vsub.f32 $6.766666470e-02, v6;
	v2 =	vld.idx.msk [tilespmem:v2+s5+$0x0], $0xffff  }
0x81: {  	v3 =	vadd.f32 $-2.666666810e-01, v3;
	v11 =	vadd.f32 v9, v8;
	v10 =	vand.u32 $0x7FFFFFFF, v10  }
0x82: {  	v7 =	vnsel vm0, $0x1, v7;
	v6 =	vmax.f32 v6, $0.0e+00;
	v10 =	vsub.f32 $6.766666470e-02, v10  }
0x83: {  	v12 =	vadd.f32 $-6.666667010e-02, v3;
	v3 =	vand.u32 $0x7FFFFFFF, v3;
	v11 =	vadd.f32 v11, v6  }
0x84: {  	v3 =	vsub.f32 $6.766666470e-02, v3;
	v13 =	vshll.u32 v5, $0x10;
	v10 =	vmax.f32 v10, $0.0e+00  }
0x85: {  	v12 =	vand.u32 $0x7FFFFFFF, v12;
	v8 =	vmul.f32 v13, v8;
	v11 =	vadd.f32 v11, v10  }
0x86: {  	v5 =	vand.u32 $0xFFFF0000, v5;
	v3 =	vmax.f32 v3, $0.0e+00;
	v12 =	vsub.f32 $6.766666470e-02, v12  }
0x87: {  	v5 =	vmul.f32 v5, v9;
	v8 =	vadd.f32 $0.0e+00, v8;
	v9 =	vadd.f32 v11, v3  }
0x88: {  	v7 =	vmin.u32 v7, $0x6;
	v12 =	vmax.f32 v12, $0.0e+00;
	v11 =	vshll.u32 v4, $0x10  }
0x89: {  	v5 =	vadd.f32 v5, v8;
	v6 =	vmul.f32 v11, v6;
	v8 =	vadd.f32 v9, v12  }
0x8a: {  	v1 =	vtrunc.f32 v1;
	v7 =	vadd.s32 $0xFFFFFFFF, v7;
	v4 =	vand.u32 $0xFFFF0000, v4  }
0x8b: {  	v4 =	vmul.f32 v4, v10;
	v5 =	vadd.f32 v5, v6;
	v9 =	vld [tilespmem:s2+$0x17890];
	v6 =	vadd.f32 $9.999999970e-07, v8  }
0x8c: {  	v10 =	vcvt.s32.f32 v7;
	v11 =	vshll.u32 v2, $0x10;
	v8 =	vcvt.f32.s32 v1  }
0x8d: {  	v3 =	vmul.f32 v11, v3;
	v4 =	vadd.f32 v5, v4;
	v1 =	vld [tilespmem:s2+$0x178A0];
	v5 =	vmul.f32 $1.446131610e+01, v6  }
0x8e: {  	v2 =	vand.u32 $0xFFFF0000, v2;
	v6 =	vmul.u32 $0x2710, v7;
	v7 =	vmul.f32 $1.333333400e-01, v10  }
0x8f: {  	v2 =	vmul.f32 v2, v12;
	v3 =	vadd.f32 v4, v3;
	v10 =	vld [tilespmem:s2+$0x13890];
	v4 =	vsub.f32 $2.000000000e+00, v5  }
0x90: {  	v5 =	vadd.s32 v8, v6;
	v6 =	vmul.f32 $1.500000000e+01, v9  }
0x91: {  	v0 =	vsub.f32 v0, v7;
	v2 =	vadd.f32 v3, v2;
	v3 =	vmul.f32 $1.446131610e+01, v4  }
0x92: {  	v4 =	vadd.s32 $0x2710, v5;
	v6 =	vtrunc.f32 v6;
	v7 =	vmul.f32 $1.500000000e+01, v1  }
0x93: {  	v11 =	vadd.s32 $0x4E20, v5;
	v8 =	vadd.f32 $-6.666667010e-02, v0;
	v2 =	vmul.f32 v3, v2  }
0x94: {  	v6 =	vcvt.f32.s32 v6;
	v3 =	vmul.f32 $1.000000000e+04, v10  }
0x95: {  	v12 =	vadd.f32 $-1.333333400e-01, v0;
	v8 =	vand.u32 $0x7FFFFFFF, v8;
	v10 =	vand.u32 $0x7FFFFFFF, v0;
	[tilespmem:s0+$0x1B8B0] =	vst v2;
	s0 =	smov.u32 s2  }
0x96: {  	v8 =	vsub.f32 $6.766666470e-02, v8;
	v6 =	vshra.s32 v6, $0x1;
	v2 =	vld.idx.msk [tilespmem:v5+s5+$0x0], $0xffff;
	v5 =	vsub.f32 $6.766666470e-02, v10  }
0x97: {  	v10 =	vadd.f32 $-6.666667010e-02, v12;
	v12 =	vand.u32 $0x7FFFFFFF, v12;
	vm0 =	vgt.s32 v6, $0x1;
	v4 =	vld.idx.msk [tilespmem:v4+s5+$0x0], $0xffff  }
0x98: {  	v8 =	vmax.f32 v8, $0.0e+00;
	v12 =	vsub.f32 $6.766666470e-02, v12;
	v5 =	vmax.f32 v5, $0.0e+00;
	v11 =	vld.idx.msk [tilespmem:v11+s5+$0x0], $0xffff  }
0x99: {  	v0 =	vadd.f32 $-2.666666810e-01, v0;
	v10 =	vand.u32 $0x7FFFFFFF, v10;
	v13 =	vadd.f32 v8, v5  }
0x9a: {  	v6 =	vnsel vm0, $0x1, v6;
	v12 =	vmax.f32 v12, $0.0e+00;
	v10 =	vsub.f32 $6.766666470e-02, v10  }
0x9b: {  	v14 =	vadd.f32 $-6.666667010e-02, v0;
	v0 =	vand.u32 $0x7FFFFFFF, v0;
	v13 =	vadd.f32 v13, v12  }
0x9c: {  	v0 =	vsub.f32 $6.766666470e-02, v0;
	v15 =	vshll.u32 v2, $0x10;
	v10 =	vmax.f32 v10, $0.0e+00  }
0x9d: {  	v14 =	vand.u32 $0x7FFFFFFF, v14;
	v5 =	vmul.f32 v15, v5;
	v13 =	vadd.f32 v13, v10  }
0x9e: {  	v0 =	vmax.f32 v0, $0.0e+00;
	v14 =	vsub.f32 $6.766666470e-02, v14;
	v2 =	vand.u32 $0xFFFF0000, v2  }
0x9f: {  	v2 =	vmul.f32 v2, v8;
	v5 =	vadd.f32 $0.0e+00, v5;
	v8 =	vadd.f32 v13, v0  }
0xa0: {  	v6 =	vmin.u32 v6, $0x6;
	v14 =	vmax.f32 v14, $0.0e+00;
	v13 =	vshll.u32 v4, $0x10  }
0xa1: {  	v2 =	vadd.f32 v2, v5;
	v5 =	vmul.f32 v13, v12;
	v8 =	vadd.f32 v8, v14  }
0xa2: {  	v3 =	vtrunc.f32 v3;
	v6 =	vadd.s32 $0xFFFFFFFF, v6;
	v4 =	vand.u32 $0xFFFF0000, v4  }
0xa3: {  	v4 =	vmul.f32 v4, v10;
	v2 =	vadd.f32 v2, v5;
	v5 =	vadd.f32 $9.999999970e-07, v8  }
0xa4: {  	v3 =	vcvt.f32.s32 v3;
	v10 =	vcvt.s32.f32 v6;
	v8 =	vshll.u32 v11, $0x10  }
0xa5: {  	v2 =	vadd.f32 v2, v4;
	v0 =	vmul.f32 v8, v0;
	v4 =	vmul.f32 $1.446131610e+01, v5  }
0xa6: {  	v6 =	vmul.u32 $0x2710, v6;
	v8 =	vmul.f32 $1.333333400e-01, v10;
	v5 =	vand.u32 $0xFFFF0000, v11  }
0xa7: {  	v0 =	vadd.f32 v2, v0;
	v2 =	vmul.f32 v5, v14;
	v4 =	vsub.f32 $2.000000000e+00, v4;
	v5 =	vld [tilespmem:s0+$0x138A0]  }
0xa8: {  	v3 =	vadd.s32 v3, v6;
	v6 =	vtrunc.f32 v7  }
0xa9: {  	v0 =	vadd.f32 v0, v2;
	v2 =	vmul.f32 $1.446131610e+01, v4;
	v4 =	vsub.f32 v9, v8  }
0xaa: {  	v6 =	vcvt.f32.s32 v6  }
0xab: {  	v0 =	vmul.f32 v2, v0;
	v2 =	vadd.f32 $-6.666667010e-02, v4  }
0xac: {  	v7 =	vadd.s32 $0x2710, v3;
	v6 =	vshra.s32 v6, $0x1;
	v5 =	vmul.f32 $1.000000000e+04, v5  }
0xad: {  	v8 =	vadd.f32 $-1.333333400e-01, v4;
	[tilespmem:s0+$0x1B880] =	vst v0;
	v0 =	vand.u32 $0x7FFFFFFF, v4;
	v2 =	vand.u32 $0x7FFFFFFF, v2  }
0xae: {  	vm0 =	vgt.s32 v6, $0x1;
	v9 =	vld.idx.msk [tilespmem:v3+s5+$0x0], $0xffff;
	v0 =	vsub.f32 $6.766666470e-02, v0;
	v2 =	vsub.f32 $6.766666470e-02, v2  }
0xaf: {  	v10 =	vadd.f32 $-6.666667010e-02, v8;
	v8 =	vand.u32 $0x7FFFFFFF, v8;
	v3 =	vadd.s32 $0x4E20, v3  }
0xb0: {  	v8 =	vsub.f32 $6.766666470e-02, v8;
	v0 =	vmax.f32 v0, $0.0e+00;
	v2 =	vmax.f32 v2, $0.0e+00  }
0xb1: {  	v4 =	vadd.f32 $-2.666666810e-01, v4;
	v10 =	vand.u32 $0x7FFFFFFF, v10;
	v11 =	vadd.f32 v2, v0  }
0xb2: {  	v6 =	vnsel vm0, $0x1, v6;
	v8 =	vmax.f32 v8, $0.0e+00;
	v10 =	vsub.f32 $6.766666470e-02, v10;
	v7 =	vld.idx.msk [tilespmem:v7+s5+$0x0], $0xffff  }
0xb3: {  	v12 =	vadd.f32 $-6.666667010e-02, v4;
	v4 =	vand.u32 $0x7FFFFFFF, v4;
	v11 =	vadd.f32 v11, v8  }
0xb4: {  	v4 =	vsub.f32 $6.766666470e-02, v4;
	v10 =	vmax.f32 v10, $0.0e+00;
	v13 =	vshll.u32 v9, $0x10  }
0xb5: {  	v12 =	vand.u32 $0x7FFFFFFF, v12;
	v0 =	vmul.f32 v13, v0;
	v11 =	vadd.f32 v11, v10  }
0xb6: {  	v4 =	vmax.f32 v4, $0.0e+00;
	v12 =	vsub.f32 $6.766666470e-02, v12;
	v9 =	vand.u32 $0xFFFF0000, v9;
	v3 =	vld.idx.msk [tilespmem:v3+s5+$0x0], $0xffff  }
0xb7: {  	v2 =	vmul.f32 v9, v2;
	v0 =	vadd.f32 $0.0e+00, v0;
	v9 =	vadd.f32 v11, v4  }
0xb8: {  	v6 =	vmin.u32 v6, $0x6;
	v12 =	vmax.f32 v12, $0.0e+00;
	v11 =	vshll.u32 v7, $0x10  }
0xb9: {  	v0 =	vadd.f32 v2, v0;
	v2 =	vmul.f32 v11, v8;
	v8 =	vadd.f32 v9, v12  }
0xba: {  	v6 =	vadd.s32 $0xFFFFFFFF, v6;
	v5 =	vtrunc.f32 v5;
	v7 =	vand.u32 $0xFFFF0000, v7  }
0xbb: {  	v0 =	vadd.f32 v0, v2;
	v2 =	vmul.f32 v7, v10;
	v7 =	vadd.f32 $9.999999970e-07, v8;
	v8 =	vld [tilespmem:s0+$0x178B0]  }
0xbc: {  	v5 =	vcvt.f32.s32 v5;
	v10 =	vcvt.s32.f32 v6;
	v9 =	vshll.u32 v3, $0x10  }
0xbd: {  	v0 =	vadd.f32 v0, v2;
	v2 =	vmul.f32 v9, v4;
	v4 =	vmul.f32 $1.446131610e+01, v7  }
0xbe: {  	v6 =	vmul.u32 $0x2710, v6;
	v3 =	vand.u32 $0xFFFF0000, v3;
	v7 =	vmul.f32 $1.333333400e-01, v10  }
0xbf: {  	v0 =	vadd.f32 v0, v2;
	v2 =	vmul.f32 v3, v12;
	v3 =	vsub.f32 $2.000000000e+00, v4;
	v4 =	vld [tilespmem:s0+$0x138B0]  }
0xc0: {  	v5 =	vadd.s32 v5, v6;
	v6 =	vmul.f32 $1.500000000e+01, v8  }
0xc1: {  	v1 =	vsub.f32 v1, v7;
	v0 =	vadd.f32 v0, v2;
	v2 =	vmul.f32 $1.446131610e+01, v3  }
0xc2: {  	v3 =	vadd.s32 $0x2710, v5;
	v6 =	vtrunc.f32 v6  }
0xc3: {  	v7 =	vadd.s32 $0x4E20, v5;
	v0 =	vmul.f32 v2, v0;
	v2 =	vadd.f32 $-6.666667010e-02, v1  }
0xc4: {  	v6 =	vcvt.f32.s32 v6;
	v4 =	vmul.f32 $1.000000000e+04, v4  }
0xc5: {  	v9 =	vadd.f32 $-1.333333400e-01, v1;
	[tilespmem:s0+$0x1B890] =	vst v0;
	v0 =	vand.u32 $0x7FFFFFFF, v1;
	v2 =	vand.u32 $0x7FFFFFFF, v2  }
0xc6: {  	v6 =	vshra.s32 v6, $0x1;
	v5 =	vld.idx.msk [tilespmem:v5+s5+$0x0], $0xffff;
	v0 =	vsub.f32 $6.766666470e-02, v0;
	v2 =	vsub.f32 $6.766666470e-02, v2  }
0xc7: {  	v10 =	vadd.f32 $-6.666667010e-02, v9;
	v9 =	vand.u32 $0x7FFFFFFF, v9;
	vm0 =	vgt.s32 v6, $0x1;
	v3 =	vld.idx.msk [tilespmem:v3+s5+$0x0], $0xffff  }
0xc8: {  	v9 =	vsub.f32 $6.766666470e-02, v9;
	v0 =	vmax.f32 v0, $0.0e+00;
	v2 =	vmax.f32 v2, $0.0e+00;
	v7 =	vld.idx.msk [tilespmem:v7+s5+$0x0], $0xffff  }
0xc9: {  	v10 =	vand.u32 $0x7FFFFFFF, v10;
	v1 =	vadd.f32 $-2.666666810e-01, v1;
	v11 =	vadd.f32 v2, v0  }
0xca: {  	v9 =	vmax.f32 v9, $0.0e+00;
	v10 =	vsub.f32 $6.766666470e-02, v10;
	v6 =	vnsel vm0, $0x1, v6  }
0xcb: {  	v12 =	vadd.f32 $-6.666667010e-02, v1;
	v1 =	vand.u32 $0x7FFFFFFF, v1;
	v11 =	vadd.f32 v11, v9  }
0xcc: {  	v10 =	vmax.f32 v10, $0.0e+00;
	v1 =	vsub.f32 $6.766666470e-02, v1;
	v13 =	vshll.u32 v5, $0x10  }
0xcd: {  	v12 =	vand.u32 $0x7FFFFFFF, v12;
	v0 =	vmul.f32 v13, v0;
	v11 =	vadd.f32 v11, v10  }
0xce: {  	v1 =	vmax.f32 v1, $0.0e+00;
	v12 =	vsub.f32 $6.766666470e-02, v12;
	v5 =	vand.u32 $0xFFFF0000, v5  }
0xcf: {  	v2 =	vmul.f32 v5, v2;
	v0 =	vadd.f32 $0.0e+00, v0;
	v5 =	vadd.f32 v11, v1  }
0xd0: {  	v6 =	vmin.u32 v6, $0x6;
	v12 =	vmax.f32 v12, $0.0e+00;
	v11 =	vshll.u32 v3, $0x10  }
0xd1: {  	v2 =	vadd.f32 v2, v0;
	v9 =	vmul.f32 v11, v9;
	v5 =	vadd.f32 v5, v12  }
0xd2: {  	s2 =	sshra.s32 s13, $0x2;
	v4 =	vtrunc.f32 v4;
	v6 =	vadd.s32 $0xFFFFFFFF, v6;
	v3 =	vand.u32 $0xFFFF0000, v3  }
0xd3: {  	v3 =	vmul.f32 v3, v10;
	v2 =	vadd.f32 v2, v9;
	v0 =	vld [tilespmem:s2+$0x17880];
	v5 =	vadd.f32 $9.999999970e-07, v5  }
0xd4: {  	v4 =	vcvt.f32.s32 v4;
	v10 =	vcvt.s32.f32 v6;
	v9 =	vshll.u32 v7, $0x10  }
0xd5: {  	v1 =	vmul.f32 v9, v1;
	v2 =	vadd.f32 v2, v3;
	v3 =	vmul.f32 $1.446131610e+01, v5  }
0xd6: {  	v6 =	vmul.u32 $0x2710, v6;
	v5 =	vand.u32 $0xFFFF0000, v7;
	v7 =	vmul.f32 $1.333333400e-01, v10  }
0xd7: {  	v1 =	vadd.f32 v2, v1;
	v2 =	vmul.f32 v5, v12;
	v9 =	vld [tilespmem:s2+$0x13880];
	v3 =	vsub.f32 $2.000000000e+00, v3  }
0xd8: {  	v5 =	vadd.s32 v4, v6;
	v10 =	vmul.f32 $1.500000000e+01, v0  }
.Ltmp0:
0xd9: {  	v1 =	vadd.f32 v1, v2;
	v2 =	vmul.f32 $1.446131610e+01, v3;
	v3 =	vsub.f32 v8, v7;
	(pc) =	sbr.rel @p0 .LBB2_3-.Ltmp0, $4  }
0xda: {  	v4 =	vadd.s32 $0x2710, v5;
	v6 =	vtrunc.f32 v10  }
0xdb: {  	v8 =	vmul.f32 v2, v1;
	v10 =	vadd.f32 $-6.666667010e-02, v3;
	v2 =	vadd.s32 $0x4E20, v5  }
0xdc: {  	v7 =	vcvt.f32.s32 v6;
	v1 =	vmul.f32 $1.000000000e+04, v9  }
0xdd: {  	s13 =	sadd.s32 $0x100, s13;
	v6 =	vadd.f32 $-1.333333400e-01, v3;
	[tilespmem:s0+$0x1B8A0] =	vst v8;
	v8 =	vand.u32 $0x7FFFFFFF, v3;
	v9 =	vand.u32 $0x7FFFFFFF, v10  }
0xde: {  	_ =	sdelay $0x2  }
0xdf: {  	v7 =	vshra.s32 v7, $0x1;
	v8 =	vsub.f32 $6.766666470e-02, v8;
	v9 =	vsub.f32 $6.766666470e-02, v9  }
0xe0: {  	v5 =	vld.idx.msk [tilespmem:v5+s5+$0x0], $0xffff;
	v3 =	vadd.f32 $-2.666666810e-01, v3;
	v10 =	vadd.f32 $-6.666667010e-02, v6;
	v6 =	vand.u32 $0x7FFFFFFF, v6  }
0xe1: {  	v8 =	vmax.f32 v8, $0.0e+00;
	v9 =	vmax.f32 v9, $0.0e+00;
	v6 =	vsub.f32 $6.766666470e-02, v6  }
0xe2: {  	vm0 =	vgt.s32 v7, $0x1;
	v11 =	vadd.f32 v9, v8;
	v10 =	vand.u32 $0x7FFFFFFF, v10  }
0xe3: {  	v7 =	vnsel vm0, $0x1, v7;
	v6 =	vmax.f32 v6, $0.0e+00;
	v10 =	vsub.f32 $6.766666470e-02, v10  }
0xe4: {  	v4 =	vld.idx.msk [tilespmem:v4+s5+$0x0], $0xffff;
	v12 =	vadd.f32 $-6.666667010e-02, v3;
	v3 =	vand.u32 $0x7FFFFFFF, v3;
	v11 =	vadd.f32 v11, v6  }
0xe5: {  	v3 =	vsub.f32 $6.766666470e-02, v3;
	v13 =	vshll.u32 v5, $0x10;
	v10 =	vmax.f32 v10, $0.0e+00  }
0xe6: {  	v12 =	vand.u32 $0x7FFFFFFF, v12;
	v8 =	vmul.f32 v13, v8;
	v11 =	vadd.f32 v11, v10  }
0xe7: {  	v5 =	vand.u32 $0xFFFF0000, v5;
	v3 =	vmax.f32 v3, $0.0e+00;
	v12 =	vsub.f32 $6.766666470e-02, v12  }
0xe8: {  	v2 =	vld.idx.msk [tilespmem:v2+s5+$0x0], $0xffff;
	v5 =	vmul.f32 v5, v9;
	v8 =	vadd.f32 $0.0e+00, v8;
	v9 =	vadd.f32 v11, v3  }
0xe9: {  	v7 =	vmin.u32 v7, $0x6;
	v12 =	vmax.f32 v12, $0.0e+00;
	v11 =	vshll.u32 v4, $0x10  }
0xea: {  	v5 =	vadd.f32 v5, v8;
	v6 =	vmul.f32 v11, v6;
	v8 =	vadd.f32 v9, v12  }
0xeb: {  	v1 =	vtrunc.f32 v1;
	v7 =	vadd.s32 $0xFFFFFFFF, v7;
	v4 =	vand.u32 $0xFFFF0000, v4  }
0xec: {  	v4 =	vmul.f32 v4, v10;
	v9 =	vld [tilespmem:s2+$0x17890];
	v5 =	vadd.f32 v5, v6;
	v6 =	vadd.f32 $9.999999970e-07, v8  }
0xed: {  	v1 =	vcvt.f32.s32 v1;
	v10 =	vshll.u32 v2, $0x10;
	v8 =	vcvt.s32.f32 v7  }
0xee: {  	v3 =	vmul.f32 v10, v3;
	v4 =	vadd.f32 v5, v4;
	v5 =	vmul.f32 $1.446131610e+01, v6  }
0xef: {  	v2 =	vand.u32 $0xFFFF0000, v2;
	v6 =	vmul.u32 $0x2710, v7;
	v7 =	vmul.f32 $1.333333400e-01, v8  }
0xf0: {  	v2 =	vmul.f32 v2, v12;
	v3 =	vadd.f32 v4, v3;
	v4 =	vsub.f32 $2.000000000e+00, v5  }
0xf1: {  	v5 =	vmul.f32 $1.500000000e+01, v9;
	v7 =	vsub.f32 v0, v7;
	v1 =	vadd.s32 v1, v6  }
0xf2: {  	v2 =	vadd.f32 v3, v2;
	v8 =	vadd.s32 $0x4E20, v1  }
0xf3: {  	v3 =	vmul.f32 $1.446131610e+01, v4;
	v5 =	vtrunc.f32 v5;
	v6 =	vadd.f32 $-6.666667010e-02, v7  }
0xf4: {  	v10 =	vand.u32 $0x7FFFFFFF, v7;
	v11 =	vadd.f32 $-1.333333400e-01, v7;
	v7 =	vadd.f32 $-2.666666810e-01, v7  }
0xf5: {  	v0 =	vld [tilespmem:s2+$0x178A0];
	v2 =	vmul.f32 v3, v2;
	v3 =	vcvt.f32.s32 v5;
	v6 =	vand.u32 $0x7FFFFFFF, v6  }
0xf6: {  	v52 =	vadd.f32 $-6.666667010e-02, v7;
	v7 =	vand.u32 $0x7FFFFFFF, v7;
	v6 =	vsub.f32 $6.766666470e-02, v6  }
0xf7: {  	v4 =	vadd.s32 $0x2710, v1;
	v5 =	vld [tilespmem:s2+$0x13890];
	v7 =	vsub.f32 $6.766666470e-02, v7;
	[tilespmem:s0+$0x1B8B0] =	vst v2;
	v2 =	vsub.f32 $6.766666470e-02, v10  }
0xf8: {  	v3 =	vshra.s32 v3, $0x1;
	v10 =	vadd.f32 $-6.666667010e-02, v11;
	v11 =	vand.u32 $0x7FFFFFFF, v11;
	v1 =	vld.idx.msk [tilespmem:v1+s5+$0x0], $0xffff  }
0xf9: {  	v6 =	vmax.f32 v6, $0.0e+00;
	v11 =	vsub.f32 $6.766666470e-02, v11;
	v2 =	vmax.f32 v2, $0.0e+00  }
0xfa: {  	v13 =	vand.u32 $0x7FFFFFFF, v52;
	v10 =	vand.u32 $0x7FFFFFFF, v10;
	v51 =	vadd.f32 v6, v2  }
0xfb: {  	vm9 =	vgt.s32 v3, $0x1;
	v11 =	vmax.f32 v11, $0.0e+00;
	v10 =	vsub.f32 $6.766666470e-02, v10  }
0xfc: {  	v4 =	vld.idx.msk [tilespmem:v4+s5+$0x0], $0xffff;
	v7 =	vmax.f32 v7, $0.0e+00;
	v13 =	vsub.f32 $6.766666470e-02, v13;
	v12 =	vadd.f32 v51, v11  }
0xfd: {  	v3 =	vnsel vm9, $0x1, v3;
	v10 =	vmax.f32 v10, $0.0e+00;
	v14 =	vshll.u32 v1, $0x10  }
0xfe: {  	v13 =	vmax.f32 v13, $0.0e+00;
	v2 =	vmul.f32 v14, v2;
	v12 =	vadd.f32 v12, v10  }
0xff: {  	v3 =	vmin.u32 v3, $0x6;
	v5 =	vmul.f32 $1.000000000e+04, v5;
	v1 =	vand.u32 $0xFFFF0000, v1  }
0x100: {  	v8 =	vld.idx.msk [tilespmem:v8+s5+$0x0], $0xffff;
	v1 =	vmul.f32 v1, v6;
	v2 =	vadd.f32 $0.0e+00, v2;
	v6 =	vadd.f32 v12, v7  }
0x101: {  	v3 =	vadd.s32 $0xFFFFFFFF, v3;
	v5 =	vtrunc.f32 v5;
	v53 =	vshll.u32 v4, $0x10  }
0x102: {  	v1 =	vadd.f32 v1, v2;
	v2 =	vmul.f32 v53, v11;
	v6 =	vadd.f32 v6, v13  }
0x103: {  	v4 =	vand.u32 $0xFFFF0000, v4;
	v5 =	vcvt.f32.s32 v5;
	v11 =	vmul.f32 $1.500000000e+01, v0  }
0x104: {  	v1 =	vadd.f32 v1, v2;
	v2 =	vmul.f32 v4, v10;
	v4 =	vadd.f32 $9.999999970e-07, v6  }
0x105: {  	v6 =	vshll.u32 v8, $0x10;
	v10 =	vcvt.s32.f32 v3;
	v3 =	vmul.u32 $0x2710, v3  }
0x106: {  	v1 =	vadd.f32 v1, v2;
	v2 =	vmul.f32 v6, v7;
	v4 =	vmul.f32 $1.446131610e+01, v4  }
0x107: {  	v6 =	vand.u32 $0xFFFF0000, v8;
	v7 =	vmul.f32 $1.333333400e-01, v10;
	v8 =	vtrunc.f32 v11  }
0x108: {  	v1 =	vadd.f32 v1, v2;
	v2 =	vmul.f32 v6, v13;
	v4 =	vsub.f32 $2.000000000e+00, v4  }
0x109: {  	v3 =	vadd.s32 v5, v3;
	v5 =	vcvt.f32.s32 v8  }
0x10a: {  	v1 =	vadd.f32 v1, v2;
	v2 =	vmul.f32 $1.446131610e+01, v4;
	v4 =	vsub.f32 v9, v7;
	_ =	sdelay $0x1  }
0x10b: {  	v5 =	vshra.s32 v5, $0x1;
	v1 =	vmul.f32 v2, v1;
	v2 =	vadd.f32 $-6.666667010e-02, v4  }
0x10c: {  	v7 =	vadd.s32 $0x2710, v3;
	vm10 =	vgt.s32 v5, $0x1  }
0x10d: {  	v8 =	vand.u32 $0x7FFFFFFF, v4;
	v9 =	vadd.f32 $-1.333333400e-01, v4;
	v2 =	vand.u32 $0x7FFFFFFF, v2  }
0x10e: {  	v5 =	vnsel vm10, $0x1, v5;
	[tilespmem:s2+$0x1B880] =	vst v1;
	v1 =	vsub.f32 $6.766666470e-02, v8;
	v2 =	vsub.f32 $6.766666470e-02, v2  }
0x10f: {  	v4 =	vadd.f32 $-2.666666810e-01, v4;
	v10 =	vadd.f32 $-6.666667010e-02, v9;
	v9 =	vand.u32 $0x7FFFFFFF, v9;
	v8 =	vld.idx.msk [tilespmem:v3+s5+$0x0], $0xffff  }
0x110: {  	v9 =	vsub.f32 $6.766666470e-02, v9;
	v1 =	vmax.f32 v1, $0.0e+00;
	v2 =	vmax.f32 v2, $0.0e+00  }
0x111: {  	v5 =	vmin.u32 v5, $0x6;
	v10 =	vand.u32 $0x7FFFFFFF, v10;
	v11 =	vadd.f32 v2, v1  }
0x112: {  	v6 =	vld [tilespmem:s2+$0x138A0];
	v3 =	vadd.s32 $0x4E20, v3;
	v9 =	vmax.f32 v9, $0.0e+00;
	v10 =	vsub.f32 $6.766666470e-02, v10  }
0x113: {  	v54 =	vadd.f32 $-6.666667010e-02, v4;
	v4 =	vand.u32 $0x7FFFFFFF, v4;
	v7 =	vld.idx.msk [tilespmem:v7+s5+$0x0], $0xffff;
	v11 =	vadd.f32 v11, v9  }
0x114: {  	v4 =	vsub.f32 $6.766666470e-02, v4;
	v10 =	vmax.f32 v10, $0.0e+00;
	v55 =	vshll.u32 v8, $0x10  }
0x115: {  	v12 =	vand.u32 $0x7FFFFFFF, v54;
	v1 =	vmul.f32 v55, v1;
	v11 =	vadd.f32 v11, v10  }
0x116: {  	v4 =	vmax.f32 v4, $0.0e+00;
	v12 =	vsub.f32 $6.766666470e-02, v12;
	v8 =	vand.u32 $0xFFFF0000, v8  }
0x117: {  	v3 =	vld.idx.msk [tilespmem:v3+s5+$0x0], $0xffff;
	v2 =	vmul.f32 v8, v2;
	v1 =	vadd.f32 $0.0e+00, v1;
	v8 =	vadd.f32 v11, v4  }
0x118: {  	v6 =	vmul.f32 $1.000000000e+04, v6;
	v12 =	vmax.f32 v12, $0.0e+00;
	v11 =	vshll.u32 v7, $0x10  }
0x119: {  	v1 =	vadd.f32 v2, v1;
	v2 =	vmul.f32 v11, v9;
	v8 =	vadd.f32 v8, v12  }
0x11a: {  	v5 =	vadd.s32 $0xFFFFFFFF, v5;
	v6 =	vtrunc.f32 v6;
	v7 =	vand.u32 $0xFFFF0000, v7  }
0x11b: {  	v1 =	vadd.f32 v1, v2;
	v2 =	vmul.f32 v7, v10;
	v7 =	vadd.f32 $9.999999970e-07, v8  }
0x11c: {  	v6 =	vcvt.f32.s32 v6;
	v9 =	vshll.u32 v3, $0x10;
	v10 =	vcvt.s32.f32 v5  }
0x11d: {  	v8 =	vld [tilespmem:s2+$0x178B0];
	v1 =	vadd.f32 v1, v2;
	v2 =	vmul.f32 v9, v4;
	v4 =	vmul.f32 $1.446131610e+01, v7  }
0x11e: {  	v3 =	vand.u32 $0xFFFF0000, v3;
	v5 =	vmul.u32 $0x2710, v5;
	v7 =	vmul.f32 $1.333333400e-01, v10  }
0x11f: {  	v1 =	vadd.f32 v1, v2;
	v2 =	vmul.f32 v3, v12;
	v3 =	vsub.f32 $2.000000000e+00, v4  }
0x120: {  	v5 =	vadd.s32 v6, v5  }
0x121: {  	v4 =	vld [tilespmem:s2+$0x138B0];
	v0 =	vsub.f32 v0, v7;
	v1 =	vadd.f32 v1, v2;
	v2 =	vmul.f32 $1.446131610e+01, v3  }
0x122: {  	v7 =	vadd.s32 $0x4E20, v5;
	v6 =	vmul.f32 $1.500000000e+01, v8  }
0x123: {  	v3 =	vadd.s32 $0x2710, v5;
	v1 =	vmul.f32 v2, v1;
	v2 =	vadd.f32 $-6.666667010e-02, v0  }
0x124: {  	v9 =	vand.u32 $0x7FFFFFFF, v0;
	v10 =	vadd.f32 $-1.333333400e-01, v0;
	v6 =	vtrunc.f32 v6  }
0x125: {  	v6 =	vcvt.f32.s32 v6;
	v0 =	vadd.f32 $-2.666666810e-01, v0;
	v2 =	vand.u32 $0x7FFFFFFF, v2  }
0x126: {  	v4 =	vmul.f32 $1.000000000e+04, v4;
	[tilespmem:s2+$0x1B890] =	vst v1;
	v1 =	vsub.f32 $6.766666470e-02, v9;
	v2 =	vsub.f32 $6.766666470e-02, v2  }
0x127: {  	v6 =	vshra.s32 v6, $0x1;
	v9 =	vadd.f32 $-6.666667010e-02, v10;
	v10 =	vand.u32 $0x7FFFFFFF, v10;
	v5 =	vld.idx.msk [tilespmem:v5+s5+$0x0], $0xffff  }
0x128: {  	v10 =	vsub.f32 $6.766666470e-02, v10;
	v1 =	vmax.f32 v1, $0.0e+00;
	v2 =	vmax.f32 v2, $0.0e+00  }
0x129: {  	v56 =	vadd.f32 $-6.666667010e-02, v0;
	v9 =	vand.u32 $0x7FFFFFFF, v9;
	v11 =	vadd.f32 v2, v1  }
0x12a: {  	v0 =	vand.u32 $0x7FFFFFFF, v0;
	v10 =	vmax.f32 v10, $0.0e+00;
	v9 =	vsub.f32 $6.766666470e-02, v9  }
0x12b: {  	vm11 =	vgt.s32 v6, $0x1;
	v3 =	vld.idx.msk [tilespmem:v3+s5+$0x0], $0xffff;
	v0 =	vsub.f32 $6.766666470e-02, v0;
	v11 =	vadd.f32 v11, v10  }
0x12c: {  	v6 =	vnsel vm11, $0x1, v6;
	v9 =	vmax.f32 v9, $0.0e+00;
	v57 =	vshll.u32 v5, $0x10  }
0x12d: {  	v12 =	vand.u32 $0x7FFFFFFF, v56;
	v1 =	vmul.f32 v57, v1;
	v11 =	vadd.f32 v11, v9  }
0x12e: {  	v0 =	vmax.f32 v0, $0.0e+00;
	v12 =	vsub.f32 $6.766666470e-02, v12;
	v5 =	vand.u32 $0xFFFF0000, v5  }
0x12f: {  	v7 =	vld.idx.msk [tilespmem:v7+s5+$0x0], $0xffff;
	v2 =	vmul.f32 v5, v2;
	v1 =	vadd.f32 $0.0e+00, v1;
	v5 =	vadd.f32 v11, v0  }
0x130: {  	v6 =	vmin.u32 v6, $0x6;
	v12 =	vmax.f32 v12, $0.0e+00;
	v11 =	vshll.u32 v3, $0x10  }
0x131: {  	v1 =	vadd.f32 v2, v1;
	v2 =	vmul.f32 v11, v10;
	v5 =	vadd.f32 v5, v12  }
0x132: {  	v4 =	vtrunc.f32 v4;
	v6 =	vadd.s32 $0xFFFFFFFF, v6;
	v3 =	vand.u32 $0xFFFF0000, v3  }
0x133: {  	v1 =	vadd.f32 v1, v2;
	v2 =	vmul.f32 v3, v9;
	v3 =	vadd.f32 $9.999999970e-07, v5  }
0x134: {  	v4 =	vcvt.f32.s32 v4;
	v9 =	vcvt.s32.f32 v6;
	v5 =	vshll.u32 v7, $0x10  }
0x135: {  	v1 =	vadd.f32 v1, v2;
	v0 =	vmul.f32 v5, v0;
	v2 =	vmul.f32 $1.446131610e+01, v3  }
0x136: {  	v5 =	vmul.u32 $0x2710, v6;
	v6 =	vmul.f32 $1.333333400e-01, v9;
	v3 =	vand.u32 $0xFFFF0000, v7  }
0x137: {  	v0 =	vadd.f32 v1, v0;
	v1 =	vmul.f32 v3, v12;
	v2 =	vsub.f32 $2.000000000e+00, v2  }
0x138: {  	v3 =	vsub.f32 v8, v6  }
0x139: {  	v4 =	vadd.s32 v4, v5;
	v0 =	vadd.f32 v0, v1;
	v1 =	vmul.f32 $1.446131610e+01, v2  }
0x13a: {  	v2 =	vadd.f32 $-6.666667010e-02, v3  }
0x13b: {  	v0 =	vmul.f32 v1, v0  }
0x13c: {  	v5 =	vadd.f32 $-1.333333400e-01, v3;
	v1 =	vand.u32 $0x7FFFFFFF, v3;
	v2 =	vand.u32 $0x7FFFFFFF, v2  }
0x13d: {  	v6 =	vadd.s32 $0x2710, v4;
	[tilespmem:s2+$0x1B8A0] =	vst v0;
	v0 =	vsub.f32 $6.766666470e-02, v1;
	v1 =	vsub.f32 $6.766666470e-02, v2  }
0x13e: {  	v7 =	vadd.f32 $-6.666667010e-02, v5;
	v5 =	vand.u32 $0x7FFFFFFF, v5;
	v2 =	vld.idx.msk [tilespmem:v4+s5+$0x0], $0xffff  }
0x13f: {  	v5 =	vsub.f32 $6.766666470e-02, v5;
	v0 =	vmax.f32 v0, $0.0e+00;
	v1 =	vmax.f32 v1, $0.0e+00  }
0x140: {  	v3 =	vadd.f32 $-2.666666810e-01, v3;
	v7 =	vand.u32 $0x7FFFFFFF, v7;
	v8 =	vadd.f32 v1, v0  }
0x141: {  	v5 =	vmax.f32 v5, $0.0e+00;
	v7 =	vsub.f32 $6.766666470e-02, v7;
	v4 =	vadd.s32 $0x4E20, v4  }
0x142: {  	v9 =	vadd.f32 $-6.666667010e-02, v3;
	v3 =	vand.u32 $0x7FFFFFFF, v3;
	v6 =	vld.idx.msk [tilespmem:v6+s5+$0x0], $0xffff;
	v8 =	vadd.f32 v8, v5  }
0x143: {  	v3 =	vsub.f32 $6.766666470e-02, v3;
	v7 =	vmax.f32 v7, $0.0e+00;
	v10 =	vshll.u32 v2, $0x10  }
0x144: {  	v9 =	vand.u32 $0x7FFFFFFF, v9;
	v0 =	vmul.f32 v10, v0;
	v8 =	vadd.f32 v8, v7  }
0x145: {  	v3 =	vmax.f32 v3, $0.0e+00;
	v9 =	vsub.f32 $6.766666470e-02, v9;
	v2 =	vand.u32 $0xFFFF0000, v2  }
0x146: {  	v4 =	vld.idx.msk [tilespmem:v4+s5+$0x0], $0xffff;
	v1 =	vmul.f32 v2, v1;
	v0 =	vadd.f32 $0.0e+00, v0;
	v2 =	vadd.f32 v8, v3  }
0x147: {  	v9 =	vmax.f32 v9, $0.0e+00;
	v8 =	vshll.u32 v6, $0x10  }
0x148: {  	v0 =	vadd.f32 v1, v0;
	v1 =	vmul.f32 v8, v5;
	v2 =	vadd.f32 v2, v9  }
0x149: {  	v5 =	vand.u32 $0xFFFF0000, v6  }
0x14a: {  	v0 =	vadd.f32 v0, v1;
	v1 =	vmul.f32 v5, v7;
	v2 =	vadd.f32 $9.999999970e-07, v2  }
0x14b: {  	v5 =	vshll.u32 v4, $0x10  }
0x14c: {  	v0 =	vadd.f32 v0, v1;
	v1 =	vmul.f32 v5, v3;
	v2 =	vmul.f32 $1.446131610e+01, v2  }
0x14d: {  	v3 =	vand.u32 $0xFFFF0000, v4  }
0x14e: {  	v0 =	vadd.f32 v0, v1;
	v1 =	vmul.f32 v3, v9;
	v2 =	vsub.f32 $2.000000000e+00, v2;
	_ =	sdelay $0x1  }
0x14f: {  	v0 =	vadd.f32 v0, v1;
	v1 =	vmul.f32 $1.446131610e+01, v2;
	_ =	sdelay $0x1  }
0x150: {  	v0 =	vmul.f32 v1, v0  }
0x151: {  	s31 =	sshrl.u32 s31, $0x3  }
0x152: {  	s0 =	sadd.s32 s4, s31;
	[tilespmem:s2+$0x1B8B0] =	vst v0  }
0x153: {  	[hbm4b:s0+s5] =	stream.linear.scatter [tilespmem:s20], [sflag:$0x5], $0x2000, $0x38;
	[tilespmem:$0x1F880] =	vst v63  }
0x154: {  	_ =	swait.ge [sflag:s21], $0x2000  }
0x155: {  	[sflag:s21] =	ssyncset.done $0x0  }
0x156: {  	p0 =	seq.s32 s28, $0x3;
	[sflag:s21] =	ssyncadd.s32 $0xFFFFE000  }
0x157: {  	s0 =	sadd.s32 @!p0 s30, s11;
	_ =	swait.ge [sflag:s22], $0x2000  }
0x158: {  	s13 =	simm.s32 @!p0 $0x0;
	s0 =	sshrl.u32 @!p0 s0, $0x3;
	[sflag:s22] =	ssyncset.done $0x0  }
0x159: {  	s30 =	simm.s32 @!p0 $0x13880;
	s2 =	sadd.s32 @!p0 s1, s0;
	[sflag:s22] =	ssyncadd.s32 $0xFFFFE000  }
0x15a: {  	[tilespmem:s30], [sflag:$0x1] =	stream.linear.gather @!p0 [hbm4b:s2+s13], $0x2000, $0x38;
	[tilespmem:$0x1F880] =	vst v63  }
0x15b: {  	p1 =	seq.s32 @!p0 s28, $0x0;
	s0 =	sadd.s32 @!p0 s3, s0;
	s2 =	simm.s32 @!p0 $0x17880  }
0x15c: {  	[tilespmem:s2], [sflag:$0x3] =	stream.linear.gather @!p0 [hbm4b:s0+s13], $0x2000, $0x38;
	[tilespmem:$0x1F880] =	vst v63  }
0x15d: {  	p0 =	por p0, !p1  }
0x15e: {  	_ =	swait.ge @p0 [sflag:s25], $0x2000  }
0x15f: {  	[sflag:s25] =	ssyncset.done @p0 $0x0  }
0x160: {  	s0 =	simm.s32 $0x0;
	[sflag:s25] =	ssyncadd.s32 @p0 $0xFFFFE000  }
0x161: {  	v0 =	vld [tilespmem:s0+$0x19880];
	_ =	sdelay $0x4  }
0x162: {  	v1 =	vmul.f32 $1.500000000e+01, v0;
	_ =	sdelay $0x1  }
0x163: {  	v1 =	vtrunc.f32 v1  }
0x164: {  	v1 =	vcvt.f32.s32 v1;
	_ =	sdelay $0x1  }
0x165: {  	v2 =	vld [tilespmem:s0+$0x15880];
	v1 =	vshra.s32 v1, $0x1  }
0x166: {  	vm12 =	vgt.s32 v1, $0x1  }
0x167: {  	v1 =	vnsel vm12, $0x1, v1  }
0x168: {  	v1 =	vmin.u32 v1, $0x6  }
0x169: {  	v3 =	vld [tilespmem:s0+$0x19890];
	v1 =	vadd.s32 $0xFFFFFFFF, v1  }
0x16a: {  	v2 =	vmul.f32 $1.000000000e+04, v2;
	v4 =	vcvt.s32.f32 v1;
	_ =	sdelay $0x1  }
0x16b: {  	v2 =	vtrunc.f32 v2;
	v4 =	vmul.f32 $1.333333400e-01, v4  }
0x16c: {  	v2 =	vcvt.f32.s32 v2;
	v1 =	vmul.u32 $0x2710, v1  }
0x16d: {  	v5 =	vmul.f32 $1.500000000e+01, v3;
	v0 =	vsub.f32 v0, v4  }
0x16e: {  	v1 =	vadd.s32 v2, v1  }
0x16f: {  	v2 =	vtrunc.f32 v5;
	v4 =	vadd.f32 $-6.666667010e-02, v0  }
0x170: {  	v5 =	vadd.s32 $0x2710, v1;
	v6 =	vadd.s32 $0x4E20, v1;
	v2 =	vcvt.f32.s32 v2  }
0x171: {  	v7 =	vand.u32 $0x7FFFFFFF, v0;
	v8 =	vadd.f32 $-1.333333400e-01, v0;
	v4 =	vand.u32 $0x7FFFFFFF, v4  }
0x172: {  	v2 =	vshra.s32 v2, $0x1;
	v7 =	vsub.f32 $6.766666470e-02, v7;
	v4 =	vsub.f32 $6.766666470e-02, v4  }
0x173: {  	vm13 =	vgt.s32 v2, $0x1;
	v1 =	vld.idx.msk [tilespmem:v1+s5+$0x0], $0xffff;
	v9 =	vadd.f32 $-6.666667010e-02, v8;
	v8 =	vand.u32 $0x7FFFFFFF, v8  }
0x174: {  	v7 =	vmax.f32 v7, $0.0e+00;
	v8 =	vsub.f32 $6.766666470e-02, v8;
	v4 =	vmax.f32 v4, $0.0e+00  }
0x175: {  	v0 =	vadd.f32 $-2.666666810e-01, v0;
	v9 =	vand.u32 $0x7FFFFFFF, v9;
	v10 =	vadd.f32 v4, v7  }
0x176: {  	v2 =	vnsel vm13, $0x1, v2;
	v8 =	vmax.f32 v8, $0.0e+00;
	v9 =	vsub.f32 $6.766666470e-02, v9  }
0x177: {  	v5 =	vld.idx.msk [tilespmem:v5+s5+$0x0], $0xffff;
	v11 =	vadd.f32 $-6.666667010e-02, v0;
	v0 =	vand.u32 $0x7FFFFFFF, v0;
	v10 =	vadd.f32 v10, v8  }
0x178: {  	v0 =	vsub.f32 $6.766666470e-02, v0;
	v58 =	vshll.u32 v1, $0x10;
	v9 =	vmax.f32 v9, $0.0e+00  }
0x179: {  	v59 =	vld [tilespmem:s0+$0x198A0];
	v11 =	vand.u32 $0x7FFFFFFF, v11;
	v7 =	vmul.f32 v58, v7;
	v10 =	vadd.f32 v10, v9  }
0x17a: {  	v60 =	vld [tilespmem:s0+$0x15890];
	v0 =	vmax.f32 v0, $0.0e+00;
	v11 =	vsub.f32 $6.766666470e-02, v11;
	v1 =	vand.u32 $0xFFFF0000, v1  }
0x17b: {  	v6 =	vld.idx.msk [tilespmem:v6+s5+$0x0], $0xffff;
	v1 =	vmul.f32 v1, v4;
	v7 =	vadd.f32 $0.0e+00, v7;
	v4 =	vadd.f32 v10, v0  }
0x17c: {  	v2 =	vmin.u32 v2, $0x6;
	v11 =	vmax.f32 v11, $0.0e+00;
	v10 =	vshll.u32 v5, $0x10  }
0x17d: {  	v1 =	vadd.f32 v1, v7;
	v7 =	vmul.f32 v10, v8;
	v4 =	vadd.f32 v4, v11  }
0x17e: {  	v2 =	vadd.s32 $0xFFFFFFFF, v2;
	v5 =	vand.u32 $0xFFFF0000, v5;
	v8 =	vmul.f32 $1.500000000e+01, v59  }
0x17f: {  	v5 =	vmul.f32 v5, v9;
	v1 =	vadd.f32 v1, v7;
	v4 =	vadd.f32 $9.999999970e-07, v4  }
0x180: {  	v9 =	vshll.u32 v6, $0x10;
	v10 =	vcvt.s32.f32 v2;
	v7 =	vmul.f32 $1.000000000e+04, v60  }
0x181: {  	v0 =	vmul.f32 v9, v0;
	v1 =	vadd.f32 v1, v5;
	v4 =	vmul.f32 $1.446131610e+01, v4  }
0x182: {  	v6 =	vand.u32 $0xFFFF0000, v6;
	v5 =	vtrunc.f32 v7;
	v7 =	vmul.f32 $1.333333400e-01, v10  }
0x183: {  	v0 =	vadd.f32 v1, v0;
	v1 =	vmul.f32 v6, v11;
	v4 =	vsub.f32 $2.000000000e+00, v4  }
0x184: {  	v2 =	vmul.u32 $0x2710, v2;
	v8 =	vtrunc.f32 v8;
	v5 =	vcvt.f32.s32 v5;
	v6 =	vld [tilespmem:s0+$0x158A0]  }
0x185: {  	v3 =	vsub.f32 v3, v7;
	v0 =	vadd.f32 v0, v1;
	v1 =	vmul.f32 $1.446131610e+01, v4  }
0x186: {  	v2 =	vadd.s32 v5, v2;
	v4 =	vcvt.f32.s32 v8  }
0x187: {  	v8 =	vadd.f32 $-1.333333400e-01, v3;
	v0 =	vmul.f32 v1, v0;
	v1 =	vadd.f32 $-6.666667010e-02, v3  }
0x188: {  	v5 =	vadd.s32 $0x2710, v2;
	v7 =	vand.u32 $0x7FFFFFFF, v3  }
0x189: {  	v6 =	vmul.f32 $1.000000000e+04, v6;
	v9 =	vadd.f32 $-6.666667010e-02, v8;
	v1 =	vand.u32 $0x7FFFFFFF, v1  }
0x18a: {  	v4 =	vshra.s32 v4, $0x1;
	[tilespmem:s0+$0x1D880] =	vst v0;
	v0 =	vsub.f32 $6.766666470e-02, v7;
	v1 =	vsub.f32 $6.766666470e-02, v1  }
0x18b: {  	v8 =	vand.u32 $0x7FFFFFFF, v8;
	v3 =	vadd.f32 $-2.666666810e-01, v3;
	vm14 =	vgt.s32 v4, $0x1;
	v7 =	vld.idx.msk [tilespmem:v2+s5+$0x0], $0xffff  }
0x18c: {  	v8 =	vsub.f32 $6.766666470e-02, v8;
	v0 =	vmax.f32 v0, $0.0e+00;
	v1 =	vmax.f32 v1, $0.0e+00  }
0x18d: {  	v9 =	vand.u32 $0x7FFFFFFF, v9;
	v4 =	vnsel vm14, $0x1, v4;
	v10 =	vadd.f32 v1, v0  }
0x18e: {  	v2 =	vadd.s32 $0x4E20, v2;
	v8 =	vmax.f32 v8, $0.0e+00;
	v9 =	vsub.f32 $6.766666470e-02, v9  }
0x18f: {  	v11 =	vadd.f32 $-6.666667010e-02, v3;
	v3 =	vand.u32 $0x7FFFFFFF, v3;
	v5 =	vld.idx.msk [tilespmem:v5+s5+$0x0], $0xffff;
	v10 =	vadd.f32 v10, v8  }
0x190: {  	v3 =	vsub.f32 $6.766666470e-02, v3;
	v9 =	vmax.f32 v9, $0.0e+00;
	v61 =	vshll.u32 v7, $0x10  }
0x191: {  	v11 =	vand.u32 $0x7FFFFFFF, v11;
	v0 =	vmul.f32 v61, v0;
	v10 =	vadd.f32 v10, v9  }
0x192: {  	v3 =	vmax.f32 v3, $0.0e+00;
	v11 =	vsub.f32 $6.766666470e-02, v11;
	v7 =	vand.u32 $0xFFFF0000, v7  }
0x193: {  	v2 =	vld.idx.msk [tilespmem:v2+s5+$0x0], $0xffff;
	v1 =	vmul.f32 v7, v1;
	v0 =	vadd.f32 $0.0e+00, v0;
	v7 =	vadd.f32 v10, v3  }
0x194: {  	v4 =	vmin.u32 v4, $0x6;
	v11 =	vmax.f32 v11, $0.0e+00;
	v10 =	vshll.u32 v5, $0x10  }
0x195: {  	v0 =	vadd.f32 v1, v0;
	v1 =	vmul.f32 v10, v8;
	v7 =	vadd.f32 v7, v11  }
0x196: {  	v6 =	vtrunc.f32 v6;
	v4 =	vadd.s32 $0xFFFFFFFF, v4;
	v5 =	vand.u32 $0xFFFF0000, v5  }
0x197: {  	v0 =	vadd.f32 v0, v1;
	v1 =	vmul.f32 v5, v9;
	v5 =	vadd.f32 $9.999999970e-07, v7  }
0x198: {  	v6 =	vcvt.f32.s32 v6;
	v8 =	vshll.u32 v2, $0x10;
	v9 =	vcvt.s32.f32 v4  }
0x199: {  	v7 =	vld [tilespmem:s0+$0x198B0];
	v0 =	vadd.f32 v0, v1;
	v1 =	vmul.f32 v8, v3;
	v3 =	vmul.f32 $1.446131610e+01, v5  }
0x19a: {  	v2 =	vand.u32 $0xFFFF0000, v2;
	v4 =	vmul.u32 $0x2710, v4;
	v5 =	vmul.f32 $1.333333400e-01, v9  }
0x19b: {  	v8 =	vld [tilespmem:s0+$0x158B0];
	v0 =	vadd.f32 v0, v1;
	v1 =	vmul.f32 v2, v11;
	v2 =	vsub.f32 $2.000000000e+00, v3  }
0x19c: {  	v5 =	vsub.f32 v59, v5  }
0x19d: {  	v4 =	vadd.s32 v6, v4;
	v0 =	vadd.f32 v0, v1;
	v1 =	vmul.f32 $1.446131610e+01, v2  }
0x19e: {  	v3 =	vmul.f32 $1.500000000e+01, v7;
	v6 =	vadd.f32 $-6.666667010e-02, v5;
	v9 =	vand.u32 $0x7FFFFFFF, v5  }
0x19f: {  	v10 =	vadd.f32 $-1.333333400e-01, v5;
	v5 =	vadd.f32 $-2.666666810e-01, v5;
	v0 =	vmul.f32 v1, v0  }
0x1a0: {  	v2 =	vadd.s32 $0x2710, v4;
	v8 =	vmul.f32 $1.000000000e+04, v8;
	v3 =	vtrunc.f32 v3  }
0x1a1: {  	v1 =	vadd.s32 $0x4E20, v4;
	v6 =	vand.u32 $0x7FFFFFFF, v6;
	v62 =	vadd.f32 $-6.666667010e-02, v5;
	[tilespmem:s0+$0x1D890] =	vst v0  }
0x1a2: {  	v3 =	vcvt.f32.s32 v3;
	v6 =	vsub.f32 $6.766666470e-02, v6;
	v0 =	vsub.f32 $6.766666470e-02, v9;
	v4 =	vld.idx.msk [tilespmem:v4+s5+$0x0], $0xffff  }
0x1a3: {  	v5 =	vand.u32 $0x7FFFFFFF, v5;
	v9 =	vadd.f32 $-6.666667010e-02, v10;
	v10 =	vand.u32 $0x7FFFFFFF, v10  }
0x1a4: {  	v6 =	vmax.f32 v6, $0.0e+00;
	v10 =	vsub.f32 $6.766666470e-02, v10;
	v0 =	vmax.f32 v0, $0.0e+00  }
0x1a5: {  	v5 =	vsub.f32 $6.766666470e-02, v5;
	v9 =	vand.u32 $0x7FFFFFFF, v9;
	v11 =	vadd.f32 v6, v0  }
0x1a6: {  	v3 =	vshra.s32 v3, $0x1;
	v2 =	vld.idx.msk [tilespmem:v2+s5+$0x0], $0xffff;
	v10 =	vmax.f32 v10, $0.0e+00;
	v9 =	vsub.f32 $6.766666470e-02, v9  }
0x1a7: {  	v12 =	vand.u32 $0x7FFFFFFF, v62;
	v11 =	vadd.f32 v11, v10;
	v63 =	vshll.u32 v4, $0x10  }
0x1a8: {  	vm15 =	vgt.s32 v3, $0x1;
	v9 =	vmax.f32 v9, $0.0e+00;
	v0 =	vmul.f32 v63, v0  }
0x1a9: {  	v5 =	vmax.f32 v5, $0.0e+00;
	v4 =	vand.u32 $0xFFFF0000, v4;
	v11 =	vadd.f32 v11, v9  }
0x1aa: {  	v12 =	vsub.f32 $6.766666470e-02, v12;
	v1 =	vld.idx.msk [tilespmem:v1+s5+$0x0], $0xffff;
	v4 =	vmul.f32 v4, v6;
	v0 =	vadd.f32 $0.0e+00, v0  }
0x1ab: {  	v3 =	vnsel vm15, $0x1, v3;
	v6 =	vadd.f32 v11, v5;
	v11 =	vshll.u32 v2, $0x10  }
0x1ac: {  	v12 =	vmax.f32 v12, $0.0e+00;
	v10 =	vmul.f32 v11, v10;
	v4 =	vadd.f32 v4, v0  }
0x1ad: {  	v3 =	vmin.u32 v3, $0x6;
	v2 =	vand.u32 $0xFFFF0000, v2;
	v6 =	vadd.f32 v6, v12  }
0x1ae: {  	s2 =	simm.s32 $0x40;
	v3 =	vadd.s32 $0xFFFFFFFF, v3;
	v2 =	vmul.f32 v2, v9;
	v4 =	vadd.f32 v4, v10  }
0x1af: {  	v9 =	vshll.u32 v1, $0x10;
	v1 =	vand.u32 $0xFFFF0000, v1;
	v0 =	vld [tilespmem:s2+$0x19880];
	v6 =	vadd.f32 $9.999999970e-07, v6  }
0x1b0: {  	v10 =	vcvt.s32.f32 v3;
	v2 =	vadd.f32 v4, v2;
	v4 =	vmul.f32 v9, v5  }
0x1b1: {  	v1 =	vmul.f32 v1, v12;
	v5 =	vmul.f32 $1.446131610e+01, v6  }
0x1b2: {  	v6 =	vtrunc.f32 v8;
	v8 =	vmul.f32 $1.333333400e-01, v10;
	v2 =	vadd.f32 v2, v4  }
0x1b3: {  	v4 =	vsub.f32 $2.000000000e+00, v5;
	v5 =	vcvt.f32.s32 v6;
	v6 =	vmul.u32 $0x2710, v3  }
0x1b4: {  	v9 =	vld [tilespmem:s2+$0x15880];
	v10 =	vmul.f32 $1.500000000e+01, v0;
	v3 =	vsub.f32 v7, v8  }
0x1b5: {  	v1 =	vadd.f32 v2, v1;
	v2 =	vmul.f32 $1.446131610e+01, v4;
	v5 =	vadd.s32 v5, v6  }
0x1b6: {  	v6 =	vtrunc.f32 v10;
	v4 =	vadd.s32 $0x2710, v5  }
0x1b7: {  	v10 =	vadd.f32 $-6.666667010e-02, v3;
	v8 =	vmul.f32 v2, v1;
	v2 =	vadd.s32 $0x4E20, v5  }
0x1b8: {  	v7 =	vcvt.f32.s32 v6;
	v6 =	vadd.f32 $-1.333333400e-01, v3  }
0x1b9: {  	s13 =	simm.s32 $0x200;
	v1 =	vmul.f32 $1.000000000e+04, v9;
	v9 =	vand.u32 $0x7FFFFFFF, v10;
	[tilespmem:s0+$0x1D8A0] =	vst v8;
	v8 =	vand.u32 $0x7FFFFFFF, v3  }
.LBB2_5:
0x1ba: {  	p0 =	sne.s32 s13, $0x7F00;
	v7 =	vshra.s32 v7, $0x1;
	v5 =	vld.idx.msk [tilespmem:v5+s5+$0x0], $0xffff;
	v8 =	vsub.f32 $6.766666470e-02, v8;
	v9 =	vsub.f32 $6.766666470e-02, v9  }
0x1bb: {  	vm0 =	vgt.s32 v7, $0x1;
	v4 =	vld.idx.msk [tilespmem:v4+s5+$0x0], $0xffff;
	v10 =	vadd.f32 $-6.666667010e-02, v6;
	v6 =	vand.u32 $0x7FFFFFFF, v6  }
0x1bc: {  	v8 =	vmax.f32 v8, $0.0e+00;
	v9 =	vmax.f32 v9, $0.0e+00;
	v6 =	vsub.f32 $6.766666470e-02, v6;
	v2 =	vld.idx.msk [tilespmem:v2+s5+$0x0], $0xffff  }
0x1bd: {  	v3 =	vadd.f32 $-2.666666810e-01, v3;
	v11 =	vadd.f32 v9, v8;
	v10 =	vand.u32 $0x7FFFFFFF, v10  }
0x1be: {  	v7 =	vnsel vm0, $0x1, v7;
	v6 =	vmax.f32 v6, $0.0e+00;
	v10 =	vsub.f32 $6.766666470e-02, v10  }
0x1bf: {  	v12 =	vadd.f32 $-6.666667010e-02, v3;
	v3 =	vand.u32 $0x7FFFFFFF, v3;
	v11 =	vadd.f32 v11, v6  }
0x1c0: {  	v3 =	vsub.f32 $6.766666470e-02, v3;
	v13 =	vshll.u32 v5, $0x10;
	v10 =	vmax.f32 v10, $0.0e+00  }
0x1c1: {  	v12 =	vand.u32 $0x7FFFFFFF, v12;
	v8 =	vmul.f32 v13, v8;
	v11 =	vadd.f32 v11, v10  }
0x1c2: {  	v5 =	vand.u32 $0xFFFF0000, v5;
	v3 =	vmax.f32 v3, $0.0e+00;
	v12 =	vsub.f32 $6.766666470e-02, v12  }
0x1c3: {  	v5 =	vmul.f32 v5, v9;
	v8 =	vadd.f32 $0.0e+00, v8;
	v9 =	vadd.f32 v11, v3  }
0x1c4: {  	v7 =	vmin.u32 v7, $0x6;
	v12 =	vmax.f32 v12, $0.0e+00;
	v11 =	vshll.u32 v4, $0x10  }
0x1c5: {  	v5 =	vadd.f32 v5, v8;
	v6 =	vmul.f32 v11, v6;
	v8 =	vadd.f32 v9, v12  }
0x1c6: {  	v1 =	vtrunc.f32 v1;
	v7 =	vadd.s32 $0xFFFFFFFF, v7;
	v4 =	vand.u32 $0xFFFF0000, v4  }
0x1c7: {  	v4 =	vmul.f32 v4, v10;
	v5 =	vadd.f32 v5, v6;
	v9 =	vld [tilespmem:s2+$0x19890];
	v6 =	vadd.f32 $9.999999970e-07, v8  }
0x1c8: {  	v10 =	vcvt.s32.f32 v7;
	v11 =	vshll.u32 v2, $0x10;
	v8 =	vcvt.f32.s32 v1  }
0x1c9: {  	v3 =	vmul.f32 v11, v3;
	v4 =	vadd.f32 v5, v4;
	v1 =	vld [tilespmem:s2+$0x198A0];
	v5 =	vmul.f32 $1.446131610e+01, v6  }
0x1ca: {  	v2 =	vand.u32 $0xFFFF0000, v2;
	v6 =	vmul.u32 $0x2710, v7;
	v7 =	vmul.f32 $1.333333400e-01, v10  }
0x1cb: {  	v2 =	vmul.f32 v2, v12;
	v3 =	vadd.f32 v4, v3;
	v10 =	vld [tilespmem:s2+$0x15890];
	v4 =	vsub.f32 $2.000000000e+00, v5  }
0x1cc: {  	v5 =	vadd.s32 v8, v6;
	v6 =	vmul.f32 $1.500000000e+01, v9  }
0x1cd: {  	v0 =	vsub.f32 v0, v7;
	v2 =	vadd.f32 v3, v2;
	v3 =	vmul.f32 $1.446131610e+01, v4  }
0x1ce: {  	v4 =	vadd.s32 $0x2710, v5;
	v6 =	vtrunc.f32 v6;
	v7 =	vmul.f32 $1.500000000e+01, v1  }
0x1cf: {  	v11 =	vadd.s32 $0x4E20, v5;
	v8 =	vadd.f32 $-6.666667010e-02, v0;
	v2 =	vmul.f32 v3, v2  }
0x1d0: {  	v6 =	vcvt.f32.s32 v6;
	v3 =	vmul.f32 $1.000000000e+04, v10  }
0x1d1: {  	v12 =	vadd.f32 $-1.333333400e-01, v0;
	v8 =	vand.u32 $0x7FFFFFFF, v8;
	v10 =	vand.u32 $0x7FFFFFFF, v0;
	[tilespmem:s0+$0x1D8B0] =	vst v2;
	s0 =	smov.u32 s2  }
0x1d2: {  	v8 =	vsub.f32 $6.766666470e-02, v8;
	v6 =	vshra.s32 v6, $0x1;
	v2 =	vld.idx.msk [tilespmem:v5+s5+$0x0], $0xffff;
	v5 =	vsub.f32 $6.766666470e-02, v10  }
0x1d3: {  	v10 =	vadd.f32 $-6.666667010e-02, v12;
	v12 =	vand.u32 $0x7FFFFFFF, v12;
	vm0 =	vgt.s32 v6, $0x1;
	v4 =	vld.idx.msk [tilespmem:v4+s5+$0x0], $0xffff  }
0x1d4: {  	v8 =	vmax.f32 v8, $0.0e+00;
	v12 =	vsub.f32 $6.766666470e-02, v12;
	v5 =	vmax.f32 v5, $0.0e+00;
	v11 =	vld.idx.msk [tilespmem:v11+s5+$0x0], $0xffff  }
0x1d5: {  	v0 =	vadd.f32 $-2.666666810e-01, v0;
	v10 =	vand.u32 $0x7FFFFFFF, v10;
	v13 =	vadd.f32 v8, v5  }
0x1d6: {  	v6 =	vnsel vm0, $0x1, v6;
	v12 =	vmax.f32 v12, $0.0e+00;
	v10 =	vsub.f32 $6.766666470e-02, v10  }
0x1d7: {  	v14 =	vadd.f32 $-6.666667010e-02, v0;
	v0 =	vand.u32 $0x7FFFFFFF, v0;
	v13 =	vadd.f32 v13, v12  }
0x1d8: {  	v0 =	vsub.f32 $6.766666470e-02, v0;
	v15 =	vshll.u32 v2, $0x10;
	v10 =	vmax.f32 v10, $0.0e+00  }
0x1d9: {  	v14 =	vand.u32 $0x7FFFFFFF, v14;
	v5 =	vmul.f32 v15, v5;
	v13 =	vadd.f32 v13, v10  }
0x1da: {  	v0 =	vmax.f32 v0, $0.0e+00;
	v14 =	vsub.f32 $6.766666470e-02, v14;
	v2 =	vand.u32 $0xFFFF0000, v2  }
0x1db: {  	v2 =	vmul.f32 v2, v8;
	v5 =	vadd.f32 $0.0e+00, v5;
	v8 =	vadd.f32 v13, v0  }
0x1dc: {  	v6 =	vmin.u32 v6, $0x6;
	v14 =	vmax.f32 v14, $0.0e+00;
	v13 =	vshll.u32 v4, $0x10  }
0x1dd: {  	v2 =	vadd.f32 v2, v5;
	v5 =	vmul.f32 v13, v12;
	v8 =	vadd.f32 v8, v14  }
0x1de: {  	v3 =	vtrunc.f32 v3;
	v6 =	vadd.s32 $0xFFFFFFFF, v6;
	v4 =	vand.u32 $0xFFFF0000, v4  }
0x1df: {  	v4 =	vmul.f32 v4, v10;
	v2 =	vadd.f32 v2, v5;
	v5 =	vadd.f32 $9.999999970e-07, v8  }
0x1e0: {  	v3 =	vcvt.f32.s32 v3;
	v10 =	vcvt.s32.f32 v6;
	v8 =	vshll.u32 v11, $0x10  }
0x1e1: {  	v2 =	vadd.f32 v2, v4;
	v0 =	vmul.f32 v8, v0;
	v4 =	vmul.f32 $1.446131610e+01, v5  }
0x1e2: {  	v6 =	vmul.u32 $0x2710, v6;
	v8 =	vmul.f32 $1.333333400e-01, v10;
	v5 =	vand.u32 $0xFFFF0000, v11  }
0x1e3: {  	v0 =	vadd.f32 v2, v0;
	v2 =	vmul.f32 v5, v14;
	v4 =	vsub.f32 $2.000000000e+00, v4;
	v5 =	vld [tilespmem:s0+$0x158A0]  }
0x1e4: {  	v3 =	vadd.s32 v3, v6;
	v6 =	vtrunc.f32 v7  }
0x1e5: {  	v0 =	vadd.f32 v0, v2;
	v2 =	vmul.f32 $1.446131610e+01, v4;
	v4 =	vsub.f32 v9, v8  }
0x1e6: {  	v6 =	vcvt.f32.s32 v6  }
0x1e7: {  	v0 =	vmul.f32 v2, v0;
	v2 =	vadd.f32 $-6.666667010e-02, v4  }
0x1e8: {  	v7 =	vadd.s32 $0x2710, v3;
	v6 =	vshra.s32 v6, $0x1;
	v5 =	vmul.f32 $1.000000000e+04, v5  }
0x1e9: {  	v8 =	vadd.f32 $-1.333333400e-01, v4;
	[tilespmem:s0+$0x1D880] =	vst v0;
	v0 =	vand.u32 $0x7FFFFFFF, v4;
	v2 =	vand.u32 $0x7FFFFFFF, v2  }
0x1ea: {  	vm0 =	vgt.s32 v6, $0x1;
	v9 =	vld.idx.msk [tilespmem:v3+s5+$0x0], $0xffff;
	v0 =	vsub.f32 $6.766666470e-02, v0;
	v2 =	vsub.f32 $6.766666470e-02, v2  }
0x1eb: {  	v10 =	vadd.f32 $-6.666667010e-02, v8;
	v8 =	vand.u32 $0x7FFFFFFF, v8;
	v3 =	vadd.s32 $0x4E20, v3  }
0x1ec: {  	v8 =	vsub.f32 $6.766666470e-02, v8;
	v0 =	vmax.f32 v0, $0.0e+00;
	v2 =	vmax.f32 v2, $0.0e+00  }
0x1ed: {  	v4 =	vadd.f32 $-2.666666810e-01, v4;
	v10 =	vand.u32 $0x7FFFFFFF, v10;
	v11 =	vadd.f32 v2, v0  }
0x1ee: {  	v6 =	vnsel vm0, $0x1, v6;
	v8 =	vmax.f32 v8, $0.0e+00;
	v10 =	vsub.f32 $6.766666470e-02, v10;
	v7 =	vld.idx.msk [tilespmem:v7+s5+$0x0], $0xffff  }
0x1ef: {  	v12 =	vadd.f32 $-6.666667010e-02, v4;
	v4 =	vand.u32 $0x7FFFFFFF, v4;
	v11 =	vadd.f32 v11, v8  }
0x1f0: {  	v4 =	vsub.f32 $6.766666470e-02, v4;
	v10 =	vmax.f32 v10, $0.0e+00;
	v13 =	vshll.u32 v9, $0x10  }
0x1f1: {  	v12 =	vand.u32 $0x7FFFFFFF, v12;
	v0 =	vmul.f32 v13, v0;
	v11 =	vadd.f32 v11, v10  }
0x1f2: {  	v4 =	vmax.f32 v4, $0.0e+00;
	v12 =	vsub.f32 $6.766666470e-02, v12;
	v9 =	vand.u32 $0xFFFF0000, v9;
	v3 =	vld.idx.msk [tilespmem:v3+s5+$0x0], $0xffff  }
0x1f3: {  	v2 =	vmul.f32 v9, v2;
	v0 =	vadd.f32 $0.0e+00, v0;
	v9 =	vadd.f32 v11, v4  }
0x1f4: {  	v6 =	vmin.u32 v6, $0x6;
	v12 =	vmax.f32 v12, $0.0e+00;
	v11 =	vshll.u32 v7, $0x10  }
0x1f5: {  	v0 =	vadd.f32 v2, v0;
	v2 =	vmul.f32 v11, v8;
	v8 =	vadd.f32 v9, v12  }
0x1f6: {  	v6 =	vadd.s32 $0xFFFFFFFF, v6;
	v5 =	vtrunc.f32 v5;
	v7 =	vand.u32 $0xFFFF0000, v7  }
0x1f7: {  	v0 =	vadd.f32 v0, v2;
	v2 =	vmul.f32 v7, v10;
	v7 =	vadd.f32 $9.999999970e-07, v8;
	v8 =	vld [tilespmem:s0+$0x198B0]  }
0x1f8: {  	v5 =	vcvt.f32.s32 v5;
	v10 =	vcvt.s32.f32 v6;
	v9 =	vshll.u32 v3, $0x10  }
0x1f9: {  	v0 =	vadd.f32 v0, v2;
	v2 =	vmul.f32 v9, v4;
	v4 =	vmul.f32 $1.446131610e+01, v7  }
0x1fa: {  	v6 =	vmul.u32 $0x2710, v6;
	v3 =	vand.u32 $0xFFFF0000, v3;
	v7 =	vmul.f32 $1.333333400e-01, v10  }
0x1fb: {  	v0 =	vadd.f32 v0, v2;
	v2 =	vmul.f32 v3, v12;
	v3 =	vsub.f32 $2.000000000e+00, v4;
	v4 =	vld [tilespmem:s0+$0x158B0]  }
0x1fc: {  	v5 =	vadd.s32 v5, v6;
	v6 =	vmul.f32 $1.500000000e+01, v8  }
0x1fd: {  	v1 =	vsub.f32 v1, v7;
	v0 =	vadd.f32 v0, v2;
	v2 =	vmul.f32 $1.446131610e+01, v3  }
0x1fe: {  	v3 =	vadd.s32 $0x2710, v5;
	v6 =	vtrunc.f32 v6  }
0x1ff: {  	v7 =	vadd.s32 $0x4E20, v5;
	v0 =	vmul.f32 v2, v0;
	v2 =	vadd.f32 $-6.666667010e-02, v1  }
0x200: {  	v6 =	vcvt.f32.s32 v6;
	v4 =	vmul.f32 $1.000000000e+04, v4  }
0x201: {  	v9 =	vadd.f32 $-1.333333400e-01, v1;
	[tilespmem:s0+$0x1D890] =	vst v0;
	v0 =	vand.u32 $0x7FFFFFFF, v1;
	v2 =	vand.u32 $0x7FFFFFFF, v2  }
0x202: {  	v6 =	vshra.s32 v6, $0x1;
	v5 =	vld.idx.msk [tilespmem:v5+s5+$0x0], $0xffff;
	v0 =	vsub.f32 $6.766666470e-02, v0;
	v2 =	vsub.f32 $6.766666470e-02, v2  }
0x203: {  	v10 =	vadd.f32 $-6.666667010e-02, v9;
	v9 =	vand.u32 $0x7FFFFFFF, v9;
	vm0 =	vgt.s32 v6, $0x1;
	v3 =	vld.idx.msk [tilespmem:v3+s5+$0x0], $0xffff  }
0x204: {  	v9 =	vsub.f32 $6.766666470e-02, v9;
	v0 =	vmax.f32 v0, $0.0e+00;
	v2 =	vmax.f32 v2, $0.0e+00;
	v7 =	vld.idx.msk [tilespmem:v7+s5+$0x0], $0xffff  }
0x205: {  	v10 =	vand.u32 $0x7FFFFFFF, v10;
	v1 =	vadd.f32 $-2.666666810e-01, v1;
	v11 =	vadd.f32 v2, v0  }
0x206: {  	v9 =	vmax.f32 v9, $0.0e+00;
	v10 =	vsub.f32 $6.766666470e-02, v10;
	v6 =	vnsel vm0, $0x1, v6  }
0x207: {  	v12 =	vadd.f32 $-6.666667010e-02, v1;
	v1 =	vand.u32 $0x7FFFFFFF, v1;
	v11 =	vadd.f32 v11, v9  }
0x208: {  	v10 =	vmax.f32 v10, $0.0e+00;
	v1 =	vsub.f32 $6.766666470e-02, v1;
	v13 =	vshll.u32 v5, $0x10  }
0x209: {  	v12 =	vand.u32 $0x7FFFFFFF, v12;
	v0 =	vmul.f32 v13, v0;
	v11 =	vadd.f32 v11, v10  }
0x20a: {  	v1 =	vmax.f32 v1, $0.0e+00;
	v12 =	vsub.f32 $6.766666470e-02, v12;
	v5 =	vand.u32 $0xFFFF0000, v5  }
0x20b: {  	v2 =	vmul.f32 v5, v2;
	v0 =	vadd.f32 $0.0e+00, v0;
	v5 =	vadd.f32 v11, v1  }
0x20c: {  	v6 =	vmin.u32 v6, $0x6;
	v12 =	vmax.f32 v12, $0.0e+00;
	v11 =	vshll.u32 v3, $0x10  }
0x20d: {  	v2 =	vadd.f32 v2, v0;
	v9 =	vmul.f32 v11, v9;
	v5 =	vadd.f32 v5, v12  }
0x20e: {  	s2 =	sshra.s32 s13, $0x2;
	v4 =	vtrunc.f32 v4;
	v6 =	vadd.s32 $0xFFFFFFFF, v6;
	v3 =	vand.u32 $0xFFFF0000, v3  }
0x20f: {  	v3 =	vmul.f32 v3, v10;
	v2 =	vadd.f32 v2, v9;
	v0 =	vld [tilespmem:s2+$0x19880];
	v5 =	vadd.f32 $9.999999970e-07, v5  }
0x210: {  	v4 =	vcvt.f32.s32 v4;
	v10 =	vcvt.s32.f32 v6;
	v9 =	vshll.u32 v7, $0x10  }
0x211: {  	v1 =	vmul.f32 v9, v1;
	v2 =	vadd.f32 v2, v3;
	v3 =	vmul.f32 $1.446131610e+01, v5  }
0x212: {  	v6 =	vmul.u32 $0x2710, v6;
	v5 =	vand.u32 $0xFFFF0000, v7;
	v7 =	vmul.f32 $1.333333400e-01, v10  }
0x213: {  	v1 =	vadd.f32 v2, v1;
	v2 =	vmul.f32 v5, v12;
	v9 =	vld [tilespmem:s2+$0x15880];
	v3 =	vsub.f32 $2.000000000e+00, v3  }
0x214: {  	v5 =	vadd.s32 v4, v6;
	v10 =	vmul.f32 $1.500000000e+01, v0  }
.Ltmp1:
0x215: {  	v1 =	vadd.f32 v1, v2;
	v2 =	vmul.f32 $1.446131610e+01, v3;
	v3 =	vsub.f32 v8, v7;
	(pc) =	sbr.rel @p0 .LBB2_5-.Ltmp1, $4  }
0x216: {  	v4 =	vadd.s32 $0x2710, v5;
	v6 =	vtrunc.f32 v10  }
0x217: {  	v8 =	vmul.f32 v2, v1;
	v10 =	vadd.f32 $-6.666667010e-02, v3;
	v2 =	vadd.s32 $0x4E20, v5  }
0x218: {  	v7 =	vcvt.f32.s32 v6;
	v1 =	vmul.f32 $1.000000000e+04, v9  }
0x219: {  	s13 =	sadd.s32 $0x100, s13;
	v6 =	vadd.f32 $-1.333333400e-01, v3;
	[tilespmem:s0+$0x1D8A0] =	vst v8;
	v8 =	vand.u32 $0x7FFFFFFF, v3;
	v9 =	vand.u32 $0x7FFFFFFF, v10  }
0x21a: {  	_ =	sdelay $0x1  }
0x21b: {  	v7 =	vshra.s32 v7, $0x1;
	v8 =	vsub.f32 $6.766666470e-02, v8;
	v9 =	vsub.f32 $6.766666470e-02, v9  }
0x21c: {  	v3 =	vadd.f32 $-2.666666810e-01, v3;
	v1 =	vtrunc.f32 v1;
	vm0 =	vgt.s32 v7, $0x1  }
0x21d: {  	v5 =	vld.idx.msk [tilespmem:v5+s5+$0x0], $0xffff;
	v10 =	vadd.f32 $-6.666667010e-02, v6;
	v56 =	vand.u32 $0x7FFFFFFF, v6;
	v1 =	vcvt.f32.s32 v1  }
0x21e: {  	v8 =	vmax.f32 v8, $0.0e+00;
	v9 =	vmax.f32 v9, $0.0e+00;
	v6 =	vsub.f32 $6.766666470e-02, v56  }
0x21f: {  	v12 =	vadd.f32 $-6.666667010e-02, v3;
	v11 =	vadd.f32 v9, v8;
	v10 =	vand.u32 $0x7FFFFFFF, v10  }
0x220: {  	v3 =	vand.u32 $0x7FFFFFFF, v3;
	v6 =	vmax.f32 v6, $0.0e+00;
	v10 =	vsub.f32 $6.766666470e-02, v10  }
0x221: {  	v4 =	vld.idx.msk [tilespmem:v4+s5+$0x0], $0xffff;
	v7 =	vnsel vm0, $0x1, v7;
	v3 =	vsub.f32 $6.766666470e-02, v3;
	v11 =	vadd.f32 v11, v6  }
0x222: {  	v7 =	vmin.u32 v7, $0x6;
	v13 =	vshll.u32 v5, $0x10;
	v10 =	vmax.f32 v10, $0.0e+00  }
0x223: {  	v2 =	vld.idx.msk [tilespmem:v2+s5+$0x0], $0xffff;
	v12 =	vand.u32 $0x7FFFFFFF, v12;
	v8 =	vmul.f32 v13, v8;
	v11 =	vadd.f32 v11, v10  }
0x224: {  	v5 =	vand.u32 $0xFFFF0000, v5;
	v3 =	vmax.f32 v3, $0.0e+00;
	v12 =	vsub.f32 $6.766666470e-02, v12  }
0x225: {  	v20 =	vld [tilespmem:s2+$0x198A0];
	v5 =	vmul.f32 v5, v9;
	v8 =	vadd.f32 $0.0e+00, v8;
	v57 =	vadd.f32 v11, v3  }
0x226: {  	v7 =	vadd.s32 $0xFFFFFFFF, v7;
	v58 =	vshll.u32 v4, $0x10;
	v12 =	vmax.f32 v12, $0.0e+00  }
0x227: {  	v6 =	vmul.f32 v58, v6;
	v5 =	vadd.f32 v5, v8;
	v59 =	vadd.f32 v57, v12  }
0x228: {  	v4 =	vand.u32 $0xFFFF0000, v4;
	v62 =	vcvt.s32.f32 v7;
	v63 =	vshll.u32 v2, $0x10  }
0x229: {  	v60 =	vld [tilespmem:s2+$0x19890];
	v4 =	vmul.f32 v4, v10;
	v5 =	vadd.f32 v5, v6;
	v61 =	vadd.f32 $9.999999970e-07, v59  }
0x22a: {  	v2 =	vand.u32 $0xFFFF0000, v2;
	v33 =	vmul.f32 $1.500000000e+01, v20;
	v14 =	vmul.f32 $1.333333400e-01, v62  }
0x22b: {  	v3 =	vmul.f32 v63, v3;
	v4 =	vadd.f32 v5, v4;
	v11 =	vmul.f32 $1.446131610e+01, v61  }
0x22c: {  	v13 =	vmul.u32 $0x2710, v7;
	v43 =	vtrunc.f32 v33;
	v7 =	vsub.f32 v0, v14  }
0x22d: {  	v2 =	vmul.f32 v2, v12;
	v3 =	vadd.f32 v4, v3;
	v15 =	vsub.f32 $2.000000000e+00, v11  }
0x22e: {  	v16 =	vmul.f32 $1.500000000e+01, v60;
	v1 =	vadd.s32 v1, v13;
	v46 =	vcvt.f32.s32 v43  }
0x22f: {  	v19 =	vadd.f32 $-6.666667010e-02, v7;
	v2 =	vadd.f32 v3, v2;
	v17 =	vmul.f32 $1.446131610e+01, v15  }
0x230: {  	v24 =	vand.u32 $0x7FFFFFFF, v7;
	v25 =	vadd.f32 $-1.333333400e-01, v7;
	v7 =	vadd.f32 $-2.666666810e-01, v7  }
0x231: {  	v18 =	vadd.s32 $0x2710, v1;
	v21 =	vadd.s32 $0x4E20, v1;
	v2 =	vmul.f32 v17, v2  }
0x232: {  	v6 =	vand.u32 $0x7FFFFFFF, v19;
	v27 =	vadd.f32 $-6.666667010e-02, v25;
	v29 =	vadd.f32 $-6.666667010e-02, v7  }
0x233: {  	v23 =	vld [tilespmem:s2+$0x15890];
	v26 =	vsub.f32 $6.766666470e-02, v24;
	v7 =	vand.u32 $0x7FFFFFFF, v7;
	v6 =	vsub.f32 $6.766666470e-02, v6;
	[tilespmem:s0+$0x1D8B0] =	vst v2  }
0x234: {  	v5 =	vtrunc.f32 v16;
	v7 =	vsub.f32 $6.766666470e-02, v7;
	v11 =	vand.u32 $0x7FFFFFFF, v25;
	v1 =	vld.idx.msk [tilespmem:v1+s5+$0x0], $0xffff  }
0x235: {  	v6 =	vmax.f32 v6, $0.0e+00;
	v11 =	vsub.f32 $6.766666470e-02, v11;
	v2 =	vmax.f32 v26, $0.0e+00  }
0x236: {  	v22 =	vcvt.f32.s32 v5;
	v10 =	vand.u32 $0x7FFFFFFF, v27;
	v28 =	vadd.f32 v6, v2  }
0x237: {  	v13 =	vand.u32 $0x7FFFFFFF, v29;
	v10 =	vsub.f32 $6.766666470e-02, v10;
	v11 =	vmax.f32 v11, $0.0e+00  }
0x238: {  	v5 =	vmul.f32 $1.000000000e+04, v23;
	v7 =	vmax.f32 v7, $0.0e+00;
	v4 =	vld.idx.msk [tilespmem:v18+s5+$0x0], $0xffff;
	v12 =	vadd.f32 v28, v11  }
0x239: {  	v3 =	vshra.s32 v22, $0x1;
	v10 =	vmax.f32 v10, $0.0e+00;
	v14 =	vshll.u32 v1, $0x10  }
0x23a: {  	vm13 =	vgt.s32 v3, $0x1;
	v12 =	vadd.f32 v12, v10;
	v2 =	vmul.f32 v14, v2  }
0x23b: {  	v13 =	vsub.f32 $6.766666470e-02, v13;
	v3 =	vnsel vm13, $0x1, v3;
	v1 =	vand.u32 $0xFFFF0000, v1  }
0x23c: {  	v8 =	vld.idx.msk [tilespmem:v21+s5+$0x0], $0xffff;
	v1 =	vmul.f32 v1, v6;
	v30 =	vadd.f32 v12, v7;
	v2 =	vadd.f32 $0.0e+00, v2  }
0x23d: {  	v13 =	vmax.f32 v13, $0.0e+00;
	v3 =	vmin.u32 v3, $0x6;
	v31 =	vshll.u32 v4, $0x10  }
0x23e: {  	v32 =	vmul.f32 v31, v11;
	v6 =	vadd.f32 v30, v13;
	v1 =	vadd.f32 v1, v2  }
0x23f: {  	v5 =	vtrunc.f32 v5;
	v3 =	vadd.s32 $0xFFFFFFFF, v3;
	v4 =	vand.u32 $0xFFFF0000, v4  }
0x240: {  	v34 =	vmul.f32 v4, v10;
	v35 =	vadd.f32 $9.999999970e-07, v6;
	v1 =	vadd.f32 v1, v32  }
0x241: {  	v5 =	vcvt.f32.s32 v5;
	v37 =	vcvt.s32.f32 v3;
	v36 =	vshll.u32 v8, $0x10  }
0x242: {  	v38 =	vmul.f32 v36, v7;
	v4 =	vmul.f32 $1.446131610e+01, v35;
	v1 =	vadd.f32 v1, v34  }
0x243: {  	v3 =	vmul.u32 $0x2710, v3;
	v40 =	vmul.f32 $1.333333400e-01, v37;
	v39 =	vand.u32 $0xFFFF0000, v8  }
0x244: {  	v41 =	vmul.f32 v39, v13;
	v4 =	vsub.f32 $2.000000000e+00, v4;
	v1 =	vadd.f32 v1, v38  }
0x245: {  	v3 =	vadd.s32 v5, v3;
	v45 =	vsub.f32 v60, v40  }
0x246: {  	v5 =	vshra.s32 v46, $0x1;
	v44 =	vmul.f32 $1.446131610e+01, v4;
	v1 =	vadd.f32 v1, v41  }
0x247: {  	vm14 =	vgt.s32 v5, $0x1;
	v47 =	vadd.f32 $-6.666667010e-02, v45  }
0x248: {  	v48 =	vadd.s32 $0x2710, v3;
	v5 =	vnsel vm14, $0x1, v5;
	v1 =	vmul.f32 v44, v1  }
0x249: {  	v49 =	vand.u32 $0x7FFFFFFF, v45;
	v9 =	vadd.f32 $-1.333333400e-01, v45;
	v2 =	vand.u32 $0x7FFFFFFF, v47  }
0x24a: {  	v5 =	vmin.u32 v5, $0x6;
	v50 =	vsub.f32 $6.766666470e-02, v49;
	v2 =	vsub.f32 $6.766666470e-02, v2;
	[tilespmem:s2+$0x1D880] =	vst v1  }
0x24b: {  	v5 =	vadd.s32 $0xFFFFFFFF, v5;
	v52 =	vadd.f32 $-6.666667010e-02, v9;
	v9 =	vand.u32 $0x7FFFFFFF, v9;
	v51 =	vld.idx.msk [tilespmem:v3+s5+$0x0], $0xffff  }
0x24c: {  	v9 =	vsub.f32 $6.766666470e-02, v9;
	v2 =	vmax.f32 v2, $0.0e+00;
	v1 =	vmax.f32 v50, $0.0e+00  }
0x24d: {  	v10 =	vand.u32 $0x7FFFFFFF, v52;
	v4 =	vadd.f32 $-2.666666810e-01, v45;
	v53 =	vadd.f32 v2, v1  }
0x24e: {  	v9 =	vmax.f32 v9, $0.0e+00;
	v10 =	vsub.f32 $6.766666470e-02, v10;
	v3 =	vadd.s32 $0x4E20, v3  }
0x24f: {  	v54 =	vadd.f32 $-6.666667010e-02, v4;
	v4 =	vand.u32 $0x7FFFFFFF, v4;
	v7 =	vld.idx.msk [tilespmem:v48+s5+$0x0], $0xffff;
	v11 =	vadd.f32 v53, v9  }
0x250: {  	v10 =	vmax.f32 v10, $0.0e+00;
	v4 =	vsub.f32 $6.766666470e-02, v4;
	v55 =	vshll.u32 v51, $0x10  }
0x251: {  	v42 =	vld [tilespmem:s2+$0x158A0];
	v12 =	vand.u32 $0x7FFFFFFF, v54;
	v11 =	vadd.f32 v11, v10;
	v1 =	vmul.f32 v55, v1  }
0x252: {  	v4 =	vmax.f32 v4, $0.0e+00;
	v12 =	vsub.f32 $6.766666470e-02, v12;
	v8 =	vand.u32 $0xFFFF0000, v51  }
0x253: {  	v3 =	vld.idx.msk [tilespmem:v3+s5+$0x0], $0xffff;
	v2 =	vmul.f32 v8, v2;
	v56 =	vadd.f32 v11, v4;
	v1 =	vadd.f32 $0.0e+00, v1  }
0x254: {  	v63 =	vcvt.s32.f32 v5;
	v12 =	vmax.f32 v12, $0.0e+00;
	v57 =	vshll.u32 v7, $0x10  }
0x255: {  	v58 =	vmul.f32 v57, v9;
	v8 =	vadd.f32 v56, v12;
	v1 =	vadd.f32 v2, v1  }
0x256: {  	v5 =	vmul.u32 $0x2710, v5;
	v6 =	vmul.f32 $1.000000000e+04, v42;
	v7 =	vand.u32 $0xFFFF0000, v7  }
0x257: {  	v61 =	vld [tilespmem:s2+$0x198B0];
	v59 =	vmul.f32 v7, v10;
	v60 =	vadd.f32 $9.999999970e-07, v8;
	v1 =	vadd.f32 v1, v58  }
0x258: {  	v13 =	vmul.f32 $1.333333400e-01, v63;
	v6 =	vtrunc.f32 v6;
	v62 =	vshll.u32 v3, $0x10  }
0x259: {  	v9 =	vmul.f32 v62, v4;
	v11 =	vmul.f32 $1.446131610e+01, v60;
	v1 =	vadd.f32 v1, v59  }
0x25a: {  	v0 =	vsub.f32 v20, v13;
	v6 =	vcvt.f32.s32 v6;
	v3 =	vand.u32 $0xFFFF0000, v3  }
0x25b: {  	v14 =	vmul.f32 v3, v12;
	v15 =	vsub.f32 $2.000000000e+00, v11;
	v1 =	vadd.f32 v1, v9  }
0x25c: {  	v17 =	vmul.f32 $1.500000000e+01, v61;
	v23 =	vadd.f32 $-1.333333400e-01, v0  }
0x25d: {  	v5 =	vadd.s32 v6, v5;
	v18 =	vmul.f32 $1.446131610e+01, v15;
	v1 =	vadd.f32 v1, v14  }
0x25e: {  	v20 =	vadd.f32 $-6.666667010e-02, v0;
	v22 =	vand.u32 $0x7FFFFFFF, v0;
	v0 =	vadd.f32 $-2.666666810e-01, v0  }
0x25f: {  	v24 =	vsub.f32 $6.766666470e-02, v22;
	v25 =	vadd.f32 $-6.666667010e-02, v23;
	v1 =	vmul.f32 v18, v1  }
0x260: {  	v27 =	vadd.f32 $-6.666667010e-02, v0;
	v0 =	vand.u32 $0x7FFFFFFF, v0;
	v2 =	vand.u32 $0x7FFFFFFF, v20  }
0x261: {  	v6 =	vtrunc.f32 v17;
	v19 =	vadd.s32 $0x2710, v5;
	v2 =	vsub.f32 $6.766666470e-02, v2;
	[tilespmem:s2+$0x1D890] =	vst v1  }
0x262: {  	v21 =	vadd.s32 $0x4E20, v5;
	v6 =	vcvt.f32.s32 v6;
	v10 =	vand.u32 $0x7FFFFFFF, v23;
	v5 =	vld.idx.msk [tilespmem:v5+s5+$0x0], $0xffff  }
0x263: {  	v10 =	vsub.f32 $6.766666470e-02, v10;
	v2 =	vmax.f32 v2, $0.0e+00;
	v1 =	vmax.f32 v24, $0.0e+00  }
0x264: {  	v0 =	vsub.f32 $6.766666470e-02, v0;
	v9 =	vand.u32 $0x7FFFFFFF, v25;
	v26 =	vadd.f32 v2, v1  }
0x265: {  	v6 =	vshra.s32 v6, $0x1;
	v10 =	vmax.f32 v10, $0.0e+00;
	v9 =	vsub.f32 $6.766666470e-02, v9  }
0x266: {  	v0 =	vmax.f32 v0, $0.0e+00;
	vm15 =	vgt.s32 v6, $0x1;
	v3 =	vld.idx.msk [tilespmem:v19+s5+$0x0], $0xffff;
	v11 =	vadd.f32 v26, v10  }
0x267: {  	v6 =	vnsel vm15, $0x1, v6;
	v9 =	vmax.f32 v9, $0.0e+00;
	v28 =	vshll.u32 v5, $0x10  }
0x268: {  	v16 =	vld [tilespmem:s2+$0x158B0];
	v12 =	vand.u32 $0x7FFFFFFF, v27;
	v11 =	vadd.f32 v11, v9;
	v1 =	vmul.f32 v28, v1  }
0x269: {  	v6 =	vmin.u32 v6, $0x6;
	v12 =	vsub.f32 $6.766666470e-02, v12;
	v5 =	vand.u32 $0xFFFF0000, v5  }
0x26a: {  	v7 =	vld.idx.msk [tilespmem:v21+s5+$0x0], $0xffff;
	v2 =	vmul.f32 v5, v2;
	v29 =	vadd.f32 v11, v0;
	v1 =	vadd.f32 $0.0e+00, v1  }
0x26b: {  	v6 =	vadd.s32 $0xFFFFFFFF, v6;
	v12 =	vmax.f32 v12, $0.0e+00;
	v30 =	vshll.u32 v3, $0x10  }
0x26c: {  	v31 =	vmul.f32 v30, v10;
	v5 =	vadd.f32 v29, v12;
	v1 =	vadd.f32 v2, v1  }
0x26d: {  	v35 =	vcvt.s32.f32 v6;
	v4 =	vmul.f32 $1.000000000e+04, v16;
	v3 =	vand.u32 $0xFFFF0000, v3  }
0x26e: {  	v32 =	vmul.f32 v3, v9;
	v33 =	vadd.f32 $9.999999970e-07, v5;
	v1 =	vadd.f32 v1, v31  }
0x26f: {  	v38 =	vmul.u32 $0x2710, v6;
	v4 =	vtrunc.f32 v4;
	v34 =	vshll.u32 v7, $0x10  }
0x270: {  	v0 =	vmul.f32 v34, v0;
	v36 =	vmul.f32 $1.446131610e+01, v33;
	v1 =	vadd.f32 v1, v32  }
0x271: {  	v39 =	vmul.f32 $1.333333400e-01, v35;
	v4 =	vcvt.f32.s32 v4;
	v37 =	vand.u32 $0xFFFF0000, v7  }
0x272: {  	v40 =	vmul.f32 v37, v12;
	v2 =	vsub.f32 $2.000000000e+00, v36;
	v0 =	vadd.f32 v1, v0  }
0x273: {  	v41 =	vsub.f32 v61, v39  }
0x274: {  	v4 =	vadd.s32 v4, v38;
	v42 =	vmul.f32 $1.446131610e+01, v2;
	v0 =	vadd.f32 v0, v40  }
0x275: {  	v43 =	vadd.f32 $-6.666667010e-02, v41  }
0x276: {  	v0 =	vmul.f32 v42, v0  }
0x277: {  	v44 =	vand.u32 $0x7FFFFFFF, v41;
	v45 =	vadd.f32 $-1.333333400e-01, v41;
	v2 =	vand.u32 $0x7FFFFFFF, v43  }
0x278: {  	v47 =	vsub.f32 $6.766666470e-02, v44;
	v46 =	vadd.s32 $0x2710, v4;
	v48 =	vsub.f32 $6.766666470e-02, v2;
	[tilespmem:s2+$0x1D8A0] =	vst v0  }
0x279: {  	v50 =	vadd.f32 $-6.666667010e-02, v45;
	v5 =	vand.u32 $0x7FFFFFFF, v45;
	v49 =	vld.idx.msk [tilespmem:v4+s5+$0x0], $0xffff  }
0x27a: {  	v5 =	vsub.f32 $6.766666470e-02, v5;
	v1 =	vmax.f32 v48, $0.0e+00;
	v0 =	vmax.f32 v47, $0.0e+00  }
0x27b: {  	v7 =	vand.u32 $0x7FFFFFFF, v50;
	v3 =	vadd.f32 $-2.666666810e-01, v41;
	v51 =	vadd.f32 v1, v0  }
0x27c: {  	v7 =	vsub.f32 $6.766666470e-02, v7;
	v5 =	vmax.f32 v5, $0.0e+00;
	v4 =	vadd.s32 $0x4E20, v4  }
0x27d: {  	v52 =	vadd.f32 $-6.666667010e-02, v3;
	v3 =	vand.u32 $0x7FFFFFFF, v3;
	v6 =	vld.idx.msk [tilespmem:v46+s5+$0x0], $0xffff;
	v8 =	vadd.f32 v51, v5  }
0x27e: {  	v7 =	vmax.f32 v7, $0.0e+00;
	v3 =	vsub.f32 $6.766666470e-02, v3;
	v53 =	vshll.u32 v49, $0x10  }
0x27f: {  	v9 =	vand.u32 $0x7FFFFFFF, v52;
	v8 =	vadd.f32 v8, v7;
	v0 =	vmul.f32 v53, v0  }
0x280: {  	v3 =	vmax.f32 v3, $0.0e+00;
	v9 =	vsub.f32 $6.766666470e-02, v9;
	v2 =	vand.u32 $0xFFFF0000, v49  }
0x281: {  	v4 =	vld.idx.msk [tilespmem:v4+s5+$0x0], $0xffff;
	v1 =	vmul.f32 v2, v1;
	v54 =	vadd.f32 v8, v3;
	v0 =	vadd.f32 $0.0e+00, v0  }
0x282: {  	v9 =	vmax.f32 v9, $0.0e+00;
	v55 =	vshll.u32 v6, $0x10  }
0x283: {  	v56 =	vmul.f32 v55, v5;
	v2 =	vadd.f32 v54, v9;
	v0 =	vadd.f32 v1, v0  }
0x284: {  	v57 =	vand.u32 $0xFFFF0000, v6  }
0x285: {  	v58 =	vmul.f32 v57, v7;
	v2 =	vadd.f32 $9.999999970e-07, v2;
	v0 =	vadd.f32 v0, v56  }
0x286: {  	v59 =	vshll.u32 v4, $0x10  }
0x287: {  	v60 =	vmul.f32 v59, v3;
	v2 =	vmul.f32 $1.446131610e+01, v2;
	v0 =	vadd.f32 v0, v58  }
0x288: {  	v61 =	vand.u32 $0xFFFF0000, v4  }
0x289: {  	v62 =	vmul.f32 v61, v9;
	v2 =	vsub.f32 $2.000000000e+00, v2;
	v0 =	vadd.f32 v0, v60  }
0x28a: {  	s28 =	sadd.s32 $0x1, s28  }
0x28b: {  	p0 =	sne.s32 s28, $0x4;
	v63 =	vmul.f32 $1.446131610e+01, v2;
	v0 =	vadd.f32 v0, v62  }
.Ltmp2:
0x28c: {  	_ = 	snop;
	(pc) =	sbr.rel @p0 .LBB2_2-.Ltmp2, $3  }
0x28d: {  	v0 =	vmul.f32 v63, v0;
	_ =	sdelay $0x1  }
0x28e: {  	s31 =	sadd.s32 s4, s29;
	[tilespmem:s2+$0x1D8B0] =	vst v0  }
0x28f: {  	[hbm4b:s31+s5] =	stream.linear.scatter [tilespmem:s23], [sflag:$0x6], $0x2000, $0x38;
	[tilespmem:$0x1F880] =	vst v63  }
0x290: {  	s26 =	sadd.s32 $0x1, s26  }
0x291: {  	_ =	swait.ge [sflag:s24], $0x2000;
	p0 =	sne.s32 s26, s12  }
.Ltmp3:
0x292: {  	[sflag:s24] =	ssyncset.done $0x0;
	(pc) =	sbr.rel @p0 .LBB2_1-.Ltmp3, $4  }
0x293: {  	[sflag:s24] =	ssyncadd.s32 $0xFFFFE000  }
0x294: {  	_ =	swait.ge [sflag:s25], $0x2000  }
0x295: {  	[sflag:s25] =	ssyncset.done $0x0  }
0x296: {  	[sflag:s25] =	ssyncadd.s32 $0xFFFFE000  }
0x297: {  	_ =	sfence.sel $0x180000  }
0x298: {  	[bflag:$0x0] =	sbarrier.arrive $0xFFFF  }
0x299: {  	_ =	strace $0x90000047  }
0x29a: {  	s0 =	stileid.u32;
	[bflag:$0x2] =	sbarrier.arrive $0xFFFF  }
0x29b: {  	p0 =	sne.s32 s0, $0x0;
	s0 =	rddreg [dreg:$0x4]  }
0x29c: {  	s0 =	sadd.s32 @!p0 $0x100000, s0  }
0x29d: {  	[sflag:s0] =	ssyncadd.tile.s32 @!p0 $0x1;
	_ =	shalt  }
.Lfunc_end2:
_tile_overlayer_lowered:
.L_overlay_start_2:
0x29e: {  	(tag) =	ssettag $0x2  }
0x29f: {  	s0 =	rddreg [dreg:$0x0];
	s2 =	stileid.u32  }
0x2a0: {  	s1 =	rddreg [dreg:$0x1];
	p0 =	sne.s32 s2, $0x0  }
0x2a1: {  	s3 =	rddreg [dreg:$0x2];
	[bflag:$0x3] =	sbarrier.arrive $0xFFFF;
	s2 =	simm.s32 @!p0 $0x1C07  }
0x2a2: {  	[timem:s3], [sflag:s2] =	dma.local @!p0 [hbm:s0], s1  }
0x2a3: {  	s0 =	simm.s32 @!p0 $0x7  }
0x2a4: {  	_ =	swait.ge @!p0 [sflag:s0], s1  }
0x2a5: {  	s1 =	ssub.s32 @!p0 $0x0, s1;
	[sflag:s0] =	ssyncset.done @!p0 $0x0  }
0x2a6: {  	[sflag:s0] =	ssyncadd.s32 @!p0 s1  }
0x2a7: {  	[bflag:$0x3] =	sbarrier.arrive $0xFFFF  }
0x2a8: {  	_ =	shalt  }

</sc_bundles>
